<compile_context>
chip_gen: v7x
topology: tpu7x:2x2x1
jax: 0.10.2.dev20260603
libtpu: 0.0.44.dev20260713+nightly
codegen_flags: <defaults>
</compile_context>

<pallas_src>
import jax
import jax.numpy as jnp
from jax import lax
from jax.experimental import pallas as pl
from jax.experimental.pallas import tpu as pltpu
from jax.experimental.pallas import tpu_sc as plsc

_L = 16
_B = 4
_C = 192
_P = 224 * 224
_NTILES = 32
_TPB = _NTILES // _B
_CSC = 32
_CPT = _CSC // _TPB
_Q = 3584
_NCHUNK = _P // _Q
_NVEC = _Q // _L
_CTC = _C - _CSC
_CB = 32


def _sc_body(x_hbm, t_hbm, n_out, s_out, q_out, t_buf, x_buf, n_acc, s_acc,
             sq_acc, stage, sem_t0, sem_x0, sem_t1, sem_x1):
    cid = lax.axis_index("c")
    sid = lax.axis_index("s")
    wid = cid * 16 + sid
    b = wid // _TPB
    k8 = wid % _TPB
    c0 = pl.multiple_of(k8 * _CPT, _CPT)

    zeros = jnp.zeros((_L,), jnp.float32)
    ones = jnp.ones((_L,), jnp.float32)
    lane = lax.iota(jnp.int32, _L)

    def init_body(k, carry):
        o = pl.multiple_of(k * _L, _L)
        n_acc[pl.ds(o, _L)] = zeros
        return carry

    lax.fori_loop(0, _L, init_body, 0)

    def init_body2(k, carry):
        o = pl.multiple_of(k * _L, _L)
        s_acc[pl.ds(o, _L)] = zeros
        sq_acc[pl.ds(o, _L)] = zeros
        return carry

    lax.fori_loop(0, _L * _CPT, init_body2, 0)

    sem_t = (sem_t0, sem_t1)
    sem_x = (sem_x0, sem_x1)

    def start_chunk(j, slot):
        p0 = pl.multiple_of(j * _Q, _Q)
        t0 = pl.multiple_of(b * _P + j * _Q, _Q)
        pltpu.async_copy(t_hbm.at[pl.ds(t0, _Q)], t_buf.at[slot], sem_t[slot])
        pltpu.async_copy(
            x_hbm.at[b, pl.ds(c0, _CPT), pl.ds(p0, _Q)], x_buf.at[slot],
            sem_x[slot])

    def wait_chunk(slot):
        pltpu.make_async_copy(
            t_hbm.at[pl.ds(0, _Q)], t_buf.at[slot], sem_t[slot]).wait()
        pltpu.make_async_copy(
            x_hbm.at[b, pl.ds(0, _CPT), pl.ds(0, _Q)], x_buf.at[slot],
            sem_x[slot]).wait()

    def compute_chunk(slot):
        def vec_body(v, carry2):
            off = pl.multiple_of(v * (2 * _L), 2 * _L)
            tbs = []
            for h in range(2):
                t_vec = t_buf[slot, pl.ds(off + h * _L, _L)]
                tbs.append(t_vec * _L + lane)
            for h in range(2):
                plsc.addupdate_scatter(n_acc, [tbs[h]], ones)
            for h in range(2):
                xs = [x_buf[slot, u, pl.ds(off + h * _L, _L)]
                      for u in range(_CPT)]
                for u in range(_CPT):
                    blk_s = s_acc.at[pl.ds(u * _L * _L, _L * _L)]
                    blk_q = sq_acc.at[pl.ds(u * _L * _L, _L * _L)]
                    plsc.addupdate_scatter(blk_s, [tbs[h]], xs[u])
                    plsc.addupdate_scatter(blk_q, [tbs[h]], xs[u] * xs[u])
            return carry2

        lax.fori_loop(0, _NVEC // 2, vec_body, 0)

    start_chunk(0, 0)

    def pair_body(g, carry):
        base = g * 2
        start_chunk(base + 1, 1)
        wait_chunk(0)
        compute_chunk(0)

        @pl.when(base + 2 < _NCHUNK)
        def _():
            start_chunk(base + 2, 0)

        wait_chunk(1)
        compute_chunk(1)
        return carry

    lax.fori_loop(0, _NCHUNK // 2, pair_body, 0)

    def bank_sum(ref, base):
        col = base + lane * _L
        tot = zeros
        for k in range(_L):
            tot = tot + plsc.load_gather(ref, [col + k])
        return tot

    @pl.when(k8 == 0)
    def _():
        stage[...] = bank_sum(n_acc, 0)
        pltpu.sync_copy(stage, n_out.at[pl.ds(b * _L, _L)])

    for c in range(_CPT):
        stage[...] = bank_sum(s_acc, c * _L * _L)
        pltpu.sync_copy(
            stage, s_out.at[pl.ds((b * _CSC + c0 + c) * _L, _L)])
        stage[...] = bank_sum(sq_acc, c * _L * _L)
        pltpu.sync_copy(
            stage, q_out.at[pl.ds((b * _CSC + c0 + c) * _L, _L)])


def _tc_body(x_ref, t_ref, s_ref, q_ref):
    dn = (((1,), (1,)), ((), ()))
    X = x_ref[0]
    tv = t_ref[0]
    oh = (lax.broadcasted_iota(jnp.int32, (_L, _P), 0)
          == jnp.broadcast_to(tv, (_L, _P))).astype(jnp.float32)
    s = lax.dot_general(X, oh, dn, preferred_element_type=jnp.float32)
    q = lax.dot_general(X * X, oh, dn, preferred_element_type=jnp.float32)
    s_ref[...] = s[None]
    q_ref[...] = q[None]


def _fin_body(n_ref, ssc_ref, qsc_ref, stc_ref, qtc_ref, o_ref):
    n = n_ref[...]
    labels = lax.broadcasted_iota(jnp.int32, (_B, _L), 1)
    safe_n = jnp.maximum(n, 1.0)
    denom = jnp.maximum(n - 1.0, 1.0)
    valid = (labels != 0) & (n > 1.0)

    def var_sum(s, q):
        mean = s / safe_n[:, None, :]
        var = (q - n[:, None, :] * mean * mean) / denom[:, None, :]
        var = jnp.where(valid[:, None, :], var, 0.0)
        return jnp.sum(var, axis=(1, 2))

    sv = (var_sum(ssc_ref[...], qsc_ref[...])
          + var_sum(stc_ref[...], qtc_ref[...]))
    nu = jnp.sum(((labels != 0) & (n > 0.0)).astype(jnp.float32), axis=1)
    per = sv / (nu + 1e-8)
    o_ref[...] = jnp.mean(per).reshape(1, 1)


def kernel(input, target):
    x = input.reshape(_B, _C, _P)
    tf = target.reshape(_B * _P)
    t3 = target.reshape(_B, 1, _P)

    mesh = plsc.VectorSubcoreMesh(core_axis_name="c", subcore_axis_name="s")
    sc_run = pl.kernel(
        _sc_body,
        out_type=[
            jax.ShapeDtypeStruct((_B * _L,), jnp.float32),
            jax.ShapeDtypeStruct((_B * _CSC * _L,), jnp.float32),
            jax.ShapeDtypeStruct((_B * _CSC * _L,), jnp.float32),
        ],
        mesh=mesh,
        compiler_params=pltpu.CompilerParams(needs_layout_passes=False),
        scratch_types=[
            pltpu.VMEM((2, _Q), jnp.int32),
            pltpu.VMEM((2, _CPT, _Q), jnp.float32),
            pltpu.VMEM((_L * _L,), jnp.float32),
            pltpu.VMEM((_CPT * _L * _L,), jnp.float32),
            pltpu.VMEM((_CPT * _L * _L,), jnp.float32),
            pltpu.VMEM((_L,), jnp.float32),
            pltpu.SemaphoreType.DMA,
            pltpu.SemaphoreType.DMA,
            pltpu.SemaphoreType.DMA,
            pltpu.SemaphoreType.DMA,
        ],
    )
    n_f, s_f, q_f = sc_run(x, tf)

    s_tc, q_tc = pl.pallas_call(
        _tc_body,
        grid=(_B, _CTC // _CB),
        in_specs=[
            pl.BlockSpec((1, _CB, _P), lambda b, c: (b, c + 1, 0)),
            pl.BlockSpec((1, 1, _P), lambda b, c: (b, 0, 0)),
        ],
        out_specs=[
            pl.BlockSpec((1, _CB, _L), lambda b, c: (b, c, 0)),
            pl.BlockSpec((1, _CB, _L), lambda b, c: (b, c, 0)),
        ],
        out_shape=[
            jax.ShapeDtypeStruct((_B, _CTC, _L), jnp.float32),
            jax.ShapeDtypeStruct((_B, _CTC, _L), jnp.float32),
        ],
        compiler_params=pltpu.CompilerParams(
            dimension_semantics=("parallel", "parallel")),
    )(x, t3)

    out = pl.pallas_call(
        _fin_body,
        out_shape=jax.ShapeDtypeStruct((1, 1), jnp.float32),
    )(n_f.reshape(_B, _L), s_f.reshape(_B, _CSC, _L),
      q_f.reshape(_B, _CSC, _L), s_tc, q_tc)
    return out[0, 0]

# --- scband reference (transcript-rebuilt; emitter-appended) ---
"""Pipeline reference for scband-loss-variance-3075196584102 (READ-ONLY COPY).

The authoritative reference and input builder live on the scoring server;
editing this copy changes nothing except your own understanding.
"""

import jax, jax.numpy as jnp
import numpy as np

NUM_LABELS = 16

def setup_inputs(seed: int = 0) -> dict:
    key = jax.random.key(seed)
    k1, k2 = jax.random.split(key)
    inp = jax.random.normal(k1, (4, 192, 224, 224), dtype=jnp.float32)
    target = jax.random.randint(k2, (4, 224, 224), 0, NUM_LABELS, dtype=jnp.int32)
    return {"input": inp, "target": target}

def _per_batch(x, t):
    # x: [C, H, W], t: [H, W] integer instance labels (0 = background/ignored)
    C = x.shape[0]
    xf = x.reshape(C, -1).T            # [P, C]
    tf = t.reshape(-1)                 # [P]
    ones = jnp.ones(tf.shape, dtype=x.dtype)
    n = jax.ops.segment_sum(ones, tf, num_segments=NUM_LABELS)          # [K]
    s = jax.ops.segment_sum(xf, tf, num_segments=NUM_LABELS)            # [K, C]
    sq = jax.ops.segment_sum(xf * xf, tf, num_segments=NUM_LABELS)      # [K, C]
    n_col = n[:, None]
    safe_n = jnp.maximum(n_col, 1.0)
    mean = s / safe_n
    # unbiased variance (torch.var default, correction=1): (sumsq - n*mean^2)/(n-1)
    denom = jnp.maximum(n_col - 1.0, 1.0)
    var = (sq - n_col * mean * mean) / denom
    labels = jnp.arange(NUM_LABELS)
    # only segments with label != 0 and more than one pixel contribute variance
    valid = (labels != 0) & (n > 1.0)
    sum_var = jnp.sum(jnp.where(valid[:, None], var, 0.0))
    # number of unique nonzero labels present in this image
    num_unique = jnp.sum(((labels != 0) & (n > 0.0)).astype(x.dtype))
    return sum_var / (num_unique + 1e-8)

def reference(input, target):
    per_image = jax.vmap(_per_batch)(input, target)   # [B]
    return jnp.mean(per_image)

if __name__ == "__main__":
    import jax
    _d = setup_inputs()
    print(jax.jit(kernel)(*tuple(_d.values())))

</pallas_src>

<mosaic_0001>
#map = affine_map<(d0, d1) -> (0, 0, 0)>
#map1 = affine_map<(d0, d1) -> (0)>
module attributes {stable_mosaic.version = 14 : i64} {
  func.func @_sc_body(%arg0: i32, %arg1: i32, %arg2: memref<4x192x50176xf32, #tpu.memory_space<hbm>>, %arg3: memref<200704xi32, #tpu.memory_space<hbm>>, %arg4: memref<64xf32, #tpu.memory_space<hbm>>, %arg5: memref<2048xf32, #tpu.memory_space<hbm>>, %arg6: memref<2048xf32, #tpu.memory_space<hbm>>, %arg7: memref<2x3584xi32, #tpu.memory_space<vmem>>, %arg8: memref<2x4x3584xf32, #tpu.memory_space<vmem>>, %arg9: memref<256xf32, #tpu.memory_space<vmem>>, %arg10: memref<1024xf32, #tpu.memory_space<vmem>>, %arg11: memref<1024xf32, #tpu.memory_space<vmem>>, %arg12: memref<16xf32, #tpu.memory_space<vmem>>, %arg13: memref<!tpu.dma_semaphore, #tpu.memory_space<semaphore_mem>>, %arg14: memref<!tpu.dma_semaphore, #tpu.memory_space<semaphore_mem>>, %arg15: memref<!tpu.dma_semaphore, #tpu.memory_space<semaphore_mem>>, %arg16: memref<!tpu.dma_semaphore, #tpu.memory_space<semaphore_mem>>) attributes {dimension_semantics = [#tpu.dimension_semantics<core_parallel>, #tpu.dimension_semantics<subcore_parallel>], iteration_bounds = array<i64: 2, 16>, scalar_prefetch = 0 : i64, scratch_operands = 10 : i64, tpu.core_type = #tpu.core_type<sc_vector_subcore>, window_params = [{transform_indices = #map}, {transform_indices = #map1}, {transform_indices = #map1}, {transform_indices = #map1}, {transform_indices = #map1}]} {
    %mul3A = arith.constant 16 : i32
    %mul3A_0 = arith.muli %arg0, %mul3A : i32
    %add3A = arith.addi %mul3A_0, %arg1 : i32
    %jit3A = arith.constant 8 : i32
    %div3A = arith.divsi %add3A, %jit3A : i32
    %sign3A = arith.constant 0 : i32
    %sign3A_1 = arith.cmpi sgt, %add3A, %sign3A : i32
    %sign3A_2 = arith.extui %sign3A_1 : i1 to i32
    %sign3A_3 = arith.constant 0 : i32
    %sign3A_4 = arith.cmpi slt, %add3A, %sign3A_3 : i32
    %sign3A_5 = arith.extui %sign3A_4 : i1 to i32
    %sign3A_6 = arith.subi %sign3A_2, %sign3A_5 : i32
    %sign3A_7 = arith.constant 0 : i32
    %sign3A_8 = arith.cmpi sgt, %jit3A, %sign3A_7 : i32
    %sign3A_9 = arith.extui %sign3A_8 : i1 to i32
    %sign3A_10 = arith.constant 0 : i32
    %sign3A_11 = arith.cmpi slt, %jit3A, %sign3A_10 : i32
    %sign3A_12 = arith.extui %sign3A_11 : i1 to i32
    %sign3A_13 = arith.subi %sign3A_9, %sign3A_12 : i32
    %ne3A = arith.cmpi ne, %sign3A_6, %sign3A_13 : i32
    %rem3A = arith.remsi %add3A, %jit3A : i32
    %ne3A_14 = arith.constant 0 : i32
    %ne3A_15 = arith.cmpi ne, %rem3A, %ne3A_14 : i32
    %and3A = arith.andi %ne3A, %ne3A_15 : i1
    %sub3A = arith.constant 1 : i32
    %sub3A_16 = arith.subi %div3A, %sub3A : i32
    %select_n3A = arith.select %and3A, %sub3A_16, %div3A : i32
    %jit3A_17 = arith.constant 8 : i32
    %eq3A = arith.constant 0 : i32
    %eq3A_18 = arith.cmpi eq, %jit3A_17, %eq3A : i32
    %jit3A_19 = arith.constant 1 : i32
    %select_n3A_20 = arith.select %eq3A_18, %jit3A_19, %jit3A_17 : i32
    %rem3A_21 = arith.remsi %add3A, %select_n3A_20 : i32
    %ne3A_22 = arith.constant 0 : i32
    %ne3A_23 = arith.cmpi ne, %rem3A_21, %ne3A_22 : i32
    %lt3A = arith.constant 0 : i32
    %lt3A_24 = arith.cmpi slt, %rem3A_21, %lt3A : i32
    %lt3A_25 = arith.constant 0 : i32
    %lt3A_26 = arith.cmpi slt, %select_n3A_20, %lt3A_25 : i32
    %ne3A_27 = arith.xori %lt3A_24, %lt3A_26 : i1
    %and3A_28 = arith.andi %ne3A_27, %ne3A_23 : i1
    %add3A_29 = arith.addi %rem3A_21, %select_n3A_20 : i32
    %select_n3A_30 = arith.select %and3A_28, %add3A_29, %rem3A_21 : i32
    %mul3A_31 = arith.constant 4 : i32
    %mul3A_32 = arith.muli %select_n3A_30, %mul3A_31 : i32
    %multiple_of3A = tpu.assume_multiple %mul3A_32, 4 : i32
    %broadcast_in_dim3A = arith.constant 0.000000e+00 : f32
    %broadcast_in_dim3A_33 = vector.broadcast %broadcast_in_dim3A : f32 to vector<16xf32>
    %broadcast_in_dim3A_34 = arith.constant 1.000000e+00 : f32
    %broadcast_in_dim3A_35 = vector.broadcast %broadcast_in_dim3A_34 : f32 to vector<16xf32>
    %iota3A = tpu.iota {dimensions = array<i32: 0>} : vector<16xi32>
    %scan3A = arith.constant 0 : i32
    %scan3A_36 = arith.constant 0 : i32
    %scan3A_37 = arith.constant 16 : i32
    %scan3A_38 = arith.addi %scan3A_36, %scan3A_37 : i32
    %scan3A_39 = arith.constant 1 : i32
    scf.for %scan3A_842 = %scan3A_36 to %scan3A_38 step %scan3A_39  : i32 {
      %mul3A_843 = arith.constant 16 : i32
      %mul3A_844 = arith.muli %scan3A_842, %mul3A_843 : i32
      %multiple_of3A_845 = tpu.assume_multiple %mul3A_844, 16 : i32
      %swap3A_846 = arith.index_cast %multiple_of3A_845 : i32 to index
      %swap3A_847 = tpu.vector_load %arg9[%swap3A_846] {strides = array<i32>} : memref<256xf32, #tpu.memory_space<vmem>>, vector<16xf32>,
      tpu.vector_store %arg9[%swap3A_846], %broadcast_in_dim3A_33 {strides = array<i32>} : memref<256xf32, #tpu.memory_space<vmem>>, vector<16xf32>,
    }
    %scan3A_40 = arith.constant 16 : i32
    %scan3A_41 = arith.constant 0 : i32
    %scan3A_42 = arith.constant 0 : i32
    %scan3A_43 = arith.constant 64 : i32
    %scan3A_44 = arith.addi %scan3A_42, %scan3A_43 : i32
    %scan3A_45 = arith.constant 1 : i32
    scf.for %scan3A_842 = %scan3A_42 to %scan3A_44 step %scan3A_45  : i32 {
      %mul3A_843 = arith.constant 16 : i32
      %mul3A_844 = arith.muli %scan3A_842, %mul3A_843 : i32
      %multiple_of3A_845 = tpu.assume_multiple %mul3A_844, 16 : i32
      %swap3A_846 = arith.index_cast %multiple_of3A_845 : i32 to index
      %swap3A_847 = tpu.vector_load %arg10[%swap3A_846] {strides = array<i32>} : memref<1024xf32, #tpu.memory_space<vmem>>, vector<16xf32>,
      tpu.vector_store %arg10[%swap3A_846], %broadcast_in_dim3A_33 {strides = array<i32>} : memref<1024xf32, #tpu.memory_space<vmem>>, vector<16xf32>,
      %swap3A_848 = arith.index_cast %multiple_of3A_845 : i32 to index
      %swap3A_849 = tpu.vector_load %arg11[%swap3A_848] {strides = array<i32>} : memref<1024xf32, #tpu.memory_space<vmem>>, vector<16xf32>,
      tpu.vector_store %arg11[%swap3A_848], %broadcast_in_dim3A_33 {strides = array<i32>} : memref<1024xf32, #tpu.memory_space<vmem>>, vector<16xf32>,
    }
    %scan3A_46 = arith.constant 64 : i32
    %multiple_of3A_47 = arith.constant 0 : i32
    %multiple_of3A_48 = tpu.assume_multiple %multiple_of3A_47, 3584 : i32
    %mul3A_49 = arith.constant 50176 : i32
    %mul3A_50 = arith.muli %select_n3A, %mul3A_49 : i32
    %add3A_51 = arith.constant 0 : i32
    %add3A_52 = arith.addi %mul3A_50, %add3A_51 : i32
    %multiple_of3A_53 = tpu.assume_multiple %add3A_52, 3584 : i32
    %dma_start3A = arith.constant 0 : i32
    %dma_start3A_54 = arith.constant 0 : i32
    %dma_start3A_55 = tpu.memref_slice %arg7[%dma_start3A, %dma_start3A_54] : memref<2x3584xi32, #tpu.memory_space<vmem>> -> memref<1x3584xi32, #tpu.memory_space<vmem>>
    %dma_start3A_56 = tpu.memref_squeeze %dma_start3A_55 : memref<1x3584xi32, #tpu.memory_space<vmem>> -> memref<3584xi32, #tpu.memory_space<vmem>>
    %dma_start3A_57 = tpu.memref_slice %arg3[%multiple_of3A_53] : memref<200704xi32, #tpu.memory_space<hbm>> -> memref<3584xi32, #tpu.memory_space<hbm>>
    %dma_start3A_58 = arith.constant 0 : i32
    %dma_start3A_59 = tpu.memref_slice %arg7[%dma_start3A, %dma_start3A_58] : memref<2x3584xi32, #tpu.memory_space<vmem>> -> memref<1x3584xi32, #tpu.memory_space<vmem>>
    %dma_start3A_60 = tpu.memref_squeeze %dma_start3A_59 : memref<1x3584xi32, #tpu.memory_space<vmem>> -> memref<3584xi32, #tpu.memory_space<vmem>>
    %dma_start3A_61 = tpu.memref_slice %arg3[%multiple_of3A_53] : memref<200704xi32, #tpu.memory_space<hbm>> -> memref<3584xi32, #tpu.memory_space<hbm>>
    tpu.enqueue_dma source(%dma_start3A_61 : memref<3584xi32, #tpu.memory_space<hbm>>) target(%dma_start3A_60 : memref<3584xi32, #tpu.memory_space<vmem>>) target_semaphore(%arg13 : memref<!tpu.dma_semaphore, #tpu.memory_space<semaphore_mem>>)
    %dma_start3A_62 = arith.constant 0 : i32
    %dma_start3A_63 = arith.constant 0 : i32
    %dma_start3A_64 = arith.constant 0 : i32
    %dma_start3A_65 = tpu.memref_slice %arg8[%dma_start3A_62, %dma_start3A_63, %dma_start3A_64] : memref<2x4x3584xf32, #tpu.memory_space<vmem>> -> memref<1x4x3584xf32, #tpu.memory_space<vmem>>
    %dma_start3A_66 = tpu.memref_squeeze %dma_start3A_65 : memref<1x4x3584xf32, #tpu.memory_space<vmem>> -> memref<4x3584xf32, #tpu.memory_space<vmem>>
    %dma_start3A_67 = tpu.memref_slice %arg2[%select_n3A, %multiple_of3A, %multiple_of3A_48] : memref<4x192x50176xf32, #tpu.memory_space<hbm>> -> memref<1x4x3584xf32, #tpu.memory_space<hbm>>
    %dma_start3A_68 = tpu.memref_squeeze %dma_start3A_67 : memref<1x4x3584xf32, #tpu.memory_space<hbm>> -> memref<4x3584xf32, #tpu.memory_space<hbm>>
    %dma_start3A_69 = arith.constant 0 : i32
    %dma_start3A_70 = arith.constant 0 : i32
    %dma_start3A_71 = tpu.memref_slice %arg8[%dma_start3A_62, %dma_start3A_69, %dma_start3A_70] : memref<2x4x3584xf32, #tpu.memory_space<vmem>> -> memref<1x4x3584xf32, #tpu.memory_space<vmem>>
    %dma_start3A_72 = tpu.memref_squeeze %dma_start3A_71 : memref<1x4x3584xf32, #tpu.memory_space<vmem>> -> memref<4x3584xf32, #tpu.memory_space<vmem>>
    %dma_start3A_73 = tpu.memref_slice %arg2[%select_n3A, %multiple_of3A, %multiple_of3A_48] : memref<4x192x50176xf32, #tpu.memory_space<hbm>> -> memref<1x4x3584xf32, #tpu.memory_space<hbm>>
    %dma_start3A_74 = tpu.memref_squeeze %dma_start3A_73 : memref<1x4x3584xf32, #tpu.memory_space<hbm>> -> memref<4x3584xf32, #tpu.memory_space<hbm>>
    tpu.enqueue_dma source(%dma_start3A_74 : memref<4x3584xf32, #tpu.memory_space<hbm>>) target(%dma_start3A_72 : memref<4x3584xf32, #tpu.memory_space<vmem>>) target_semaphore(%arg14 : memref<!tpu.dma_semaphore, #tpu.memory_space<semaphore_mem>>)
    %scan3A_75 = arith.constant 0 : i32
    %scan3A_76 = arith.constant 0 : i32
    %scan3A_77 = arith.constant 7 : i32
    %scan3A_78 = arith.addi %scan3A_76, %scan3A_77 : i32
    %scan3A_79 = arith.constant 1 : i32
    scf.for %scan3A_842 = %scan3A_76 to %scan3A_78 step %scan3A_79  : i32 {
      %mul3A_843 = arith.constant 2 : i32
      %mul3A_844 = arith.muli %scan3A_842, %mul3A_843 : i32
      %add3A_845 = arith.constant 1 : i32
      %add3A_846 = arith.addi %mul3A_844, %add3A_845 : i32
      %mul3A_847 = arith.constant 3584 : i32
      %mul3A_848 = arith.muli %add3A_846, %mul3A_847 : i32
      %multiple_of3A_849 = tpu.assume_multiple %mul3A_848, 3584 : i32
      %mul3A_850 = arith.constant 50176 : i32
      %mul3A_851 = arith.muli %select_n3A, %mul3A_850 : i32
      %mul3A_852 = arith.constant 3584 : i32
      %mul3A_853 = arith.muli %add3A_846, %mul3A_852 : i32
      %add3A_854 = arith.addi %mul3A_851, %mul3A_853 : i32
      %multiple_of3A_855 = tpu.assume_multiple %add3A_854, 3584 : i32
      %dma_start3A_856 = arith.constant 1 : i32
      %dma_start3A_857 = arith.constant 0 : i32
      %dma_start3A_858 = tpu.memref_slice %arg7[%dma_start3A_856, %dma_start3A_857] : memref<2x3584xi32, #tpu.memory_space<vmem>> -> memref<1x3584xi32, #tpu.memory_space<vmem>>
      %dma_start3A_859 = tpu.memref_squeeze %dma_start3A_858 : memref<1x3584xi32, #tpu.memory_space<vmem>> -> memref<3584xi32, #tpu.memory_space<vmem>>
      %dma_start3A_860 = tpu.memref_slice %arg3[%multiple_of3A_855] : memref<200704xi32, #tpu.memory_space<hbm>> -> memref<3584xi32, #tpu.memory_space<hbm>>
      %dma_start3A_861 = arith.constant 0 : i32
      %dma_start3A_862 = tpu.memref_slice %arg7[%dma_start3A_856, %dma_start3A_861] : memref<2x3584xi32, #tpu.memory_space<vmem>> -> memref<1x3584xi32, #tpu.memory_space<vmem>>
      %dma_start3A_863 = tpu.memref_squeeze %dma_start3A_862 : memref<1x3584xi32, #tpu.memory_space<vmem>> -> memref<3584xi32, #tpu.memory_space<vmem>>
      %dma_start3A_864 = tpu.memref_slice %arg3[%multiple_of3A_855] : memref<200704xi32, #tpu.memory_space<hbm>> -> memref<3584xi32, #tpu.memory_space<hbm>>
      tpu.enqueue_dma source(%dma_start3A_864 : memref<3584xi32, #tpu.memory_space<hbm>>) target(%dma_start3A_863 : memref<3584xi32, #tpu.memory_space<vmem>>) target_semaphore(%arg15 : memref<!tpu.dma_semaphore, #tpu.memory_space<semaphore_mem>>)
      %dma_start3A_865 = arith.constant 1 : i32
      %dma_start3A_866 = arith.constant 0 : i32
      %dma_start3A_867 = arith.constant 0 : i32
      %dma_start3A_868 = tpu.memref_slice %arg8[%dma_start3A_865, %dma_start3A_866, %dma_start3A_867] : memref<2x4x3584xf32, #tpu.memory_space<vmem>> -> memref<1x4x3584xf32, #tpu.memory_space<vmem>>
      %dma_start3A_869 = tpu.memref_squeeze %dma_start3A_868 : memref<1x4x3584xf32, #tpu.memory_space<vmem>> -> memref<4x3584xf32, #tpu.memory_space<vmem>>
      %dma_start3A_870 = tpu.memref_slice %arg2[%select_n3A, %multiple_of3A, %multiple_of3A_849] : memref<4x192x50176xf32, #tpu.memory_space<hbm>> -> memref<1x4x3584xf32, #tpu.memory_space<hbm>>
      %dma_start3A_871 = tpu.memref_squeeze %dma_start3A_870 : memref<1x4x3584xf32, #tpu.memory_space<hbm>> -> memref<4x3584xf32, #tpu.memory_space<hbm>>
      %dma_start3A_872 = arith.constant 0 : i32
      %dma_start3A_873 = arith.constant 0 : i32
      %dma_start3A_874 = tpu.memref_slice %arg8[%dma_start3A_865, %dma_start3A_872, %dma_start3A_873] : memref<2x4x3584xf32, #tpu.memory_space<vmem>> -> memref<1x4x3584xf32, #tpu.memory_space<vmem>>
      %dma_start3A_875 = tpu.memref_squeeze %dma_start3A_874 : memref<1x4x3584xf32, #tpu.memory_space<vmem>> -> memref<4x3584xf32, #tpu.memory_space<vmem>>
      %dma_start3A_876 = tpu.memref_slice %arg2[%select_n3A, %multiple_of3A, %multiple_of3A_849] : memref<4x192x50176xf32, #tpu.memory_space<hbm>> -> memref<1x4x3584xf32, #tpu.memory_space<hbm>>
      %dma_start3A_877 = tpu.memref_squeeze %dma_start3A_876 : memref<1x4x3584xf32, #tpu.memory_space<hbm>> -> memref<4x3584xf32, #tpu.memory_space<hbm>>
      tpu.enqueue_dma source(%dma_start3A_877 : memref<4x3584xf32, #tpu.memory_space<hbm>>) target(%dma_start3A_875 : memref<4x3584xf32, #tpu.memory_space<vmem>>) target_semaphore(%arg16 : memref<!tpu.dma_semaphore, #tpu.memory_space<semaphore_mem>>)
      %dma_wait3A = arith.constant 0 : i32
      %dma_wait3A_878 = arith.constant 0 : i32
      %dma_wait3A_879 = tpu.memref_slice %arg7[%dma_wait3A, %dma_wait3A_878] : memref<2x3584xi32, #tpu.memory_space<vmem>> -> memref<1x3584xi32, #tpu.memory_space<vmem>>
      %dma_wait3A_880 = tpu.memref_squeeze %dma_wait3A_879 : memref<1x3584xi32, #tpu.memory_space<vmem>> -> memref<3584xi32, #tpu.memory_space<vmem>>
      %dma_wait3A_881 = arith.constant 0 : i32
      %dma_wait3A_882 = tpu.memref_slice %arg3[%dma_wait3A_881] : memref<200704xi32, #tpu.memory_space<hbm>> -> memref<3584xi32, #tpu.memory_space<hbm>>
      %dma_wait3A_883 = arith.constant 0 : i32
      %dma_wait3A_884 = tpu.memref_slice %arg7[%dma_wait3A, %dma_wait3A_883] : memref<2x3584xi32, #tpu.memory_space<vmem>> -> memref<1x3584xi32, #tpu.memory_space<vmem>>
      %dma_wait3A_885 = tpu.memref_squeeze %dma_wait3A_884 : memref<1x3584xi32, #tpu.memory_space<vmem>> -> memref<3584xi32, #tpu.memory_space<vmem>>
      %dma_wait3A_886 = arith.constant 0 : i32
      %dma_wait3A_887 = tpu.memref_slice %arg3[%dma_wait3A_886] : memref<200704xi32, #tpu.memory_space<hbm>> -> memref<3584xi32, #tpu.memory_space<hbm>>
      tpu.wait_dma2 semaphore(%arg13 : memref<!tpu.dma_semaphore, #tpu.memory_space<semaphore_mem>>) src(%dma_wait3A_887 : memref<3584xi32, #tpu.memory_space<hbm>>) dst(%dma_wait3A_885 : memref<3584xi32, #tpu.memory_space<vmem>>)
      %dma_wait3A_888 = arith.constant 0 : i32
      %dma_wait3A_889 = arith.constant 0 : i32
      %dma_wait3A_890 = arith.constant 0 : i32
      %dma_wait3A_891 = tpu.memref_slice %arg8[%dma_wait3A_888, %dma_wait3A_889, %dma_wait3A_890] : memref<2x4x3584xf32, #tpu.memory_space<vmem>> -> memref<1x4x3584xf32, #tpu.memory_space<vmem>>
      %dma_wait3A_892 = tpu.memref_squeeze %dma_wait3A_891 : memref<1x4x3584xf32, #tpu.memory_space<vmem>> -> memref<4x3584xf32, #tpu.memory_space<vmem>>
      %dma_wait3A_893 = arith.constant 0 : i32
      %dma_wait3A_894 = arith.constant 0 : i32
      %dma_wait3A_895 = tpu.memref_slice %arg2[%select_n3A, %dma_wait3A_893, %dma_wait3A_894] : memref<4x192x50176xf32, #tpu.memory_space<hbm>> -> memref<1x4x3584xf32, #tpu.memory_space<hbm>>
      %dma_wait3A_896 = tpu.memref_squeeze %dma_wait3A_895 : memref<1x4x3584xf32, #tpu.memory_space<hbm>> -> memref<4x3584xf32, #tpu.memory_space<hbm>>
      %dma_wait3A_897 = arith.constant 0 : i32
      %dma_wait3A_898 = arith.constant 0 : i32
      %dma_wait3A_899 = tpu.memref_slice %arg8[%dma_wait3A_888, %dma_wait3A_897, %dma_wait3A_898] : memref<2x4x3584xf32, #tpu.memory_space<vmem>> -> memref<1x4x3584xf32, #tpu.memory_space<vmem>>
      %dma_wait3A_900 = tpu.memref_squeeze %dma_wait3A_899 : memref<1x4x3584xf32, #tpu.memory_space<vmem>> -> memref<4x3584xf32, #tpu.memory_space<vmem>>
      %dma_wait3A_901 = arith.constant 0 : i32
      %dma_wait3A_902 = arith.constant 0 : i32
      %dma_wait3A_903 = tpu.memref_slice %arg2[%select_n3A, %dma_wait3A_901, %dma_wait3A_902] : memref<4x192x50176xf32, #tpu.memory_space<hbm>> -> memref<1x4x3584xf32, #tpu.memory_space<hbm>>
      %dma_wait3A_904 = tpu.memref_squeeze %dma_wait3A_903 : memref<1x4x3584xf32, #tpu.memory_space<hbm>> -> memref<4x3584xf32, #tpu.memory_space<hbm>>
      tpu.wait_dma2 semaphore(%arg14 : memref<!tpu.dma_semaphore, #tpu.memory_space<semaphore_mem>>) src(%dma_wait3A_904 : memref<4x3584xf32, #tpu.memory_space<hbm>>) dst(%dma_wait3A_900 : memref<4x3584xf32, #tpu.memory_space<vmem>>)
      %scan3A_905 = arith.constant 0 : i32
      %scan3A_906 = arith.constant 0 : i32
      %scan3A_907 = arith.constant 112 : i32
      %scan3A_908 = arith.addi %scan3A_906, %scan3A_907 : i32
      %scan3A_909 = arith.constant 1 : i32
      scf.for %scan3A_952 = %scan3A_906 to %scan3A_908 step %scan3A_909  : i32 {
        %mul3A_953 = arith.constant 32 : i32
        %mul3A_954 = arith.muli %scan3A_952, %mul3A_953 : i32
        %multiple_of3A_955 = tpu.assume_multiple %mul3A_954, 32 : i32
        %add3A_956 = arith.constant 0 : i32
        %add3A_957 = arith.addi %multiple_of3A_955, %add3A_956 : i32
        %get3A = arith.constant 0 : i32
        %get3A_958 = arith.index_cast %get3A : i32 to index
        %get3A_959 = arith.index_cast %add3A_957 : i32 to index
        %get3A_960 = tpu.vector_load %arg7[%get3A_958, %get3A_959] {strides = array<i32>} : memref<2x3584xi32, #tpu.memory_space<vmem>>, vector<16xi32>,
        %mul3A_961 = arith.constant 16 : i32
        %mul3A_962 = vector.broadcast %mul3A_961 : i32 to vector<16xi32>
        %mul3A_963 = arith.muli %get3A_960, %mul3A_962 : vector<16xi32>
        %add3A_964 = arith.addi %mul3A_963, %iota3A : vector<16xi32>
        %add3A_965 = arith.constant 16 : i32
        %add3A_966 = arith.addi %multiple_of3A_955, %add3A_965 : i32
        %get3A_967 = arith.constant 0 : i32
        %get3A_968 = arith.index_cast %get3A_967 : i32 to index
        %get3A_969 = arith.index_cast %add3A_966 : i32 to index
        %get3A_970 = tpu.vector_load %arg7[%get3A_968, %get3A_969] {strides = array<i32>} : memref<2x3584xi32, #tpu.memory_space<vmem>>, vector<16xi32>,
        %mul3A_971 = arith.constant 16 : i32
        %mul3A_972 = vector.broadcast %mul3A_971 : i32 to vector<16xi32>
        %mul3A_973 = arith.muli %get3A_970, %mul3A_972 : vector<16xi32>
        %add3A_974 = arith.addi %mul3A_973, %iota3A : vector<16xi32>
        tpu.vector_store_idx %arg9[%add3A_964], %broadcast_in_dim3A_35 {add = true} : memref<256xf32, #tpu.memory_space<vmem>>[vector<16xi32>], vector<16xf32>,
        tpu.vector_store_idx %arg9[%add3A_974], %broadcast_in_dim3A_35 {add = true} : memref<256xf32, #tpu.memory_space<vmem>>[vector<16xi32>], vector<16xf32>,
        %add3A_975 = arith.constant 0 : i32
        %add3A_976 = arith.addi %multiple_of3A_955, %add3A_975 : i32
        %get3A_977 = arith.constant 0 : i32
        %get3A_978 = arith.constant 0 : i32
        %get3A_979 = arith.index_cast %get3A_977 : i32 to index
        %get3A_980 = arith.index_cast %get3A_978 : i32 to index
        %get3A_981 = arith.index_cast %add3A_976 : i32 to index
        %get3A_982 = tpu.vector_load %arg8[%get3A_979, %get3A_980, %get3A_981] {strides = array<i32>} : memref<2x4x3584xf32, #tpu.memory_space<vmem>>, vector<16xf32>,
        %add3A_983 = arith.constant 0 : i32
        %add3A_984 = arith.addi %multiple_of3A_955, %add3A_983 : i32
        %get3A_985 = arith.constant 0 : i32
        %get3A_986 = arith.constant 1 : i32
        %get3A_987 = arith.index_cast %get3A_985 : i32 to index
        %get3A_988 = arith.index_cast %get3A_986 : i32 to index
        %get3A_989 = arith.index_cast %add3A_984 : i32 to index
        %get3A_990 = tpu.vector_load %arg8[%get3A_987, %get3A_988, %get3A_989] {strides = array<i32>} : memref<2x4x3584xf32, #tpu.memory_space<vmem>>, vector<16xf32>,
        %add3A_991 = arith.constant 0 : i32
        %add3A_992 = arith.addi %multiple_of3A_955, %add3A_991 : i32
        %get3A_993 = arith.constant 0 : i32
        %get3A_994 = arith.constant 2 : i32
        %get3A_995 = arith.index_cast %get3A_993 : i32 to index
        %get3A_996 = arith.index_cast %get3A_994 : i32 to index
        %get3A_997 = arith.index_cast %add3A_992 : i32 to index
        %get3A_998 = tpu.vector_load %arg8[%get3A_995, %get3A_996, %get3A_997] {strides = array<i32>} : memref<2x4x3584xf32, #tpu.memory_space<vmem>>, vector<16xf32>,
        %add3A_999 = arith.constant 0 : i32
        %add3A_1000 = arith.addi %multiple_of3A_955, %add3A_999 : i32
        %get3A_1001 = arith.constant 0 : i32
        %get3A_1002 = arith.constant 3 : i32
        %get3A_1003 = arith.index_cast %get3A_1001 : i32 to index
        %get3A_1004 = arith.index_cast %get3A_1002 : i32 to index
        %get3A_1005 = arith.index_cast %add3A_1000 : i32 to index
        %get3A_1006 = tpu.vector_load %arg8[%get3A_1003, %get3A_1004, %get3A_1005] {strides = array<i32>} : memref<2x4x3584xf32, #tpu.memory_space<vmem>>, vector<16xf32>,
        %scatter3A = arith.constant 0 : i32
        %scatter3A_1007 = tpu.memref_slice %arg10[%scatter3A] : memref<1024xf32, #tpu.memory_space<vmem>> -> memref<256xf32, #tpu.memory_space<vmem>>
        tpu.vector_store_idx %scatter3A_1007[%add3A_964], %get3A_982 {add = true} : memref<256xf32, #tpu.memory_space<vmem>>[vector<16xi32>], vector<16xf32>,
        %mul3A_1008 = arith.mulf %get3A_982, %get3A_982 : vector<16xf32>
        %scatter3A_1009 = arith.constant 0 : i32
        %scatter3A_1010 = tpu.memref_slice %arg11[%scatter3A_1009] : memref<1024xf32, #tpu.memory_space<vmem>> -> memref<256xf32, #tpu.memory_space<vmem>>
        tpu.vector_store_idx %scatter3A_1010[%add3A_964], %mul3A_1008 {add = true} : memref<256xf32, #tpu.memory_space<vmem>>[vector<16xi32>], vector<16xf32>,
        %scatter3A_1011 = arith.constant 256 : i32
        %scatter3A_1012 = tpu.memref_slice %arg10[%scatter3A_1011] : memref<1024xf32, #tpu.memory_space<vmem>> -> memref<256xf32, #tpu.memory_space<vmem>>
        tpu.vector_store_idx %scatter3A_1012[%add3A_964], %get3A_990 {add = true} : memref<256xf32, #tpu.memory_space<vmem>>[vector<16xi32>], vector<16xf32>,
        %mul3A_1013 = arith.mulf %get3A_990, %get3A_990 : vector<16xf32>
        %scatter3A_1014 = arith.constant 256 : i32
        %scatter3A_1015 = tpu.memref_slice %arg11[%scatter3A_1014] : memref<1024xf32, #tpu.memory_space<vmem>> -> memref<256xf32, #tpu.memory_space<vmem>>
        tpu.vector_store_idx %scatter3A_1015[%add3A_964], %mul3A_1013 {add = true} : memref<256xf32, #tpu.memory_space<vmem>>[vector<16xi32>], vector<16xf32>,
        %scatter3A_1016 = arith.constant 512 : i32
        %scatter3A_1017 = tpu.memref_slice %arg10[%scatter3A_1016] : memref<1024xf32, #tpu.memory_space<vmem>> -> memref<256xf32, #tpu.memory_space<vmem>>
        tpu.vector_store_idx %scatter3A_1017[%add3A_964], %get3A_998 {add = true} : memref<256xf32, #tpu.memory_space<vmem>>[vector<16xi32>], vector<16xf32>,
        %mul3A_1018 = arith.mulf %get3A_998, %get3A_998 : vector<16xf32>
        %scatter3A_1019 = arith.constant 512 : i32
        %scatter3A_1020 = tpu.memref_slice %arg11[%scatter3A_1019] : memref<1024xf32, #tpu.memory_space<vmem>> -> memref<256xf32, #tpu.memory_space<vmem>>
        tpu.vector_store_idx %scatter3A_1020[%add3A_964], %mul3A_1018 {add = true} : memref<256xf32, #tpu.memory_space<vmem>>[vector<16xi32>], vector<16xf32>,
        %scatter3A_1021 = arith.constant 768 : i32
        %scatter3A_1022 = tpu.memref_slice %arg10[%scatter3A_1021] : memref<1024xf32, #tpu.memory_space<vmem>> -> memref<256xf32, #tpu.memory_space<vmem>>
        tpu.vector_store_idx %scatter3A_1022[%add3A_964], %get3A_1006 {add = true} : memref<256xf32, #tpu.memory_space<vmem>>[vector<16xi32>], vector<16xf32>,
        %mul3A_1023 = arith.mulf %get3A_1006, %get3A_1006 : vector<16xf32>
        %scatter3A_1024 = arith.constant 768 : i32
        %scatter3A_1025 = tpu.memref_slice %arg11[%scatter3A_1024] : memref<1024xf32, #tpu.memory_space<vmem>> -> memref<256xf32, #tpu.memory_space<vmem>>
        tpu.vector_store_idx %scatter3A_1025[%add3A_964], %mul3A_1023 {add = true} : memref<256xf32, #tpu.memory_space<vmem>>[vector<16xi32>], vector<16xf32>,
        %add3A_1026 = arith.constant 16 : i32
        %add3A_1027 = arith.addi %multiple_of3A_955, %add3A_1026 : i32
        %get3A_1028 = arith.constant 0 : i32
        %get3A_1029 = arith.constant 0 : i32
        %get3A_1030 = arith.index_cast %get3A_1028 : i32 to index
        %get3A_1031 = arith.index_cast %get3A_1029 : i32 to index
        %get3A_1032 = arith.index_cast %add3A_1027 : i32 to index
        %get3A_1033 = tpu.vector_load %arg8[%get3A_1030, %get3A_1031, %get3A_1032] {strides = array<i32>} : memref<2x4x3584xf32, #tpu.memory_space<vmem>>, vector<16xf32>,
        %add3A_1034 = arith.constant 16 : i32
        %add3A_1035 = arith.addi %multiple_of3A_955, %add3A_1034 : i32
        %get3A_1036 = arith.constant 0 : i32
        %get3A_1037 = arith.constant 1 : i32
        %get3A_1038 = arith.index_cast %get3A_1036 : i32 to index
        %get3A_1039 = arith.index_cast %get3A_1037 : i32 to index
        %get3A_1040 = arith.index_cast %add3A_1035 : i32 to index
        %get3A_1041 = tpu.vector_load %arg8[%get3A_1038, %get3A_1039, %get3A_1040] {strides = array<i32>} : memref<2x4x3584xf32, #tpu.memory_space<vmem>>, vector<16xf32>,
        %add3A_1042 = arith.constant 16 : i32
        %add3A_1043 = arith.addi %multiple_of3A_955, %add3A_1042 : i32
        %get3A_1044 = arith.constant 0 : i32
        %get3A_1045 = arith.constant 2 : i32
        %get3A_1046 = arith.index_cast %get3A_1044 : i32 to index
        %get3A_1047 = arith.index_cast %get3A_1045 : i32 to index
        %get3A_1048 = arith.index_cast %add3A_1043 : i32 to index
        %get3A_1049 = tpu.vector_load %arg8[%get3A_1046, %get3A_1047, %get3A_1048] {strides = array<i32>} : memref<2x4x3584xf32, #tpu.memory_space<vmem>>, vector<16xf32>,
        %add3A_1050 = arith.constant 16 : i32
        %add3A_1051 = arith.addi %multiple_of3A_955, %add3A_1050 : i32
        %get3A_1052 = arith.constant 0 : i32
        %get3A_1053 = arith.constant 3 : i32
        %get3A_1054 = arith.index_cast %get3A_1052 : i32 to index
        %get3A_1055 = arith.index_cast %get3A_1053 : i32 to index
        %get3A_1056 = arith.index_cast %add3A_1051 : i32 to index
        %get3A_1057 = tpu.vector_load %arg8[%get3A_1054, %get3A_1055, %get3A_1056] {strides = array<i32>} : memref<2x4x3584xf32, #tpu.memory_space<vmem>>, vector<16xf32>,
        %scatter3A_1058 = arith.constant 0 : i32
        %scatter3A_1059 = tpu.memref_slice %arg10[%scatter3A_1058] : memref<1024xf32, #tpu.memory_space<vmem>> -> memref<256xf32, #tpu.memory_space<vmem>>
        tpu.vector_store_idx %scatter3A_1059[%add3A_974], %get3A_1033 {add = true} : memref<256xf32, #tpu.memory_space<vmem>>[vector<16xi32>], vector<16xf32>,
        %mul3A_1060 = arith.mulf %get3A_1033, %get3A_1033 : vector<16xf32>
        %scatter3A_1061 = arith.constant 0 : i32
        %scatter3A_1062 = tpu.memref_slice %arg11[%scatter3A_1061] : memref<1024xf32, #tpu.memory_space<vmem>> -> memref<256xf32, #tpu.memory_space<vmem>>
        tpu.vector_store_idx %scatter3A_1062[%add3A_974], %mul3A_1060 {add = true} : memref<256xf32, #tpu.memory_space<vmem>>[vector<16xi32>], vector<16xf32>,
        %scatter3A_1063 = arith.constant 256 : i32
        %scatter3A_1064 = tpu.memref_slice %arg10[%scatter3A_1063] : memref<1024xf32, #tpu.memory_space<vmem>> -> memref<256xf32, #tpu.memory_space<vmem>>
        tpu.vector_store_idx %scatter3A_1064[%add3A_974], %get3A_1041 {add = true} : memref<256xf32, #tpu.memory_space<vmem>>[vector<16xi32>], vector<16xf32>,
        %mul3A_1065 = arith.mulf %get3A_1041, %get3A_1041 : vector<16xf32>
        %scatter3A_1066 = arith.constant 256 : i32
        %scatter3A_1067 = tpu.memref_slice %arg11[%scatter3A_1066] : memref<1024xf32, #tpu.memory_space<vmem>> -> memref<256xf32, #tpu.memory_space<vmem>>
        tpu.vector_store_idx %scatter3A_1067[%add3A_974], %mul3A_1065 {add = true} : memref<256xf32, #tpu.memory_space<vmem>>[vector<16xi32>], vector<16xf32>,
        %scatter3A_1068 = arith.constant 512 : i32
        %scatter3A_1069 = tpu.memref_slice %arg10[%scatter3A_1068] : memref<1024xf32, #tpu.memory_space<vmem>> -> memref<256xf32, #tpu.memory_space<vmem>>
        tpu.vector_store_idx %scatter3A_1069[%add3A_974], %get3A_1049 {add = true} : memref<256xf32, #tpu.memory_space<vmem>>[vector<16xi32>], vector<16xf32>,
        %mul3A_1070 = arith.mulf %get3A_1049, %get3A_1049 : vector<16xf32>
        %scatter3A_1071 = arith.constant 512 : i32
        %scatter3A_1072 = tpu.memref_slice %arg11[%scatter3A_1071] : memref<1024xf32, #tpu.memory_space<vmem>> -> memref<256xf32, #tpu.memory_space<vmem>>
        tpu.vector_store_idx %scatter3A_1072[%add3A_974], %mul3A_1070 {add = true} : memref<256xf32, #tpu.memory_space<vmem>>[vector<16xi32>], vector<16xf32>,
        %scatter3A_1073 = arith.constant 768 : i32
        %scatter3A_1074 = tpu.memref_slice %arg10[%scatter3A_1073] : memref<1024xf32, #tpu.memory_space<vmem>> -> memref<256xf32, #tpu.memory_space<vmem>>
        tpu.vector_store_idx %scatter3A_1074[%add3A_974], %get3A_1057 {add = true} : memref<256xf32, #tpu.memory_space<vmem>>[vector<16xi32>], vector<16xf32>,
        %mul3A_1075 = arith.mulf %get3A_1057, %get3A_1057 : vector<16xf32>
        %scatter3A_1076 = arith.constant 768 : i32
        %scatter3A_1077 = tpu.memref_slice %arg11[%scatter3A_1076] : memref<1024xf32, #tpu.memory_space<vmem>> -> memref<256xf32, #tpu.memory_space<vmem>>
        tpu.vector_store_idx %scatter3A_1077[%add3A_974], %mul3A_1075 {add = true} : memref<256xf32, #tpu.memory_space<vmem>>[vector<16xi32>], vector<16xf32>,
      }
      %scan3A_910 = arith.constant 112 : i32
      %add3A_911 = arith.constant 2 : i32
      %add3A_912 = arith.addi %mul3A_844, %add3A_911 : i32
      %lt3A_913 = arith.constant 14 : i32
      %lt3A_914 = arith.cmpi slt, %add3A_912, %lt3A_913 : i32
      %convert_element_type3A_915 = arith.extui %lt3A_914 : i1 to i32
      %cond3A_916 = arith.constant 0 : i32
      %cond3A_917 = arith.cmpi ne, %convert_element_type3A_915, %cond3A_916 : i32
      scf.if %cond3A_917 {
        %add3A_952 = arith.constant 2 : i32
        %add3A_953 = arith.addi %mul3A_844, %add3A_952 : i32
        %mul3A_954 = arith.constant 3584 : i32
        %mul3A_955 = arith.muli %add3A_953, %mul3A_954 : i32
        %multiple_of3A_956 = tpu.assume_multiple %mul3A_955, 3584 : i32
        %mul3A_957 = arith.constant 50176 : i32
        %mul3A_958 = arith.muli %select_n3A, %mul3A_957 : i32
        %mul3A_959 = arith.constant 3584 : i32
        %mul3A_960 = arith.muli %add3A_953, %mul3A_959 : i32
        %add3A_961 = arith.addi %mul3A_958, %mul3A_960 : i32
        %multiple_of3A_962 = tpu.assume_multiple %add3A_961, 3584 : i32
        %dma_start3A_963 = arith.constant 0 : i32
        %dma_start3A_964 = arith.constant 0 : i32
        %dma_start3A_965 = tpu.memref_slice %arg7[%dma_start3A_963, %dma_start3A_964] : memref<2x3584xi32, #tpu.memory_space<vmem>> -> memref<1x3584xi32, #tpu.memory_space<vmem>>
        %dma_start3A_966 = tpu.memref_squeeze %dma_start3A_965 : memref<1x3584xi32, #tpu.memory_space<vmem>> -> memref<3584xi32, #tpu.memory_space<vmem>>
        %dma_start3A_967 = tpu.memref_slice %arg3[%multiple_of3A_962] : memref<200704xi32, #tpu.memory_space<hbm>> -> memref<3584xi32, #tpu.memory_space<hbm>>
        %dma_start3A_968 = arith.constant 0 : i32
        %dma_start3A_969 = tpu.memref_slice %arg7[%dma_start3A_963, %dma_start3A_968] : memref<2x3584xi32, #tpu.memory_space<vmem>> -> memref<1x3584xi32, #tpu.memory_space<vmem>>
        %dma_start3A_970 = tpu.memref_squeeze %dma_start3A_969 : memref<1x3584xi32, #tpu.memory_space<vmem>> -> memref<3584xi32, #tpu.memory_space<vmem>>
        %dma_start3A_971 = tpu.memref_slice %arg3[%multiple_of3A_962] : memref<200704xi32, #tpu.memory_space<hbm>> -> memref<3584xi32, #tpu.memory_space<hbm>>
        tpu.enqueue_dma source(%dma_start3A_971 : memref<3584xi32, #tpu.memory_space<hbm>>) target(%dma_start3A_970 : memref<3584xi32, #tpu.memory_space<vmem>>) target_semaphore(%arg13 : memref<!tpu.dma_semaphore, #tpu.memory_space<semaphore_mem>>)
        %dma_start3A_972 = arith.constant 0 : i32
        %dma_start3A_973 = arith.constant 0 : i32
        %dma_start3A_974 = arith.constant 0 : i32
        %dma_start3A_975 = tpu.memref_slice %arg8[%dma_start3A_972, %dma_start3A_973, %dma_start3A_974] : memref<2x4x3584xf32, #tpu.memory_space<vmem>> -> memref<1x4x3584xf32, #tpu.memory_space<vmem>>
        %dma_start3A_976 = tpu.memref_squeeze %dma_start3A_975 : memref<1x4x3584xf32, #tpu.memory_space<vmem>> -> memref<4x3584xf32, #tpu.memory_space<vmem>>
        %dma_start3A_977 = tpu.memref_slice %arg2[%select_n3A, %multiple_of3A, %multiple_of3A_956] : memref<4x192x50176xf32, #tpu.memory_space<hbm>> -> memref<1x4x3584xf32, #tpu.memory_space<hbm>>
        %dma_start3A_978 = tpu.memref_squeeze %dma_start3A_977 : memref<1x4x3584xf32, #tpu.memory_space<hbm>> -> memref<4x3584xf32, #tpu.memory_space<hbm>>
        %dma_start3A_979 = arith.constant 0 : i32
        %dma_start3A_980 = arith.constant 0 : i32
        %dma_start3A_981 = tpu.memref_slice %arg8[%dma_start3A_972, %dma_start3A_979, %dma_start3A_980] : memref<2x4x3584xf32, #tpu.memory_space<vmem>> -> memref<1x4x3584xf32, #tpu.memory_space<vmem>>
        %dma_start3A_982 = tpu.memref_squeeze %dma_start3A_981 : memref<1x4x3584xf32, #tpu.memory_space<vmem>> -> memref<4x3584xf32, #tpu.memory_space<vmem>>
        %dma_start3A_983 = tpu.memref_slice %arg2[%select_n3A, %multiple_of3A, %multiple_of3A_956] : memref<4x192x50176xf32, #tpu.memory_space<hbm>> -> memref<1x4x3584xf32, #tpu.memory_space<hbm>>
        %dma_start3A_984 = tpu.memref_squeeze %dma_start3A_983 : memref<1x4x3584xf32, #tpu.memory_space<hbm>> -> memref<4x3584xf32, #tpu.memory_space<hbm>>
        tpu.enqueue_dma source(%dma_start3A_984 : memref<4x3584xf32, #tpu.memory_space<hbm>>) target(%dma_start3A_982 : memref<4x3584xf32, #tpu.memory_space<vmem>>) target_semaphore(%arg14 : memref<!tpu.dma_semaphore, #tpu.memory_space<semaphore_mem>>)
      } else {
      }
      %dma_wait3A_918 = arith.constant 1 : i32
      %dma_wait3A_919 = arith.constant 0 : i32
      %dma_wait3A_920 = tpu.memref_slice %arg7[%dma_wait3A_918, %dma_wait3A_919] : memref<2x3584xi32, #tpu.memory_space<vmem>> -> memref<1x3584xi32, #tpu.memory_space<vmem>>
      %dma_wait3A_921 = tpu.memref_squeeze %dma_wait3A_920 : memref<1x3584xi32, #tpu.memory_space<vmem>> -> memref<3584xi32, #tpu.memory_space<vmem>>
      %dma_wait3A_922 = arith.constant 0 : i32
      %dma_wait3A_923 = tpu.memref_slice %arg3[%dma_wait3A_922] : memref<200704xi32, #tpu.memory_space<hbm>> -> memref<3584xi32, #tpu.memory_space<hbm>>
      %dma_wait3A_924 = arith.constant 0 : i32
      %dma_wait3A_925 = tpu.memref_slice %arg7[%dma_wait3A_918, %dma_wait3A_924] : memref<2x3584xi32, #tpu.memory_space<vmem>> -> memref<1x3584xi32, #tpu.memory_space<vmem>>
      %dma_wait3A_926 = tpu.memref_squeeze %dma_wait3A_925 : memref<1x3584xi32, #tpu.memory_space<vmem>> -> memref<3584xi32, #tpu.memory_space<vmem>>
      %dma_wait3A_927 = arith.constant 0 : i32
      %dma_wait3A_928 = tpu.memref_slice %arg3[%dma_wait3A_927] : memref<200704xi32, #tpu.memory_space<hbm>> -> memref<3584xi32, #tpu.memory_space<hbm>>
      tpu.wait_dma2 semaphore(%arg15 : memref<!tpu.dma_semaphore, #tpu.memory_space<semaphore_mem>>) src(%dma_wait3A_928 : memref<3584xi32, #tpu.memory_space<hbm>>) dst(%dma_wait3A_926 : memref<3584xi32, #tpu.memory_space<vmem>>)
      %dma_wait3A_929 = arith.constant 1 : i32
      %dma_wait3A_930 = arith.constant 0 : i32
      %dma_wait3A_931 = arith.constant 0 : i32
      %dma_wait3A_932 = tpu.memref_slice %arg8[%dma_wait3A_929, %dma_wait3A_930, %dma_wait3A_931] : memref<2x4x3584xf32, #tpu.memory_space<vmem>> -> memref<1x4x3584xf32, #tpu.memory_space<vmem>>
      %dma_wait3A_933 = tpu.memref_squeeze %dma_wait3A_932 : memref<1x4x3584xf32, #tpu.memory_space<vmem>> -> memref<4x3584xf32, #tpu.memory_space<vmem>>
      %dma_wait3A_934 = arith.constant 0 : i32
      %dma_wait3A_935 = arith.constant 0 : i32
      %dma_wait3A_936 = tpu.memref_slice %arg2[%select_n3A, %dma_wait3A_934, %dma_wait3A_935] : memref<4x192x50176xf32, #tpu.memory_space<hbm>> -> memref<1x4x3584xf32, #tpu.memory_space<hbm>>
      %dma_wait3A_937 = tpu.memref_squeeze %dma_wait3A_936 : memref<1x4x3584xf32, #tpu.memory_space<hbm>> -> memref<4x3584xf32, #tpu.memory_space<hbm>>
      %dma_wait3A_938 = arith.constant 0 : i32
      %dma_wait3A_939 = arith.constant 0 : i32
      %dma_wait3A_940 = tpu.memref_slice %arg8[%dma_wait3A_929, %dma_wait3A_938, %dma_wait3A_939] : memref<2x4x3584xf32, #tpu.memory_space<vmem>> -> memref<1x4x3584xf32, #tpu.memory_space<vmem>>
      %dma_wait3A_941 = tpu.memref_squeeze %dma_wait3A_940 : memref<1x4x3584xf32, #tpu.memory_space<vmem>> -> memref<4x3584xf32, #tpu.memory_space<vmem>>
      %dma_wait3A_942 = arith.constant 0 : i32
      %dma_wait3A_943 = arith.constant 0 : i32
      %dma_wait3A_944 = tpu.memref_slice %arg2[%select_n3A, %dma_wait3A_942, %dma_wait3A_943] : memref<4x192x50176xf32, #tpu.memory_space<hbm>> -> memref<1x4x3584xf32, #tpu.memory_space<hbm>>
      %dma_wait3A_945 = tpu.memref_squeeze %dma_wait3A_944 : memref<1x4x3584xf32, #tpu.memory_space<hbm>> -> memref<4x3584xf32, #tpu.memory_space<hbm>>
      tpu.wait_dma2 semaphore(%arg16 : memref<!tpu.dma_semaphore, #tpu.memory_space<semaphore_mem>>) src(%dma_wait3A_945 : memref<4x3584xf32, #tpu.memory_space<hbm>>) dst(%dma_wait3A_941 : memref<4x3584xf32, #tpu.memory_space<vmem>>)
      %scan3A_946 = arith.constant 0 : i32
      %scan3A_947 = arith.constant 0 : i32
      %scan3A_948 = arith.constant 112 : i32
      %scan3A_949 = arith.addi %scan3A_947, %scan3A_948 : i32
      %scan3A_950 = arith.constant 1 : i32
      scf.for %scan3A_952 = %scan3A_947 to %scan3A_949 step %scan3A_950  : i32 {
        %mul3A_953 = arith.constant 32 : i32
        %mul3A_954 = arith.muli %scan3A_952, %mul3A_953 : i32
        %multiple_of3A_955 = tpu.assume_multiple %mul3A_954, 32 : i32
        %add3A_956 = arith.constant 0 : i32
        %add3A_957 = arith.addi %multiple_of3A_955, %add3A_956 : i32
        %get3A = arith.constant 1 : i32
        %get3A_958 = arith.index_cast %get3A : i32 to index
        %get3A_959 = arith.index_cast %add3A_957 : i32 to index
        %get3A_960 = tpu.vector_load %arg7[%get3A_958, %get3A_959] {strides = array<i32>} : memref<2x3584xi32, #tpu.memory_space<vmem>>, vector<16xi32>,
        %mul3A_961 = arith.constant 16 : i32
        %mul3A_962 = vector.broadcast %mul3A_961 : i32 to vector<16xi32>
        %mul3A_963 = arith.muli %get3A_960, %mul3A_962 : vector<16xi32>
        %add3A_964 = arith.addi %mul3A_963, %iota3A : vector<16xi32>
        %add3A_965 = arith.constant 16 : i32
        %add3A_966 = arith.addi %multiple_of3A_955, %add3A_965 : i32
        %get3A_967 = arith.constant 1 : i32
        %get3A_968 = arith.index_cast %get3A_967 : i32 to index
        %get3A_969 = arith.index_cast %add3A_966 : i32 to index
        %get3A_970 = tpu.vector_load %arg7[%get3A_968, %get3A_969] {strides = array<i32>} : memref<2x3584xi32, #tpu.memory_space<vmem>>, vector<16xi32>,
        %mul3A_971 = arith.constant 16 : i32
        %mul3A_972 = vector.broadcast %mul3A_971 : i32 to vector<16xi32>
        %mul3A_973 = arith.muli %get3A_970, %mul3A_972 : vector<16xi32>
        %add3A_974 = arith.addi %mul3A_973, %iota3A : vector<16xi32>
        tpu.vector_store_idx %arg9[%add3A_964], %broadcast_in_dim3A_35 {add = true} : memref<256xf32, #tpu.memory_space<vmem>>[vector<16xi32>], vector<16xf32>,
        tpu.vector_store_idx %arg9[%add3A_974], %broadcast_in_dim3A_35 {add = true} : memref<256xf32, #tpu.memory_space<vmem>>[vector<16xi32>], vector<16xf32>,
        %add3A_975 = arith.constant 0 : i32
        %add3A_976 = arith.addi %multiple_of3A_955, %add3A_975 : i32
        %get3A_977 = arith.constant 1 : i32
        %get3A_978 = arith.constant 0 : i32
        %get3A_979 = arith.index_cast %get3A_977 : i32 to index
        %get3A_980 = arith.index_cast %get3A_978 : i32 to index
        %get3A_981 = arith.index_cast %add3A_976 : i32 to index
        %get3A_982 = tpu.vector_load %arg8[%get3A_979, %get3A_980, %get3A_981] {strides = array<i32>} : memref<2x4x3584xf32, #tpu.memory_space<vmem>>, vector<16xf32>,
        %add3A_983 = arith.constant 0 : i32
        %add3A_984 = arith.addi %multiple_of3A_955, %add3A_983 : i32
        %get3A_985 = arith.constant 1 : i32
        %get3A_986 = arith.constant 1 : i32
        %get3A_987 = arith.index_cast %get3A_985 : i32 to index
        %get3A_988 = arith.index_cast %get3A_986 : i32 to index
        %get3A_989 = arith.index_cast %add3A_984 : i32 to index
        %get3A_990 = tpu.vector_load %arg8[%get3A_987, %get3A_988, %get3A_989] {strides = array<i32>} : memref<2x4x3584xf32, #tpu.memory_space<vmem>>, vector<16xf32>,
        %add3A_991 = arith.constant 0 : i32
        %add3A_992 = arith.addi %multiple_of3A_955, %add3A_991 : i32
        %get3A_993 = arith.constant 1 : i32
        %get3A_994 = arith.constant 2 : i32
        %get3A_995 = arith.index_cast %get3A_993 : i32 to index
        %get3A_996 = arith.index_cast %get3A_994 : i32 to index
        %get3A_997 = arith.index_cast %add3A_992 : i32 to index
        %get3A_998 = tpu.vector_load %arg8[%get3A_995, %get3A_996, %get3A_997] {strides = array<i32>} : memref<2x4x3584xf32, #tpu.memory_space<vmem>>, vector<16xf32>,
        %add3A_999 = arith.constant 0 : i32
        %add3A_1000 = arith.addi %multiple_of3A_955, %add3A_999 : i32
        %get3A_1001 = arith.constant 1 : i32
        %get3A_1002 = arith.constant 3 : i32
        %get3A_1003 = arith.index_cast %get3A_1001 : i32 to index
        %get3A_1004 = arith.index_cast %get3A_1002 : i32 to index
        %get3A_1005 = arith.index_cast %add3A_1000 : i32 to index
        %get3A_1006 = tpu.vector_load %arg8[%get3A_1003, %get3A_1004, %get3A_1005] {strides = array<i32>} : memref<2x4x3584xf32, #tpu.memory_space<vmem>>, vector<16xf32>,
        %scatter3A = arith.constant 0 : i32
        %scatter3A_1007 = tpu.memref_slice %arg10[%scatter3A] : memref<1024xf32, #tpu.memory_space<vmem>> -> memref<256xf32, #tpu.memory_space<vmem>>
        tpu.vector_store_idx %scatter3A_1007[%add3A_964], %get3A_982 {add = true} : memref<256xf32, #tpu.memory_space<vmem>>[vector<16xi32>], vector<16xf32>,
        %mul3A_1008 = arith.mulf %get3A_982, %get3A_982 : vector<16xf32>
        %scatter3A_1009 = arith.constant 0 : i32
        %scatter3A_1010 = tpu.memref_slice %arg11[%scatter3A_1009] : memref<1024xf32, #tpu.memory_space<vmem>> -> memref<256xf32, #tpu.memory_space<vmem>>
        tpu.vector_store_idx %scatter3A_1010[%add3A_964], %mul3A_1008 {add = true} : memref<256xf32, #tpu.memory_space<vmem>>[vector<16xi32>], vector<16xf32>,
        %scatter3A_1011 = arith.constant 256 : i32
        %scatter3A_1012 = tpu.memref_slice %arg10[%scatter3A_1011] : memref<1024xf32, #tpu.memory_space<vmem>> -> memref<256xf32, #tpu.memory_space<vmem>>
        tpu.vector_store_idx %scatter3A_1012[%add3A_964], %get3A_990 {add = true} : memref<256xf32, #tpu.memory_space<vmem>>[vector<16xi32>], vector<16xf32>,
        %mul3A_1013 = arith.mulf %get3A_990, %get3A_990 : vector<16xf32>
        %scatter3A_1014 = arith.constant 256 : i32
        %scatter3A_1015 = tpu.memref_slice %arg11[%scatter3A_1014] : memref<1024xf32, #tpu.memory_space<vmem>> -> memref<256xf32, #tpu.memory_space<vmem>>
        tpu.vector_store_idx %scatter3A_1015[%add3A_964], %mul3A_1013 {add = true} : memref<256xf32, #tpu.memory_space<vmem>>[vector<16xi32>], vector<16xf32>,
        %scatter3A_1016 = arith.constant 512 : i32
        %scatter3A_1017 = tpu.memref_slice %arg10[%scatter3A_1016] : memref<1024xf32, #tpu.memory_space<vmem>> -> memref<256xf32, #tpu.memory_space<vmem>>
        tpu.vector_store_idx %scatter3A_1017[%add3A_964], %get3A_998 {add = true} : memref<256xf32, #tpu.memory_space<vmem>>[vector<16xi32>], vector<16xf32>,
        %mul3A_1018 = arith.mulf %get3A_998, %get3A_998 : vector<16xf32>
        %scatter3A_1019 = arith.constant 512 : i32
        %scatter3A_1020 = tpu.memref_slice %arg11[%scatter3A_1019] : memref<1024xf32, #tpu.memory_space<vmem>> -> memref<256xf32, #tpu.memory_space<vmem>>
        tpu.vector_store_idx %scatter3A_1020[%add3A_964], %mul3A_1018 {add = true} : memref<256xf32, #tpu.memory_space<vmem>>[vector<16xi32>], vector<16xf32>,
        %scatter3A_1021 = arith.constant 768 : i32
        %scatter3A_1022 = tpu.memref_slice %arg10[%scatter3A_1021] : memref<1024xf32, #tpu.memory_space<vmem>> -> memref<256xf32, #tpu.memory_space<vmem>>
        tpu.vector_store_idx %scatter3A_1022[%add3A_964], %get3A_1006 {add = true} : memref<256xf32, #tpu.memory_space<vmem>>[vector<16xi32>], vector<16xf32>,
        %mul3A_1023 = arith.mulf %get3A_1006, %get3A_1006 : vector<16xf32>
        %scatter3A_1024 = arith.constant 768 : i32
        %scatter3A_1025 = tpu.memref_slice %arg11[%scatter3A_1024] : memref<1024xf32, #tpu.memory_space<vmem>> -> memref<256xf32, #tpu.memory_space<vmem>>
        tpu.vector_store_idx %scatter3A_1025[%add3A_964], %mul3A_1023 {add = true} : memref<256xf32, #tpu.memory_space<vmem>>[vector<16xi32>], vector<16xf32>,
        %add3A_1026 = arith.constant 16 : i32
        %add3A_1027 = arith.addi %multiple_of3A_955, %add3A_1026 : i32
        %get3A_1028 = arith.constant 1 : i32
        %get3A_1029 = arith.constant 0 : i32
        %get3A_1030 = arith.index_cast %get3A_1028 : i32 to index
        %get3A_1031 = arith.index_cast %get3A_1029 : i32 to index
        %get3A_1032 = arith.index_cast %add3A_1027 : i32 to index
        %get3A_1033 = tpu.vector_load %arg8[%get3A_1030, %get3A_1031, %get3A_1032] {strides = array<i32>} : memref<2x4x3584xf32, #tpu.memory_space<vmem>>, vector<16xf32>,
        %add3A_1034 = arith.constant 16 : i32
        %add3A_1035 = arith.addi %multiple_of3A_955, %add3A_1034 : i32
        %get3A_1036 = arith.constant 1 : i32
        %get3A_1037 = arith.constant 1 : i32
        %get3A_1038 = arith.index_cast %get3A_1036 : i32 to index
        %get3A_1039 = arith.index_cast %get3A_1037 : i32 to index
        %get3A_1040 = arith.index_cast %add3A_1035 : i32 to index
        %get3A_1041 = tpu.vector_load %arg8[%get3A_1038, %get3A_1039, %get3A_1040] {strides = array<i32>} : memref<2x4x3584xf32, #tpu.memory_space<vmem>>, vector<16xf32>,
        %add3A_1042 = arith.constant 16 : i32
        %add3A_1043 = arith.addi %multiple_of3A_955, %add3A_1042 : i32
        %get3A_1044 = arith.constant 1 : i32
        %get3A_1045 = arith.constant 2 : i32
        %get3A_1046 = arith.index_cast %get3A_1044 : i32 to index
        %get3A_1047 = arith.index_cast %get3A_1045 : i32 to index
        %get3A_1048 = arith.index_cast %add3A_1043 : i32 to index
        %get3A_1049 = tpu.vector_load %arg8[%get3A_1046, %get3A_1047, %get3A_1048] {strides = array<i32>} : memref<2x4x3584xf32, #tpu.memory_space<vmem>>, vector<16xf32>,
        %add3A_1050 = arith.constant 16 : i32
        %add3A_1051 = arith.addi %multiple_of3A_955, %add3A_1050 : i32
        %get3A_1052 = arith.constant 1 : i32
        %get3A_1053 = arith.constant 3 : i32
        %get3A_1054 = arith.index_cast %get3A_1052 : i32 to index
        %get3A_1055 = arith.index_cast %get3A_1053 : i32 to index
        %get3A_1056 = arith.index_cast %add3A_1051 : i32 to index
        %get3A_1057 = tpu.vector_load %arg8[%get3A_1054, %get3A_1055, %get3A_1056] {strides = array<i32>} : memref<2x4x3584xf32, #tpu.memory_space<vmem>>, vector<16xf32>,
        %scatter3A_1058 = arith.constant 0 : i32
        %scatter3A_1059 = tpu.memref_slice %arg10[%scatter3A_1058] : memref<1024xf32, #tpu.memory_space<vmem>> -> memref<256xf32, #tpu.memory_space<vmem>>
        tpu.vector_store_idx %scatter3A_1059[%add3A_974], %get3A_1033 {add = true} : memref<256xf32, #tpu.memory_space<vmem>>[vector<16xi32>], vector<16xf32>,
        %mul3A_1060 = arith.mulf %get3A_1033, %get3A_1033 : vector<16xf32>
        %scatter3A_1061 = arith.constant 0 : i32
        %scatter3A_1062 = tpu.memref_slice %arg11[%scatter3A_1061] : memref<1024xf32, #tpu.memory_space<vmem>> -> memref<256xf32, #tpu.memory_space<vmem>>
        tpu.vector_store_idx %scatter3A_1062[%add3A_974], %mul3A_1060 {add = true} : memref<256xf32, #tpu.memory_space<vmem>>[vector<16xi32>], vector<16xf32>,
        %scatter3A_1063 = arith.constant 256 : i32
        %scatter3A_1064 = tpu.memref_slice %arg10[%scatter3A_1063] : memref<1024xf32, #tpu.memory_space<vmem>> -> memref<256xf32, #tpu.memory_space<vmem>>
        tpu.vector_store_idx %scatter3A_1064[%add3A_974], %get3A_1041 {add = true} : memref<256xf32, #tpu.memory_space<vmem>>[vector<16xi32>], vector<16xf32>,
        %mul3A_1065 = arith.mulf %get3A_1041, %get3A_1041 : vector<16xf32>
        %scatter3A_1066 = arith.constant 256 : i32
        %scatter3A_1067 = tpu.memref_slice %arg11[%scatter3A_1066] : memref<1024xf32, #tpu.memory_space<vmem>> -> memref<256xf32, #tpu.memory_space<vmem>>
        tpu.vector_store_idx %scatter3A_1067[%add3A_974], %mul3A_1065 {add = true} : memref<256xf32, #tpu.memory_space<vmem>>[vector<16xi32>], vector<16xf32>,
        %scatter3A_1068 = arith.constant 512 : i32
        %scatter3A_1069 = tpu.memref_slice %arg10[%scatter3A_1068] : memref<1024xf32, #tpu.memory_space<vmem>> -> memref<256xf32, #tpu.memory_space<vmem>>
        tpu.vector_store_idx %scatter3A_1069[%add3A_974], %get3A_1049 {add = true} : memref<256xf32, #tpu.memory_space<vmem>>[vector<16xi32>], vector<16xf32>,
        %mul3A_1070 = arith.mulf %get3A_1049, %get3A_1049 : vector<16xf32>
        %scatter3A_1071 = arith.constant 512 : i32
        %scatter3A_1072 = tpu.memref_slice %arg11[%scatter3A_1071] : memref<1024xf32, #tpu.memory_space<vmem>> -> memref<256xf32, #tpu.memory_space<vmem>>
        tpu.vector_store_idx %scatter3A_1072[%add3A_974], %mul3A_1070 {add = true} : memref<256xf32, #tpu.memory_space<vmem>>[vector<16xi32>], vector<16xf32>,
        %scatter3A_1073 = arith.constant 768 : i32
        %scatter3A_1074 = tpu.memref_slice %arg10[%scatter3A_1073] : memref<1024xf32, #tpu.memory_space<vmem>> -> memref<256xf32, #tpu.memory_space<vmem>>
        tpu.vector_store_idx %scatter3A_1074[%add3A_974], %get3A_1057 {add = true} : memref<256xf32, #tpu.memory_space<vmem>>[vector<16xi32>], vector<16xf32>,
        %mul3A_1075 = arith.mulf %get3A_1057, %get3A_1057 : vector<16xf32>
        %scatter3A_1076 = arith.constant 768 : i32
        %scatter3A_1077 = tpu.memref_slice %arg11[%scatter3A_1076] : memref<1024xf32, #tpu.memory_space<vmem>> -> memref<256xf32, #tpu.memory_space<vmem>>
        tpu.vector_store_idx %scatter3A_1077[%add3A_974], %mul3A_1075 {add = true} : memref<256xf32, #tpu.memory_space<vmem>>[vector<16xi32>], vector<16xf32>,
      }
      %scan3A_951 = arith.constant 112 : i32
    }
    %scan3A_80 = arith.constant 7 : i32
    %eq3A_81 = arith.constant 0 : i32
    %eq3A_82 = arith.cmpi eq, %select_n3A_30, %eq3A_81 : i32
    %convert_element_type3A = arith.extui %eq3A_82 : i1 to i32
    %cond3A = arith.constant 0 : i32
    %cond3A_83 = arith.cmpi ne, %convert_element_type3A, %cond3A : i32
    scf.if %cond3A_83 {
      %mul3A_842 = arith.constant 16 : i32
      %mul3A_843 = vector.broadcast %mul3A_842 : i32 to vector<16xi32>
      %mul3A_844 = arith.muli %iota3A, %mul3A_843 : vector<16xi32>
      %add3A_845 = arith.constant 0 : i32
      %add3A_846 = vector.broadcast %add3A_845 : i32 to vector<16xi32>
      %add3A_847 = arith.addi %add3A_846, %mul3A_844 : vector<16xi32>
      %add3A_848 = arith.constant 0 : i32
      %add3A_849 = vector.broadcast %add3A_848 : i32 to vector<16xi32>
      %add3A_850 = arith.addi %add3A_847, %add3A_849 : vector<16xi32>
      %gather3A_851 = tpu.vector_load_idx %arg9[%add3A_850] : memref<256xf32, #tpu.memory_space<vmem>>[vector<16xi32>], vector<16xf32>,
      %add3A_852 = arith.addf %broadcast_in_dim3A_33, %gather3A_851 : vector<16xf32>
      %add3A_853 = arith.constant 1 : i32
      %add3A_854 = vector.broadcast %add3A_853 : i32 to vector<16xi32>
      %add3A_855 = arith.addi %add3A_847, %add3A_854 : vector<16xi32>
      %gather3A_856 = tpu.vector_load_idx %arg9[%add3A_855] : memref<256xf32, #tpu.memory_space<vmem>>[vector<16xi32>], vector<16xf32>,
      %add3A_857 = arith.addf %add3A_852, %gather3A_856 : vector<16xf32>
      %add3A_858 = arith.constant 2 : i32
      %add3A_859 = vector.broadcast %add3A_858 : i32 to vector<16xi32>
      %add3A_860 = arith.addi %add3A_847, %add3A_859 : vector<16xi32>
      %gather3A_861 = tpu.vector_load_idx %arg9[%add3A_860] : memref<256xf32, #tpu.memory_space<vmem>>[vector<16xi32>], vector<16xf32>,
      %add3A_862 = arith.addf %add3A_857, %gather3A_861 : vector<16xf32>
      %add3A_863 = arith.constant 3 : i32
      %add3A_864 = vector.broadcast %add3A_863 : i32 to vector<16xi32>
      %add3A_865 = arith.addi %add3A_847, %add3A_864 : vector<16xi32>
      %gather3A_866 = tpu.vector_load_idx %arg9[%add3A_865] : memref<256xf32, #tpu.memory_space<vmem>>[vector<16xi32>], vector<16xf32>,
      %add3A_867 = arith.addf %add3A_862, %gather3A_866 : vector<16xf32>
      %add3A_868 = arith.constant 4 : i32
      %add3A_869 = vector.broadcast %add3A_868 : i32 to vector<16xi32>
      %add3A_870 = arith.addi %add3A_847, %add3A_869 : vector<16xi32>
      %gather3A_871 = tpu.vector_load_idx %arg9[%add3A_870] : memref<256xf32, #tpu.memory_space<vmem>>[vector<16xi32>], vector<16xf32>,
      %add3A_872 = arith.addf %add3A_867, %gather3A_871 : vector<16xf32>
      %add3A_873 = arith.constant 5 : i32
      %add3A_874 = vector.broadcast %add3A_873 : i32 to vector<16xi32>
      %add3A_875 = arith.addi %add3A_847, %add3A_874 : vector<16xi32>
      %gather3A_876 = tpu.vector_load_idx %arg9[%add3A_875] : memref<256xf32, #tpu.memory_space<vmem>>[vector<16xi32>], vector<16xf32>,
      %add3A_877 = arith.addf %add3A_872, %gather3A_876 : vector<16xf32>
      %add3A_878 = arith.constant 6 : i32
      %add3A_879 = vector.broadcast %add3A_878 : i32 to vector<16xi32>
      %add3A_880 = arith.addi %add3A_847, %add3A_879 : vector<16xi32>
      %gather3A_881 = tpu.vector_load_idx %arg9[%add3A_880] : memref<256xf32, #tpu.memory_space<vmem>>[vector<16xi32>], vector<16xf32>,
      %add3A_882 = arith.addf %add3A_877, %gather3A_881 : vector<16xf32>
      %add3A_883 = arith.constant 7 : i32
      %add3A_884 = vector.broadcast %add3A_883 : i32 to vector<16xi32>
      %add3A_885 = arith.addi %add3A_847, %add3A_884 : vector<16xi32>
      %gather3A_886 = tpu.vector_load_idx %arg9[%add3A_885] : memref<256xf32, #tpu.memory_space<vmem>>[vector<16xi32>], vector<16xf32>,
      %add3A_887 = arith.addf %add3A_882, %gather3A_886 : vector<16xf32>
      %add3A_888 = arith.constant 8 : i32
      %add3A_889 = vector.broadcast %add3A_888 : i32 to vector<16xi32>
      %add3A_890 = arith.addi %add3A_847, %add3A_889 : vector<16xi32>
      %gather3A_891 = tpu.vector_load_idx %arg9[%add3A_890] : memref<256xf32, #tpu.memory_space<vmem>>[vector<16xi32>], vector<16xf32>,
      %add3A_892 = arith.addf %add3A_887, %gather3A_891 : vector<16xf32>
      %add3A_893 = arith.constant 9 : i32
      %add3A_894 = vector.broadcast %add3A_893 : i32 to vector<16xi32>
      %add3A_895 = arith.addi %add3A_847, %add3A_894 : vector<16xi32>
      %gather3A_896 = tpu.vector_load_idx %arg9[%add3A_895] : memref<256xf32, #tpu.memory_space<vmem>>[vector<16xi32>], vector<16xf32>,
      %add3A_897 = arith.addf %add3A_892, %gather3A_896 : vector<16xf32>
      %add3A_898 = arith.constant 10 : i32
      %add3A_899 = vector.broadcast %add3A_898 : i32 to vector<16xi32>
      %add3A_900 = arith.addi %add3A_847, %add3A_899 : vector<16xi32>
      %gather3A_901 = tpu.vector_load_idx %arg9[%add3A_900] : memref<256xf32, #tpu.memory_space<vmem>>[vector<16xi32>], vector<16xf32>,
      %add3A_902 = arith.addf %add3A_897, %gather3A_901 : vector<16xf32>
      %add3A_903 = arith.constant 11 : i32
      %add3A_904 = vector.broadcast %add3A_903 : i32 to vector<16xi32>
      %add3A_905 = arith.addi %add3A_847, %add3A_904 : vector<16xi32>
      %gather3A_906 = tpu.vector_load_idx %arg9[%add3A_905] : memref<256xf32, #tpu.memory_space<vmem>>[vector<16xi32>], vector<16xf32>,
      %add3A_907 = arith.addf %add3A_902, %gather3A_906 : vector<16xf32>
      %add3A_908 = arith.constant 12 : i32
      %add3A_909 = vector.broadcast %add3A_908 : i32 to vector<16xi32>
      %add3A_910 = arith.addi %add3A_847, %add3A_909 : vector<16xi32>
      %gather3A_911 = tpu.vector_load_idx %arg9[%add3A_910] : memref<256xf32, #tpu.memory_space<vmem>>[vector<16xi32>], vector<16xf32>,
      %add3A_912 = arith.addf %add3A_907, %gather3A_911 : vector<16xf32>
      %add3A_913 = arith.constant 13 : i32
      %add3A_914 = vector.broadcast %add3A_913 : i32 to vector<16xi32>
      %add3A_915 = arith.addi %add3A_847, %add3A_914 : vector<16xi32>
      %gather3A_916 = tpu.vector_load_idx %arg9[%add3A_915] : memref<256xf32, #tpu.memory_space<vmem>>[vector<16xi32>], vector<16xf32>,
      %add3A_917 = arith.addf %add3A_912, %gather3A_916 : vector<16xf32>
      %add3A_918 = arith.constant 14 : i32
      %add3A_919 = vector.broadcast %add3A_918 : i32 to vector<16xi32>
      %add3A_920 = arith.addi %add3A_847, %add3A_919 : vector<16xi32>
      %gather3A_921 = tpu.vector_load_idx %arg9[%add3A_920] : memref<256xf32, #tpu.memory_space<vmem>>[vector<16xi32>], vector<16xf32>,
      %add3A_922 = arith.addf %add3A_917, %gather3A_921 : vector<16xf32>
      %add3A_923 = arith.constant 15 : i32
      %add3A_924 = vector.broadcast %add3A_923 : i32 to vector<16xi32>
      %add3A_925 = arith.addi %add3A_847, %add3A_924 : vector<16xi32>
      %gather3A_926 = tpu.vector_load_idx %arg9[%add3A_925] : memref<256xf32, #tpu.memory_space<vmem>>[vector<16xi32>], vector<16xf32>,
      %add3A_927 = arith.addf %add3A_922, %gather3A_926 : vector<16xf32>
      %swap3A_928 = arith.constant 0 : index
      %swap3A_929 = tpu.vector_load %arg12[%swap3A_928] {strides = array<i32>} : memref<16xf32, #tpu.memory_space<vmem>>, vector<16xf32>,
      tpu.vector_store %arg12[%swap3A_928], %add3A_927 {strides = array<i32>} : memref<16xf32, #tpu.memory_space<vmem>>, vector<16xf32>,
      %mul3A_930 = arith.constant 16 : i32
      %mul3A_931 = arith.muli %select_n3A, %mul3A_930 : i32
      "tpu.region"() ({
        %run_scoped3A = tpu.sem_alloc : memref<!tpu.dma_semaphore, #tpu.memory_space<semaphore_mem>>
        %dma_start3A_932 = tpu.memref_slice %arg4[%mul3A_931] : memref<64xf32, #tpu.memory_space<hbm>> -> memref<16xf32, #tpu.memory_space<hbm>>
        %dma_start3A_933 = tpu.memref_slice %arg4[%mul3A_931] : memref<64xf32, #tpu.memory_space<hbm>> -> memref<16xf32, #tpu.memory_space<hbm>>
        tpu.enqueue_dma source(%arg12 : memref<16xf32, #tpu.memory_space<vmem>>) target(%dma_start3A_933 : memref<16xf32, #tpu.memory_space<hbm>>) target_semaphore(%run_scoped3A : memref<!tpu.dma_semaphore, #tpu.memory_space<semaphore_mem>>)
        %dma_wait3A = tpu.memref_slice %arg4[%mul3A_931] : memref<64xf32, #tpu.memory_space<hbm>> -> memref<16xf32, #tpu.memory_space<hbm>>
        %dma_wait3A_934 = tpu.memref_slice %arg4[%mul3A_931] : memref<64xf32, #tpu.memory_space<hbm>> -> memref<16xf32, #tpu.memory_space<hbm>>
        tpu.wait_dma2 semaphore(%run_scoped3A : memref<!tpu.dma_semaphore, #tpu.memory_space<semaphore_mem>>) src(%arg12 : memref<16xf32, #tpu.memory_space<vmem>>) dst(%dma_wait3A_934 : memref<16xf32, #tpu.memory_space<hbm>>)
        tpu.yield
      }) : () -> ()
    } else {
    }
    %mul3A_84 = arith.constant 16 : i32
    %mul3A_85 = vector.broadcast %mul3A_84 : i32 to vector<16xi32>
    %mul3A_86 = arith.muli %iota3A, %mul3A_85 : vector<16xi32>
    %add3A_87 = arith.constant 0 : i32
    %add3A_88 = vector.broadcast %add3A_87 : i32 to vector<16xi32>
    %add3A_89 = arith.addi %add3A_88, %mul3A_86 : vector<16xi32>
    %add3A_90 = arith.constant 0 : i32
    %add3A_91 = vector.broadcast %add3A_90 : i32 to vector<16xi32>
    %add3A_92 = arith.addi %add3A_89, %add3A_91 : vector<16xi32>
    %gather3A = tpu.vector_load_idx %arg10[%add3A_92] : memref<1024xf32, #tpu.memory_space<vmem>>[vector<16xi32>], vector<16xf32>,
    %add3A_93 = arith.addf %broadcast_in_dim3A_33, %gather3A : vector<16xf32>
    %add3A_94 = arith.constant 1 : i32
    %add3A_95 = vector.broadcast %add3A_94 : i32 to vector<16xi32>
    %add3A_96 = arith.addi %add3A_89, %add3A_95 : vector<16xi32>
    %gather3A_97 = tpu.vector_load_idx %arg10[%add3A_96] : memref<1024xf32, #tpu.memory_space<vmem>>[vector<16xi32>], vector<16xf32>,
    %add3A_98 = arith.addf %add3A_93, %gather3A_97 : vector<16xf32>
    %add3A_99 = arith.constant 2 : i32
    %add3A_100 = vector.broadcast %add3A_99 : i32 to vector<16xi32>
    %add3A_101 = arith.addi %add3A_89, %add3A_100 : vector<16xi32>
    %gather3A_102 = tpu.vector_load_idx %arg10[%add3A_101] : memref<1024xf32, #tpu.memory_space<vmem>>[vector<16xi32>], vector<16xf32>,
    %add3A_103 = arith.addf %add3A_98, %gather3A_102 : vector<16xf32>
    %add3A_104 = arith.constant 3 : i32
    %add3A_105 = vector.broadcast %add3A_104 : i32 to vector<16xi32>
    %add3A_106 = arith.addi %add3A_89, %add3A_105 : vector<16xi32>
    %gather3A_107 = tpu.vector_load_idx %arg10[%add3A_106] : memref<1024xf32, #tpu.memory_space<vmem>>[vector<16xi32>], vector<16xf32>,
    %add3A_108 = arith.addf %add3A_103, %gather3A_107 : vector<16xf32>
    %add3A_109 = arith.constant 4 : i32
    %add3A_110 = vector.broadcast %add3A_109 : i32 to vector<16xi32>
    %add3A_111 = arith.addi %add3A_89, %add3A_110 : vector<16xi32>
    %gather3A_112 = tpu.vector_load_idx %arg10[%add3A_111] : memref<1024xf32, #tpu.memory_space<vmem>>[vector<16xi32>], vector<16xf32>,
    %add3A_113 = arith.addf %add3A_108, %gather3A_112 : vector<16xf32>
    %add3A_114 = arith.constant 5 : i32
    %add3A_115 = vector.broadcast %add3A_114 : i32 to vector<16xi32>
    %add3A_116 = arith.addi %add3A_89, %add3A_115 : vector<16xi32>
    %gather3A_117 = tpu.vector_load_idx %arg10[%add3A_116] : memref<1024xf32, #tpu.memory_space<vmem>>[vector<16xi32>], vector<16xf32>,
    %add3A_118 = arith.addf %add3A_113, %gather3A_117 : vector<16xf32>
    %add3A_119 = arith.constant 6 : i32
    %add3A_120 = vector.broadcast %add3A_119 : i32 to vector<16xi32>
    %add3A_121 = arith.addi %add3A_89, %add3A_120 : vector<16xi32>
    %gather3A_122 = tpu.vector_load_idx %arg10[%add3A_121] : memref<1024xf32, #tpu.memory_space<vmem>>[vector<16xi32>], vector<16xf32>,
    %add3A_123 = arith.addf %add3A_118, %gather3A_122 : vector<16xf32>
    %add3A_124 = arith.constant 7 : i32
    %add3A_125 = vector.broadcast %add3A_124 : i32 to vector<16xi32>
    %add3A_126 = arith.addi %add3A_89, %add3A_125 : vector<16xi32>
    %gather3A_127 = tpu.vector_load_idx %arg10[%add3A_126] : memref<1024xf32, #tpu.memory_space<vmem>>[vector<16xi32>], vector<16xf32>,
    %add3A_128 = arith.addf %add3A_123, %gather3A_127 : vector<16xf32>
    %add3A_129 = arith.constant 8 : i32
    %add3A_130 = vector.broadcast %add3A_129 : i32 to vector<16xi32>
    %add3A_131 = arith.addi %add3A_89, %add3A_130 : vector<16xi32>
    %gather3A_132 = tpu.vector_load_idx %arg10[%add3A_131] : memref<1024xf32, #tpu.memory_space<vmem>>[vector<16xi32>], vector<16xf32>,
    %add3A_133 = arith.addf %add3A_128, %gather3A_132 : vector<16xf32>
    %add3A_134 = arith.constant 9 : i32
    %add3A_135 = vector.broadcast %add3A_134 : i32 to vector<16xi32>
    %add3A_136 = arith.addi %add3A_89, %add3A_135 : vector<16xi32>
    %gather3A_137 = tpu.vector_load_idx %arg10[%add3A_136] : memref<1024xf32, #tpu.memory_space<vmem>>[vector<16xi32>], vector<16xf32>,
    %add3A_138 = arith.addf %add3A_133, %gather3A_137 : vector<16xf32>
    %add3A_139 = arith.constant 10 : i32
    %add3A_140 = vector.broadcast %add3A_139 : i32 to vector<16xi32>
    %add3A_141 = arith.addi %add3A_89, %add3A_140 : vector<16xi32>
    %gather3A_142 = tpu.vector_load_idx %arg10[%add3A_141] : memref<1024xf32, #tpu.memory_space<vmem>>[vector<16xi32>], vector<16xf32>,
    %add3A_143 = arith.addf %add3A_138, %gather3A_142 : vector<16xf32>
    %add3A_144 = arith.constant 11 : i32
    %add3A_145 = vector.broadcast %add3A_144 : i32 to vector<16xi32>
    %add3A_146 = arith.addi %add3A_89, %add3A_145 : vector<16xi32>
    %gather3A_147 = tpu.vector_load_idx %arg10[%add3A_146] : memref<1024xf32, #tpu.memory_space<vmem>>[vector<16xi32>], vector<16xf32>,
    %add3A_148 = arith.addf %add3A_143, %gather3A_147 : vector<16xf32>
    %add3A_149 = arith.constant 12 : i32
    %add3A_150 = vector.broadcast %add3A_149 : i32 to vector<16xi32>
    %add3A_151 = arith.addi %add3A_89, %add3A_150 : vector<16xi32>
    %gather3A_152 = tpu.vector_load_idx %arg10[%add3A_151] : memref<1024xf32, #tpu.memory_space<vmem>>[vector<16xi32>], vector<16xf32>,
    %add3A_153 = arith.addf %add3A_148, %gather3A_152 : vector<16xf32>
    %add3A_154 = arith.constant 13 : i32
    %add3A_155 = vector.broadcast %add3A_154 : i32 to vector<16xi32>
    %add3A_156 = arith.addi %add3A_89, %add3A_155 : vector<16xi32>
    %gather3A_157 = tpu.vector_load_idx %arg10[%add3A_156] : memref<1024xf32, #tpu.memory_space<vmem>>[vector<16xi32>], vector<16xf32>,
    %add3A_158 = arith.addf %add3A_153, %gather3A_157 : vector<16xf32>
    %add3A_159 = arith.constant 14 : i32
    %add3A_160 = vector.broadcast %add3A_159 : i32 to vector<16xi32>
    %add3A_161 = arith.addi %add3A_89, %add3A_160 : vector<16xi32>
    %gather3A_162 = tpu.vector_load_idx %arg10[%add3A_161] : memref<1024xf32, #tpu.memory_space<vmem>>[vector<16xi32>], vector<16xf32>,
    %add3A_163 = arith.addf %add3A_158, %gather3A_162 : vector<16xf32>
    %add3A_164 = arith.constant 15 : i32
    %add3A_165 = vector.broadcast %add3A_164 : i32 to vector<16xi32>
    %add3A_166 = arith.addi %add3A_89, %add3A_165 : vector<16xi32>
    %gather3A_167 = tpu.vector_load_idx %arg10[%add3A_166] : memref<1024xf32, #tpu.memory_space<vmem>>[vector<16xi32>], vector<16xf32>,
    %add3A_168 = arith.addf %add3A_163, %gather3A_167 : vector<16xf32>
    %swap3A = arith.constant 0 : index
    %swap3A_169 = tpu.vector_load %arg12[%swap3A] {strides = array<i32>} : memref<16xf32, #tpu.memory_space<vmem>>, vector<16xf32>,
    tpu.vector_store %arg12[%swap3A], %add3A_168 {strides = array<i32>} : memref<16xf32, #tpu.memory_space<vmem>>, vector<16xf32>,
    %mul3A_170 = arith.constant 32 : i32
    %mul3A_171 = arith.muli %select_n3A, %mul3A_170 : i32
    %add3A_172 = arith.addi %mul3A_171, %multiple_of3A : i32
    %add3A_173 = arith.constant 0 : i32
    %add3A_174 = arith.addi %add3A_172, %add3A_173 : i32
    %mul3A_175 = arith.constant 16 : i32
    %mul3A_176 = arith.muli %add3A_174, %mul3A_175 : i32
    "tpu.region"() ({
      %run_scoped3A = tpu.sem_alloc : memref<!tpu.dma_semaphore, #tpu.memory_space<semaphore_mem>>
      %dma_start3A_842 = tpu.memref_slice %arg5[%mul3A_176] : memref<2048xf32, #tpu.memory_space<hbm>> -> memref<16xf32, #tpu.memory_space<hbm>>
      %dma_start3A_843 = tpu.memref_slice %arg5[%mul3A_176] : memref<2048xf32, #tpu.memory_space<hbm>> -> memref<16xf32, #tpu.memory_space<hbm>>
      tpu.enqueue_dma source(%arg12 : memref<16xf32, #tpu.memory_space<vmem>>) target(%dma_start3A_843 : memref<16xf32, #tpu.memory_space<hbm>>) target_semaphore(%run_scoped3A : memref<!tpu.dma_semaphore, #tpu.memory_space<semaphore_mem>>)
      %dma_wait3A = tpu.memref_slice %arg5[%mul3A_176] : memref<2048xf32, #tpu.memory_space<hbm>> -> memref<16xf32, #tpu.memory_space<hbm>>
      %dma_wait3A_844 = tpu.memref_slice %arg5[%mul3A_176] : memref<2048xf32, #tpu.memory_space<hbm>> -> memref<16xf32, #tpu.memory_space<hbm>>
      tpu.wait_dma2 semaphore(%run_scoped3A : memref<!tpu.dma_semaphore, #tpu.memory_space<semaphore_mem>>) src(%arg12 : memref<16xf32, #tpu.memory_space<vmem>>) dst(%dma_wait3A_844 : memref<16xf32, #tpu.memory_space<hbm>>)
      tpu.yield
    }) : () -> ()
    %mul3A_177 = arith.constant 16 : i32
    %mul3A_178 = vector.broadcast %mul3A_177 : i32 to vector<16xi32>
    %mul3A_179 = arith.muli %iota3A, %mul3A_178 : vector<16xi32>
    %add3A_180 = arith.constant 0 : i32
    %add3A_181 = vector.broadcast %add3A_180 : i32 to vector<16xi32>
    %add3A_182 = arith.addi %add3A_181, %mul3A_179 : vector<16xi32>
    %add3A_183 = arith.constant 0 : i32
    %add3A_184 = vector.broadcast %add3A_183 : i32 to vector<16xi32>
    %add3A_185 = arith.addi %add3A_182, %add3A_184 : vector<16xi32>
    %gather3A_186 = tpu.vector_load_idx %arg11[%add3A_185] : memref<1024xf32, #tpu.memory_space<vmem>>[vector<16xi32>], vector<16xf32>,
    %add3A_187 = arith.addf %broadcast_in_dim3A_33, %gather3A_186 : vector<16xf32>
    %add3A_188 = arith.constant 1 : i32
    %add3A_189 = vector.broadcast %add3A_188 : i32 to vector<16xi32>
    %add3A_190 = arith.addi %add3A_182, %add3A_189 : vector<16xi32>
    %gather3A_191 = tpu.vector_load_idx %arg11[%add3A_190] : memref<1024xf32, #tpu.memory_space<vmem>>[vector<16xi32>], vector<16xf32>,
    %add3A_192 = arith.addf %add3A_187, %gather3A_191 : vector<16xf32>
    %add3A_193 = arith.constant 2 : i32
    %add3A_194 = vector.broadcast %add3A_193 : i32 to vector<16xi32>
    %add3A_195 = arith.addi %add3A_182, %add3A_194 : vector<16xi32>
    %gather3A_196 = tpu.vector_load_idx %arg11[%add3A_195] : memref<1024xf32, #tpu.memory_space<vmem>>[vector<16xi32>], vector<16xf32>,
    %add3A_197 = arith.addf %add3A_192, %gather3A_196 : vector<16xf32>
    %add3A_198 = arith.constant 3 : i32
    %add3A_199 = vector.broadcast %add3A_198 : i32 to vector<16xi32>
    %add3A_200 = arith.addi %add3A_182, %add3A_199 : vector<16xi32>
    %gather3A_201 = tpu.vector_load_idx %arg11[%add3A_200] : memref<1024xf32, #tpu.memory_space<vmem>>[vector<16xi32>], vector<16xf32>,
    %add3A_202 = arith.addf %add3A_197, %gather3A_201 : vector<16xf32>
    %add3A_203 = arith.constant 4 : i32
    %add3A_204 = vector.broadcast %add3A_203 : i32 to vector<16xi32>
    %add3A_205 = arith.addi %add3A_182, %add3A_204 : vector<16xi32>
    %gather3A_206 = tpu.vector_load_idx %arg11[%add3A_205] : memref<1024xf32, #tpu.memory_space<vmem>>[vector<16xi32>], vector<16xf32>,
    %add3A_207 = arith.addf %add3A_202, %gather3A_206 : vector<16xf32>
    %add3A_208 = arith.constant 5 : i32
    %add3A_209 = vector.broadcast %add3A_208 : i32 to vector<16xi32>
    %add3A_210 = arith.addi %add3A_182, %add3A_209 : vector<16xi32>
    %gather3A_211 = tpu.vector_load_idx %arg11[%add3A_210] : memref<1024xf32, #tpu.memory_space<vmem>>[vector<16xi32>], vector<16xf32>,
    %add3A_212 = arith.addf %add3A_207, %gather3A_211 : vector<16xf32>
    %add3A_213 = arith.constant 6 : i32
    %add3A_214 = vector.broadcast %add3A_213 : i32 to vector<16xi32>
    %add3A_215 = arith.addi %add3A_182, %add3A_214 : vector<16xi32>
    %gather3A_216 = tpu.vector_load_idx %arg11[%add3A_215] : memref<1024xf32, #tpu.memory_space<vmem>>[vector<16xi32>], vector<16xf32>,
    %add3A_217 = arith.addf %add3A_212, %gather3A_216 : vector<16xf32>
    %add3A_218 = arith.constant 7 : i32
    %add3A_219 = vector.broadcast %add3A_218 : i32 to vector<16xi32>
    %add3A_220 = arith.addi %add3A_182, %add3A_219 : vector<16xi32>
    %gather3A_221 = tpu.vector_load_idx %arg11[%add3A_220] : memref<1024xf32, #tpu.memory_space<vmem>>[vector<16xi32>], vector<16xf32>,
    %add3A_222 = arith.addf %add3A_217, %gather3A_221 : vector<16xf32>
    %add3A_223 = arith.constant 8 : i32
    %add3A_224 = vector.broadcast %add3A_223 : i32 to vector<16xi32>
    %add3A_225 = arith.addi %add3A_182, %add3A_224 : vector<16xi32>
    %gather3A_226 = tpu.vector_load_idx %arg11[%add3A_225] : memref<1024xf32, #tpu.memory_space<vmem>>[vector<16xi32>], vector<16xf32>,
    %add3A_227 = arith.addf %add3A_222, %gather3A_226 : vector<16xf32>
    %add3A_228 = arith.constant 9 : i32
    %add3A_229 = vector.broadcast %add3A_228 : i32 to vector<16xi32>
    %add3A_230 = arith.addi %add3A_182, %add3A_229 : vector<16xi32>
    %gather3A_231 = tpu.vector_load_idx %arg11[%add3A_230] : memref<1024xf32, #tpu.memory_space<vmem>>[vector<16xi32>], vector<16xf32>,
    %add3A_232 = arith.addf %add3A_227, %gather3A_231 : vector<16xf32>
    %add3A_233 = arith.constant 10 : i32
    %add3A_234 = vector.broadcast %add3A_233 : i32 to vector<16xi32>
    %add3A_235 = arith.addi %add3A_182, %add3A_234 : vector<16xi32>
    %gather3A_236 = tpu.vector_load_idx %arg11[%add3A_235] : memref<1024xf32, #tpu.memory_space<vmem>>[vector<16xi32>], vector<16xf32>,
    %add3A_237 = arith.addf %add3A_232, %gather3A_236 : vector<16xf32>
    %add3A_238 = arith.constant 11 : i32
    %add3A_239 = vector.broadcast %add3A_238 : i32 to vector<16xi32>
    %add3A_240 = arith.addi %add3A_182, %add3A_239 : vector<16xi32>
    %gather3A_241 = tpu.vector_load_idx %arg11[%add3A_240] : memref<1024xf32, #tpu.memory_space<vmem>>[vector<16xi32>], vector<16xf32>,
    %add3A_242 = arith.addf %add3A_237, %gather3A_241 : vector<16xf32>
    %add3A_243 = arith.constant 12 : i32
    %add3A_244 = vector.broadcast %add3A_243 : i32 to vector<16xi32>
    %add3A_245 = arith.addi %add3A_182, %add3A_244 : vector<16xi32>
    %gather3A_246 = tpu.vector_load_idx %arg11[%add3A_245] : memref<1024xf32, #tpu.memory_space<vmem>>[vector<16xi32>], vector<16xf32>,
    %add3A_247 = arith.addf %add3A_242, %gather3A_246 : vector<16xf32>
    %add3A_248 = arith.constant 13 : i32
    %add3A_249 = vector.broadcast %add3A_248 : i32 to vector<16xi32>
    %add3A_250 = arith.addi %add3A_182, %add3A_249 : vector<16xi32>
    %gather3A_251 = tpu.vector_load_idx %arg11[%add3A_250] : memref<1024xf32, #tpu.memory_space<vmem>>[vector<16xi32>], vector<16xf32>,
    %add3A_252 = arith.addf %add3A_247, %gather3A_251 : vector<16xf32>
    %add3A_253 = arith.constant 14 : i32
    %add3A_254 = vector.broadcast %add3A_253 : i32 to vector<16xi32>
    %add3A_255 = arith.addi %add3A_182, %add3A_254 : vector<16xi32>
    %gather3A_256 = tpu.vector_load_idx %arg11[%add3A_255] : memref<1024xf32, #tpu.memory_space<vmem>>[vector<16xi32>], vector<16xf32>,
    %add3A_257 = arith.addf %add3A_252, %gather3A_256 : vector<16xf32>
    %add3A_258 = arith.constant 15 : i32
    %add3A_259 = vector.broadcast %add3A_258 : i32 to vector<16xi32>
    %add3A_260 = arith.addi %add3A_182, %add3A_259 : vector<16xi32>
    %gather3A_261 = tpu.vector_load_idx %arg11[%add3A_260] : memref<1024xf32, #tpu.memory_space<vmem>>[vector<16xi32>], vector<16xf32>,
    %add3A_262 = arith.addf %add3A_257, %gather3A_261 : vector<16xf32>
    %swap3A_263 = arith.constant 0 : index
    %swap3A_264 = tpu.vector_load %arg12[%swap3A_263] {strides = array<i32>} : memref<16xf32, #tpu.memory_space<vmem>>, vector<16xf32>,
    tpu.vector_store %arg12[%swap3A_263], %add3A_262 {strides = array<i32>} : memref<16xf32, #tpu.memory_space<vmem>>, vector<16xf32>,
    %mul3A_265 = arith.constant 32 : i32
    %mul3A_266 = arith.muli %select_n3A, %mul3A_265 : i32
    %add3A_267 = arith.addi %mul3A_266, %multiple_of3A : i32
    %add3A_268 = arith.constant 0 : i32
    %add3A_269 = arith.addi %add3A_267, %add3A_268 : i32
    %mul3A_270 = arith.constant 16 : i32
    %mul3A_271 = arith.muli %add3A_269, %mul3A_270 : i32
    "tpu.region"() ({
      %run_scoped3A = tpu.sem_alloc : memref<!tpu.dma_semaphore, #tpu.memory_space<semaphore_mem>>
      %dma_start3A_842 = tpu.memref_slice %arg6[%mul3A_271] : memref<2048xf32, #tpu.memory_space<hbm>> -> memref<16xf32, #tpu.memory_space<hbm>>
      %dma_start3A_843 = tpu.memref_slice %arg6[%mul3A_271] : memref<2048xf32, #tpu.memory_space<hbm>> -> memref<16xf32, #tpu.memory_space<hbm>>
      tpu.enqueue_dma source(%arg12 : memref<16xf32, #tpu.memory_space<vmem>>) target(%dma_start3A_843 : memref<16xf32, #tpu.memory_space<hbm>>) target_semaphore(%run_scoped3A : memref<!tpu.dma_semaphore, #tpu.memory_space<semaphore_mem>>)
      %dma_wait3A = tpu.memref_slice %arg6[%mul3A_271] : memref<2048xf32, #tpu.memory_space<hbm>> -> memref<16xf32, #tpu.memory_space<hbm>>
      %dma_wait3A_844 = tpu.memref_slice %arg6[%mul3A_271] : memref<2048xf32, #tpu.memory_space<hbm>> -> memref<16xf32, #tpu.memory_space<hbm>>
      tpu.wait_dma2 semaphore(%run_scoped3A : memref<!tpu.dma_semaphore, #tpu.memory_space<semaphore_mem>>) src(%arg12 : memref<16xf32, #tpu.memory_space<vmem>>) dst(%dma_wait3A_844 : memref<16xf32, #tpu.memory_space<hbm>>)
      tpu.yield
    }) : () -> ()
    %mul3A_272 = arith.constant 16 : i32
    %mul3A_273 = vector.broadcast %mul3A_272 : i32 to vector<16xi32>
    %mul3A_274 = arith.muli %iota3A, %mul3A_273 : vector<16xi32>
    %add3A_275 = arith.constant 256 : i32
    %add3A_276 = vector.broadcast %add3A_275 : i32 to vector<16xi32>
    %add3A_277 = arith.addi %add3A_276, %mul3A_274 : vector<16xi32>
    %add3A_278 = arith.constant 0 : i32
    %add3A_279 = vector.broadcast %add3A_278 : i32 to vector<16xi32>
    %add3A_280 = arith.addi %add3A_277, %add3A_279 : vector<16xi32>
    %gather3A_281 = tpu.vector_load_idx %arg10[%add3A_280] : memref<1024xf32, #tpu.memory_space<vmem>>[vector<16xi32>], vector<16xf32>,
    %add3A_282 = arith.addf %broadcast_in_dim3A_33, %gather3A_281 : vector<16xf32>
    %add3A_283 = arith.constant 1 : i32
    %add3A_284 = vector.broadcast %add3A_283 : i32 to vector<16xi32>
    %add3A_285 = arith.addi %add3A_277, %add3A_284 : vector<16xi32>
    %gather3A_286 = tpu.vector_load_idx %arg10[%add3A_285] : memref<1024xf32, #tpu.memory_space<vmem>>[vector<16xi32>], vector<16xf32>,
    %add3A_287 = arith.addf %add3A_282, %gather3A_286 : vector<16xf32>
    %add3A_288 = arith.constant 2 : i32
    %add3A_289 = vector.broadcast %add3A_288 : i32 to vector<16xi32>
    %add3A_290 = arith.addi %add3A_277, %add3A_289 : vector<16xi32>
    %gather3A_291 = tpu.vector_load_idx %arg10[%add3A_290] : memref<1024xf32, #tpu.memory_space<vmem>>[vector<16xi32>], vector<16xf32>,
    %add3A_292 = arith.addf %add3A_287, %gather3A_291 : vector<16xf32>
    %add3A_293 = arith.constant 3 : i32
    %add3A_294 = vector.broadcast %add3A_293 : i32 to vector<16xi32>
    %add3A_295 = arith.addi %add3A_277, %add3A_294 : vector<16xi32>
    %gather3A_296 = tpu.vector_load_idx %arg10[%add3A_295] : memref<1024xf32, #tpu.memory_space<vmem>>[vector<16xi32>], vector<16xf32>,
    %add3A_297 = arith.addf %add3A_292, %gather3A_296 : vector<16xf32>
    %add3A_298 = arith.constant 4 : i32
    %add3A_299 = vector.broadcast %add3A_298 : i32 to vector<16xi32>
    %add3A_300 = arith.addi %add3A_277, %add3A_299 : vector<16xi32>
    %gather3A_301 = tpu.vector_load_idx %arg10[%add3A_300] : memref<1024xf32, #tpu.memory_space<vmem>>[vector<16xi32>], vector<16xf32>,
    %add3A_302 = arith.addf %add3A_297, %gather3A_301 : vector<16xf32>
    %add3A_303 = arith.constant 5 : i32
    %add3A_304 = vector.broadcast %add3A_303 : i32 to vector<16xi32>
    %add3A_305 = arith.addi %add3A_277, %add3A_304 : vector<16xi32>
    %gather3A_306 = tpu.vector_load_idx %arg10[%add3A_305] : memref<1024xf32, #tpu.memory_space<vmem>>[vector<16xi32>], vector<16xf32>,
    %add3A_307 = arith.addf %add3A_302, %gather3A_306 : vector<16xf32>
    %add3A_308 = arith.constant 6 : i32
    %add3A_309 = vector.broadcast %add3A_308 : i32 to vector<16xi32>
    %add3A_310 = arith.addi %add3A_277, %add3A_309 : vector<16xi32>
    %gather3A_311 = tpu.vector_load_idx %arg10[%add3A_310] : memref<1024xf32, #tpu.memory_space<vmem>>[vector<16xi32>], vector<16xf32>,
    %add3A_312 = arith.addf %add3A_307, %gather3A_311 : vector<16xf32>
    %add3A_313 = arith.constant 7 : i32
    %add3A_314 = vector.broadcast %add3A_313 : i32 to vector<16xi32>
    %add3A_315 = arith.addi %add3A_277, %add3A_314 : vector<16xi32>
    %gather3A_316 = tpu.vector_load_idx %arg10[%add3A_315] : memref<1024xf32, #tpu.memory_space<vmem>>[vector<16xi32>], vector<16xf32>,
    %add3A_317 = arith.addf %add3A_312, %gather3A_316 : vector<16xf32>
    %add3A_318 = arith.constant 8 : i32
    %add3A_319 = vector.broadcast %add3A_318 : i32 to vector<16xi32>
    %add3A_320 = arith.addi %add3A_277, %add3A_319 : vector<16xi32>
    %gather3A_321 = tpu.vector_load_idx %arg10[%add3A_320] : memref<1024xf32, #tpu.memory_space<vmem>>[vector<16xi32>], vector<16xf32>,
    %add3A_322 = arith.addf %add3A_317, %gather3A_321 : vector<16xf32>
    %add3A_323 = arith.constant 9 : i32
    %add3A_324 = vector.broadcast %add3A_323 : i32 to vector<16xi32>
    %add3A_325 = arith.addi %add3A_277, %add3A_324 : vector<16xi32>
    %gather3A_326 = tpu.vector_load_idx %arg10[%add3A_325] : memref<1024xf32, #tpu.memory_space<vmem>>[vector<16xi32>], vector<16xf32>,
    %add3A_327 = arith.addf %add3A_322, %gather3A_326 : vector<16xf32>
    %add3A_328 = arith.constant 10 : i32
    %add3A_329 = vector.broadcast %add3A_328 : i32 to vector<16xi32>
    %add3A_330 = arith.addi %add3A_277, %add3A_329 : vector<16xi32>
    %gather3A_331 = tpu.vector_load_idx %arg10[%add3A_330] : memref<1024xf32, #tpu.memory_space<vmem>>[vector<16xi32>], vector<16xf32>,
    %add3A_332 = arith.addf %add3A_327, %gather3A_331 : vector<16xf32>
    %add3A_333 = arith.constant 11 : i32
    %add3A_334 = vector.broadcast %add3A_333 : i32 to vector<16xi32>
    %add3A_335 = arith.addi %add3A_277, %add3A_334 : vector<16xi32>
    %gather3A_336 = tpu.vector_load_idx %arg10[%add3A_335] : memref<1024xf32, #tpu.memory_space<vmem>>[vector<16xi32>], vector<16xf32>,
    %add3A_337 = arith.addf %add3A_332, %gather3A_336 : vector<16xf32>
    %add3A_338 = arith.constant 12 : i32
    %add3A_339 = vector.broadcast %add3A_338 : i32 to vector<16xi32>
    %add3A_340 = arith.addi %add3A_277, %add3A_339 : vector<16xi32>
    %gather3A_341 = tpu.vector_load_idx %arg10[%add3A_340] : memref<1024xf32, #tpu.memory_space<vmem>>[vector<16xi32>], vector<16xf32>,
    %add3A_342 = arith.addf %add3A_337, %gather3A_341 : vector<16xf32>
    %add3A_343 = arith.constant 13 : i32
    %add3A_344 = vector.broadcast %add3A_343 : i32 to vector<16xi32>
    %add3A_345 = arith.addi %add3A_277, %add3A_344 : vector<16xi32>
    %gather3A_346 = tpu.vector_load_idx %arg10[%add3A_345] : memref<1024xf32, #tpu.memory_space<vmem>>[vector<16xi32>], vector<16xf32>,
    %add3A_347 = arith.addf %add3A_342, %gather3A_346 : vector<16xf32>
    %add3A_348 = arith.constant 14 : i32
    %add3A_349 = vector.broadcast %add3A_348 : i32 to vector<16xi32>
    %add3A_350 = arith.addi %add3A_277, %add3A_349 : vector<16xi32>
    %gather3A_351 = tpu.vector_load_idx %arg10[%add3A_350] : memref<1024xf32, #tpu.memory_space<vmem>>[vector<16xi32>], vector<16xf32>,
    %add3A_352 = arith.addf %add3A_347, %gather3A_351 : vector<16xf32>
    %add3A_353 = arith.constant 15 : i32
    %add3A_354 = vector.broadcast %add3A_353 : i32 to vector<16xi32>
    %add3A_355 = arith.addi %add3A_277, %add3A_354 : vector<16xi32>
    %gather3A_356 = tpu.vector_load_idx %arg10[%add3A_355] : memref<1024xf32, #tpu.memory_space<vmem>>[vector<16xi32>], vector<16xf32>,
    %add3A_357 = arith.addf %add3A_352, %gather3A_356 : vector<16xf32>
    %swap3A_358 = arith.constant 0 : index
    %swap3A_359 = tpu.vector_load %arg12[%swap3A_358] {strides = array<i32>} : memref<16xf32, #tpu.memory_space<vmem>>, vector<16xf32>,
    tpu.vector_store %arg12[%swap3A_358], %add3A_357 {strides = array<i32>} : memref<16xf32, #tpu.memory_space<vmem>>, vector<16xf32>,
    %mul3A_360 = arith.constant 32 : i32
    %mul3A_361 = arith.muli %select_n3A, %mul3A_360 : i32
    %add3A_362 = arith.addi %mul3A_361, %multiple_of3A : i32
    %add3A_363 = arith.constant 1 : i32
    %add3A_364 = arith.addi %add3A_362, %add3A_363 : i32
    %mul3A_365 = arith.constant 16 : i32
    %mul3A_366 = arith.muli %add3A_364, %mul3A_365 : i32
    "tpu.region"() ({
      %run_scoped3A = tpu.sem_alloc : memref<!tpu.dma_semaphore, #tpu.memory_space<semaphore_mem>>
      %dma_start3A_842 = tpu.memref_slice %arg5[%mul3A_366] : memref<2048xf32, #tpu.memory_space<hbm>> -> memref<16xf32, #tpu.memory_space<hbm>>
      %dma_start3A_843 = tpu.memref_slice %arg5[%mul3A_366] : memref<2048xf32, #tpu.memory_space<hbm>> -> memref<16xf32, #tpu.memory_space<hbm>>
      tpu.enqueue_dma source(%arg12 : memref<16xf32, #tpu.memory_space<vmem>>) target(%dma_start3A_843 : memref<16xf32, #tpu.memory_space<hbm>>) target_semaphore(%run_scoped3A : memref<!tpu.dma_semaphore, #tpu.memory_space<semaphore_mem>>)
      %dma_wait3A = tpu.memref_slice %arg5[%mul3A_366] : memref<2048xf32, #tpu.memory_space<hbm>> -> memref<16xf32, #tpu.memory_space<hbm>>
      %dma_wait3A_844 = tpu.memref_slice %arg5[%mul3A_366] : memref<2048xf32, #tpu.memory_space<hbm>> -> memref<16xf32, #tpu.memory_space<hbm>>
      tpu.wait_dma2 semaphore(%run_scoped3A : memref<!tpu.dma_semaphore, #tpu.memory_space<semaphore_mem>>) src(%arg12 : memref<16xf32, #tpu.memory_space<vmem>>) dst(%dma_wait3A_844 : memref<16xf32, #tpu.memory_space<hbm>>)
      tpu.yield
    }) : () -> ()
    %mul3A_367 = arith.constant 16 : i32
    %mul3A_368 = vector.broadcast %mul3A_367 : i32 to vector<16xi32>
    %mul3A_369 = arith.muli %iota3A, %mul3A_368 : vector<16xi32>
    %add3A_370 = arith.constant 256 : i32
    %add3A_371 = vector.broadcast %add3A_370 : i32 to vector<16xi32>
    %add3A_372 = arith.addi %add3A_371, %mul3A_369 : vector<16xi32>
    %add3A_373 = arith.constant 0 : i32
    %add3A_374 = vector.broadcast %add3A_373 : i32 to vector<16xi32>
    %add3A_375 = arith.addi %add3A_372, %add3A_374 : vector<16xi32>
    %gather3A_376 = tpu.vector_load_idx %arg11[%add3A_375] : memref<1024xf32, #tpu.memory_space<vmem>>[vector<16xi32>], vector<16xf32>,
    %add3A_377 = arith.addf %broadcast_in_dim3A_33, %gather3A_376 : vector<16xf32>
    %add3A_378 = arith.constant 1 : i32
    %add3A_379 = vector.broadcast %add3A_378 : i32 to vector<16xi32>
    %add3A_380 = arith.addi %add3A_372, %add3A_379 : vector<16xi32>
    %gather3A_381 = tpu.vector_load_idx %arg11[%add3A_380] : memref<1024xf32, #tpu.memory_space<vmem>>[vector<16xi32>], vector<16xf32>,
    %add3A_382 = arith.addf %add3A_377, %gather3A_381 : vector<16xf32>
    %add3A_383 = arith.constant 2 : i32
    %add3A_384 = vector.broadcast %add3A_383 : i32 to vector<16xi32>
    %add3A_385 = arith.addi %add3A_372, %add3A_384 : vector<16xi32>
    %gather3A_386 = tpu.vector_load_idx %arg11[%add3A_385] : memref<1024xf32, #tpu.memory_space<vmem>>[vector<16xi32>], vector<16xf32>,
    %add3A_387 = arith.addf %add3A_382, %gather3A_386 : vector<16xf32>
    %add3A_388 = arith.constant 3 : i32
    %add3A_389 = vector.broadcast %add3A_388 : i32 to vector<16xi32>
    %add3A_390 = arith.addi %add3A_372, %add3A_389 : vector<16xi32>
    %gather3A_391 = tpu.vector_load_idx %arg11[%add3A_390] : memref<1024xf32, #tpu.memory_space<vmem>>[vector<16xi32>], vector<16xf32>,
    %add3A_392 = arith.addf %add3A_387, %gather3A_391 : vector<16xf32>
    %add3A_393 = arith.constant 4 : i32
    %add3A_394 = vector.broadcast %add3A_393 : i32 to vector<16xi32>
    %add3A_395 = arith.addi %add3A_372, %add3A_394 : vector<16xi32>
    %gather3A_396 = tpu.vector_load_idx %arg11[%add3A_395] : memref<1024xf32, #tpu.memory_space<vmem>>[vector<16xi32>], vector<16xf32>,
    %add3A_397 = arith.addf %add3A_392, %gather3A_396 : vector<16xf32>
    %add3A_398 = arith.constant 5 : i32
    %add3A_399 = vector.broadcast %add3A_398 : i32 to vector<16xi32>
    %add3A_400 = arith.addi %add3A_372, %add3A_399 : vector<16xi32>
    %gather3A_401 = tpu.vector_load_idx %arg11[%add3A_400] : memref<1024xf32, #tpu.memory_space<vmem>>[vector<16xi32>], vector<16xf32>,
    %add3A_402 = arith.addf %add3A_397, %gather3A_401 : vector<16xf32>
    %add3A_403 = arith.constant 6 : i32
    %add3A_404 = vector.broadcast %add3A_403 : i32 to vector<16xi32>
    %add3A_405 = arith.addi %add3A_372, %add3A_404 : vector<16xi32>
    %gather3A_406 = tpu.vector_load_idx %arg11[%add3A_405] : memref<1024xf32, #tpu.memory_space<vmem>>[vector<16xi32>], vector<16xf32>,
    %add3A_407 = arith.addf %add3A_402, %gather3A_406 : vector<16xf32>
    %add3A_408 = arith.constant 7 : i32
    %add3A_409 = vector.broadcast %add3A_408 : i32 to vector<16xi32>
    %add3A_410 = arith.addi %add3A_372, %add3A_409 : vector<16xi32>
    %gather3A_411 = tpu.vector_load_idx %arg11[%add3A_410] : memref<1024xf32, #tpu.memory_space<vmem>>[vector<16xi32>], vector<16xf32>,
    %add3A_412 = arith.addf %add3A_407, %gather3A_411 : vector<16xf32>
    %add3A_413 = arith.constant 8 : i32
    %add3A_414 = vector.broadcast %add3A_413 : i32 to vector<16xi32>
    %add3A_415 = arith.addi %add3A_372, %add3A_414 : vector<16xi32>
    %gather3A_416 = tpu.vector_load_idx %arg11[%add3A_415] : memref<1024xf32, #tpu.memory_space<vmem>>[vector<16xi32>], vector<16xf32>,
    %add3A_417 = arith.addf %add3A_412, %gather3A_416 : vector<16xf32>
    %add3A_418 = arith.constant 9 : i32
    %add3A_419 = vector.broadcast %add3A_418 : i32 to vector<16xi32>
    %add3A_420 = arith.addi %add3A_372, %add3A_419 : vector<16xi32>
    %gather3A_421 = tpu.vector_load_idx %arg11[%add3A_420] : memref<1024xf32, #tpu.memory_space<vmem>>[vector<16xi32>], vector<16xf32>,
    %add3A_422 = arith.addf %add3A_417, %gather3A_421 : vector<16xf32>
    %add3A_423 = arith.constant 10 : i32
    %add3A_424 = vector.broadcast %add3A_423 : i32 to vector<16xi32>
    %add3A_425 = arith.addi %add3A_372, %add3A_424 : vector<16xi32>
    %gather3A_426 = tpu.vector_load_idx %arg11[%add3A_425] : memref<1024xf32, #tpu.memory_space<vmem>>[vector<16xi32>], vector<16xf32>,
    %add3A_427 = arith.addf %add3A_422, %gather3A_426 : vector<16xf32>
    %add3A_428 = arith.constant 11 : i32
    %add3A_429 = vector.broadcast %add3A_428 : i32 to vector<16xi32>
    %add3A_430 = arith.addi %add3A_372, %add3A_429 : vector<16xi32>
    %gather3A_431 = tpu.vector_load_idx %arg11[%add3A_430] : memref<1024xf32, #tpu.memory_space<vmem>>[vector<16xi32>], vector<16xf32>,
    %add3A_432 = arith.addf %add3A_427, %gather3A_431 : vector<16xf32>
    %add3A_433 = arith.constant 12 : i32
    %add3A_434 = vector.broadcast %add3A_433 : i32 to vector<16xi32>
    %add3A_435 = arith.addi %add3A_372, %add3A_434 : vector<16xi32>
    %gather3A_436 = tpu.vector_load_idx %arg11[%add3A_435] : memref<1024xf32, #tpu.memory_space<vmem>>[vector<16xi32>], vector<16xf32>,
    %add3A_437 = arith.addf %add3A_432, %gather3A_436 : vector<16xf32>
    %add3A_438 = arith.constant 13 : i32
    %add3A_439 = vector.broadcast %add3A_438 : i32 to vector<16xi32>
    %add3A_440 = arith.addi %add3A_372, %add3A_439 : vector<16xi32>
    %gather3A_441 = tpu.vector_load_idx %arg11[%add3A_440] : memref<1024xf32, #tpu.memory_space<vmem>>[vector<16xi32>], vector<16xf32>,
    %add3A_442 = arith.addf %add3A_437, %gather3A_441 : vector<16xf32>
    %add3A_443 = arith.constant 14 : i32
    %add3A_444 = vector.broadcast %add3A_443 : i32 to vector<16xi32>
    %add3A_445 = arith.addi %add3A_372, %add3A_444 : vector<16xi32>
    %gather3A_446 = tpu.vector_load_idx %arg11[%add3A_445] : memref<1024xf32, #tpu.memory_space<vmem>>[vector<16xi32>], vector<16xf32>,
    %add3A_447 = arith.addf %add3A_442, %gather3A_446 : vector<16xf32>
    %add3A_448 = arith.constant 15 : i32
    %add3A_449 = vector.broadcast %add3A_448 : i32 to vector<16xi32>
    %add3A_450 = arith.addi %add3A_372, %add3A_449 : vector<16xi32>
    %gather3A_451 = tpu.vector_load_idx %arg11[%add3A_450] : memref<1024xf32, #tpu.memory_space<vmem>>[vector<16xi32>], vector<16xf32>,
    %add3A_452 = arith.addf %add3A_447, %gather3A_451 : vector<16xf32>
    %swap3A_453 = arith.constant 0 : index
    %swap3A_454 = tpu.vector_load %arg12[%swap3A_453] {strides = array<i32>} : memref<16xf32, #tpu.memory_space<vmem>>, vector<16xf32>,
    tpu.vector_store %arg12[%swap3A_453], %add3A_452 {strides = array<i32>} : memref<16xf32, #tpu.memory_space<vmem>>, vector<16xf32>,
    %mul3A_455 = arith.constant 32 : i32
    %mul3A_456 = arith.muli %select_n3A, %mul3A_455 : i32
    %add3A_457 = arith.addi %mul3A_456, %multiple_of3A : i32
    %add3A_458 = arith.constant 1 : i32
    %add3A_459 = arith.addi %add3A_457, %add3A_458 : i32
    %mul3A_460 = arith.constant 16 : i32
    %mul3A_461 = arith.muli %add3A_459, %mul3A_460 : i32
    "tpu.region"() ({
      %run_scoped3A = tpu.sem_alloc : memref<!tpu.dma_semaphore, #tpu.memory_space<semaphore_mem>>
      %dma_start3A_842 = tpu.memref_slice %arg6[%mul3A_461] : memref<2048xf32, #tpu.memory_space<hbm>> -> memref<16xf32, #tpu.memory_space<hbm>>
      %dma_start3A_843 = tpu.memref_slice %arg6[%mul3A_461] : memref<2048xf32, #tpu.memory_space<hbm>> -> memref<16xf32, #tpu.memory_space<hbm>>
      tpu.enqueue_dma source(%arg12 : memref<16xf32, #tpu.memory_space<vmem>>) target(%dma_start3A_843 : memref<16xf32, #tpu.memory_space<hbm>>) target_semaphore(%run_scoped3A : memref<!tpu.dma_semaphore, #tpu.memory_space<semaphore_mem>>)
      %dma_wait3A = tpu.memref_slice %arg6[%mul3A_461] : memref<2048xf32, #tpu.memory_space<hbm>> -> memref<16xf32, #tpu.memory_space<hbm>>
      %dma_wait3A_844 = tpu.memref_slice %arg6[%mul3A_461] : memref<2048xf32, #tpu.memory_space<hbm>> -> memref<16xf32, #tpu.memory_space<hbm>>
      tpu.wait_dma2 semaphore(%run_scoped3A : memref<!tpu.dma_semaphore, #tpu.memory_space<semaphore_mem>>) src(%arg12 : memref<16xf32, #tpu.memory_space<vmem>>) dst(%dma_wait3A_844 : memref<16xf32, #tpu.memory_space<hbm>>)
      tpu.yield
    }) : () -> ()
    %mul3A_462 = arith.constant 16 : i32
    %mul3A_463 = vector.broadcast %mul3A_462 : i32 to vector<16xi32>
    %mul3A_464 = arith.muli %iota3A, %mul3A_463 : vector<16xi32>
    %add3A_465 = arith.constant 512 : i32
    %add3A_466 = vector.broadcast %add3A_465 : i32 to vector<16xi32>
    %add3A_467 = arith.addi %add3A_466, %mul3A_464 : vector<16xi32>
    %add3A_468 = arith.constant 0 : i32
    %add3A_469 = vector.broadcast %add3A_468 : i32 to vector<16xi32>
    %add3A_470 = arith.addi %add3A_467, %add3A_469 : vector<16xi32>
    %gather3A_471 = tpu.vector_load_idx %arg10[%add3A_470] : memref<1024xf32, #tpu.memory_space<vmem>>[vector<16xi32>], vector<16xf32>,
    %add3A_472 = arith.addf %broadcast_in_dim3A_33, %gather3A_471 : vector<16xf32>
    %add3A_473 = arith.constant 1 : i32
    %add3A_474 = vector.broadcast %add3A_473 : i32 to vector<16xi32>
    %add3A_475 = arith.addi %add3A_467, %add3A_474 : vector<16xi32>
    %gather3A_476 = tpu.vector_load_idx %arg10[%add3A_475] : memref<1024xf32, #tpu.memory_space<vmem>>[vector<16xi32>], vector<16xf32>,
    %add3A_477 = arith.addf %add3A_472, %gather3A_476 : vector<16xf32>
    %add3A_478 = arith.constant 2 : i32
    %add3A_479 = vector.broadcast %add3A_478 : i32 to vector<16xi32>
    %add3A_480 = arith.addi %add3A_467, %add3A_479 : vector<16xi32>
    %gather3A_481 = tpu.vector_load_idx %arg10[%add3A_480] : memref<1024xf32, #tpu.memory_space<vmem>>[vector<16xi32>], vector<16xf32>,
    %add3A_482 = arith.addf %add3A_477, %gather3A_481 : vector<16xf32>
    %add3A_483 = arith.constant 3 : i32
    %add3A_484 = vector.broadcast %add3A_483 : i32 to vector<16xi32>
    %add3A_485 = arith.addi %add3A_467, %add3A_484 : vector<16xi32>
    %gather3A_486 = tpu.vector_load_idx %arg10[%add3A_485] : memref<1024xf32, #tpu.memory_space<vmem>>[vector<16xi32>], vector<16xf32>,
    %add3A_487 = arith.addf %add3A_482, %gather3A_486 : vector<16xf32>
    %add3A_488 = arith.constant 4 : i32
    %add3A_489 = vector.broadcast %add3A_488 : i32 to vector<16xi32>
    %add3A_490 = arith.addi %add3A_467, %add3A_489 : vector<16xi32>
    %gather3A_491 = tpu.vector_load_idx %arg10[%add3A_490] : memref<1024xf32, #tpu.memory_space<vmem>>[vector<16xi32>], vector<16xf32>,
    %add3A_492 = arith.addf %add3A_487, %gather3A_491 : vector<16xf32>
    %add3A_493 = arith.constant 5 : i32
    %add3A_494 = vector.broadcast %add3A_493 : i32 to vector<16xi32>
    %add3A_495 = arith.addi %add3A_467, %add3A_494 : vector<16xi32>
    %gather3A_496 = tpu.vector_load_idx %arg10[%add3A_495] : memref<1024xf32, #tpu.memory_space<vmem>>[vector<16xi32>], vector<16xf32>,
    %add3A_497 = arith.addf %add3A_492, %gather3A_496 : vector<16xf32>
    %add3A_498 = arith.constant 6 : i32
    %add3A_499 = vector.broadcast %add3A_498 : i32 to vector<16xi32>
    %add3A_500 = arith.addi %add3A_467, %add3A_499 : vector<16xi32>
    %gather3A_501 = tpu.vector_load_idx %arg10[%add3A_500] : memref<1024xf32, #tpu.memory_space<vmem>>[vector<16xi32>], vector<16xf32>,
    %add3A_502 = arith.addf %add3A_497, %gather3A_501 : vector<16xf32>
    %add3A_503 = arith.constant 7 : i32
    %add3A_504 = vector.broadcast %add3A_503 : i32 to vector<16xi32>
    %add3A_505 = arith.addi %add3A_467, %add3A_504 : vector<16xi32>
    %gather3A_506 = tpu.vector_load_idx %arg10[%add3A_505] : memref<1024xf32, #tpu.memory_space<vmem>>[vector<16xi32>], vector<16xf32>,
    %add3A_507 = arith.addf %add3A_502, %gather3A_506 : vector<16xf32>
    %add3A_508 = arith.constant 8 : i32
    %add3A_509 = vector.broadcast %add3A_508 : i32 to vector<16xi32>
    %add3A_510 = arith.addi %add3A_467, %add3A_509 : vector<16xi32>
    %gather3A_511 = tpu.vector_load_idx %arg10[%add3A_510] : memref<1024xf32, #tpu.memory_space<vmem>>[vector<16xi32>], vector<16xf32>,
    %add3A_512 = arith.addf %add3A_507, %gather3A_511 : vector<16xf32>
    %add3A_513 = arith.constant 9 : i32
    %add3A_514 = vector.broadcast %add3A_513 : i32 to vector<16xi32>
    %add3A_515 = arith.addi %add3A_467, %add3A_514 : vector<16xi32>
    %gather3A_516 = tpu.vector_load_idx %arg10[%add3A_515] : memref<1024xf32, #tpu.memory_space<vmem>>[vector<16xi32>], vector<16xf32>,
    %add3A_517 = arith.addf %add3A_512, %gather3A_516 : vector<16xf32>
    %add3A_518 = arith.constant 10 : i32
    %add3A_519 = vector.broadcast %add3A_518 : i32 to vector<16xi32>
    %add3A_520 = arith.addi %add3A_467, %add3A_519 : vector<16xi32>
    %gather3A_521 = tpu.vector_load_idx %arg10[%add3A_520] : memref<1024xf32, #tpu.memory_space<vmem>>[vector<16xi32>], vector<16xf32>,
    %add3A_522 = arith.addf %add3A_517, %gather3A_521 : vector<16xf32>
    %add3A_523 = arith.constant 11 : i32
    %add3A_524 = vector.broadcast %add3A_523 : i32 to vector<16xi32>
    %add3A_525 = arith.addi %add3A_467, %add3A_524 : vector<16xi32>
    %gather3A_526 = tpu.vector_load_idx %arg10[%add3A_525] : memref<1024xf32, #tpu.memory_space<vmem>>[vector<16xi32>], vector<16xf32>,
    %add3A_527 = arith.addf %add3A_522, %gather3A_526 : vector<16xf32>
    %add3A_528 = arith.constant 12 : i32
    %add3A_529 = vector.broadcast %add3A_528 : i32 to vector<16xi32>
    %add3A_530 = arith.addi %add3A_467, %add3A_529 : vector<16xi32>
    %gather3A_531 = tpu.vector_load_idx %arg10[%add3A_530] : memref<1024xf32, #tpu.memory_space<vmem>>[vector<16xi32>], vector<16xf32>,
    %add3A_532 = arith.addf %add3A_527, %gather3A_531 : vector<16xf32>
    %add3A_533 = arith.constant 13 : i32
    %add3A_534 = vector.broadcast %add3A_533 : i32 to vector<16xi32>
    %add3A_535 = arith.addi %add3A_467, %add3A_534 : vector<16xi32>
    %gather3A_536 = tpu.vector_load_idx %arg10[%add3A_535] : memref<1024xf32, #tpu.memory_space<vmem>>[vector<16xi32>], vector<16xf32>,
    %add3A_537 = arith.addf %add3A_532, %gather3A_536 : vector<16xf32>
    %add3A_538 = arith.constant 14 : i32
    %add3A_539 = vector.broadcast %add3A_538 : i32 to vector<16xi32>
    %add3A_540 = arith.addi %add3A_467, %add3A_539 : vector<16xi32>
    %gather3A_541 = tpu.vector_load_idx %arg10[%add3A_540] : memref<1024xf32, #tpu.memory_space<vmem>>[vector<16xi32>], vector<16xf32>,
    %add3A_542 = arith.addf %add3A_537, %gather3A_541 : vector<16xf32>
    %add3A_543 = arith.constant 15 : i32
    %add3A_544 = vector.broadcast %add3A_543 : i32 to vector<16xi32>
    %add3A_545 = arith.addi %add3A_467, %add3A_544 : vector<16xi32>
    %gather3A_546 = tpu.vector_load_idx %arg10[%add3A_545] : memref<1024xf32, #tpu.memory_space<vmem>>[vector<16xi32>], vector<16xf32>,
    %add3A_547 = arith.addf %add3A_542, %gather3A_546 : vector<16xf32>
    %swap3A_548 = arith.constant 0 : index
    %swap3A_549 = tpu.vector_load %arg12[%swap3A_548] {strides = array<i32>} : memref<16xf32, #tpu.memory_space<vmem>>, vector<16xf32>,
    tpu.vector_store %arg12[%swap3A_548], %add3A_547 {strides = array<i32>} : memref<16xf32, #tpu.memory_space<vmem>>, vector<16xf32>,
    %mul3A_550 = arith.constant 32 : i32
    %mul3A_551 = arith.muli %select_n3A, %mul3A_550 : i32
    %add3A_552 = arith.addi %mul3A_551, %multiple_of3A : i32
    %add3A_553 = arith.constant 2 : i32
    %add3A_554 = arith.addi %add3A_552, %add3A_553 : i32
    %mul3A_555 = arith.constant 16 : i32
    %mul3A_556 = arith.muli %add3A_554, %mul3A_555 : i32
    "tpu.region"() ({
      %run_scoped3A = tpu.sem_alloc : memref<!tpu.dma_semaphore, #tpu.memory_space<semaphore_mem>>
      %dma_start3A_842 = tpu.memref_slice %arg5[%mul3A_556] : memref<2048xf32, #tpu.memory_space<hbm>> -> memref<16xf32, #tpu.memory_space<hbm>>
      %dma_start3A_843 = tpu.memref_slice %arg5[%mul3A_556] : memref<2048xf32, #tpu.memory_space<hbm>> -> memref<16xf32, #tpu.memory_space<hbm>>
      tpu.enqueue_dma source(%arg12 : memref<16xf32, #tpu.memory_space<vmem>>) target(%dma_start3A_843 : memref<16xf32, #tpu.memory_space<hbm>>) target_semaphore(%run_scoped3A : memref<!tpu.dma_semaphore, #tpu.memory_space<semaphore_mem>>)
      %dma_wait3A = tpu.memref_slice %arg5[%mul3A_556] : memref<2048xf32, #tpu.memory_space<hbm>> -> memref<16xf32, #tpu.memory_space<hbm>>
      %dma_wait3A_844 = tpu.memref_slice %arg5[%mul3A_556] : memref<2048xf32, #tpu.memory_space<hbm>> -> memref<16xf32, #tpu.memory_space<hbm>>
      tpu.wait_dma2 semaphore(%run_scoped3A : memref<!tpu.dma_semaphore, #tpu.memory_space<semaphore_mem>>) src(%arg12 : memref<16xf32, #tpu.memory_space<vmem>>) dst(%dma_wait3A_844 : memref<16xf32, #tpu.memory_space<hbm>>)
      tpu.yield
    }) : () -> ()
    %mul3A_557 = arith.constant 16 : i32
    %mul3A_558 = vector.broadcast %mul3A_557 : i32 to vector<16xi32>
    %mul3A_559 = arith.muli %iota3A, %mul3A_558 : vector<16xi32>
    %add3A_560 = arith.constant 512 : i32
    %add3A_561 = vector.broadcast %add3A_560 : i32 to vector<16xi32>
    %add3A_562 = arith.addi %add3A_561, %mul3A_559 : vector<16xi32>
    %add3A_563 = arith.constant 0 : i32
    %add3A_564 = vector.broadcast %add3A_563 : i32 to vector<16xi32>
    %add3A_565 = arith.addi %add3A_562, %add3A_564 : vector<16xi32>
    %gather3A_566 = tpu.vector_load_idx %arg11[%add3A_565] : memref<1024xf32, #tpu.memory_space<vmem>>[vector<16xi32>], vector<16xf32>,
    %add3A_567 = arith.addf %broadcast_in_dim3A_33, %gather3A_566 : vector<16xf32>
    %add3A_568 = arith.constant 1 : i32
    %add3A_569 = vector.broadcast %add3A_568 : i32 to vector<16xi32>
    %add3A_570 = arith.addi %add3A_562, %add3A_569 : vector<16xi32>
    %gather3A_571 = tpu.vector_load_idx %arg11[%add3A_570] : memref<1024xf32, #tpu.memory_space<vmem>>[vector<16xi32>], vector<16xf32>,
    %add3A_572 = arith.addf %add3A_567, %gather3A_571 : vector<16xf32>
    %add3A_573 = arith.constant 2 : i32
    %add3A_574 = vector.broadcast %add3A_573 : i32 to vector<16xi32>
    %add3A_575 = arith.addi %add3A_562, %add3A_574 : vector<16xi32>
    %gather3A_576 = tpu.vector_load_idx %arg11[%add3A_575] : memref<1024xf32, #tpu.memory_space<vmem>>[vector<16xi32>], vector<16xf32>,
    %add3A_577 = arith.addf %add3A_572, %gather3A_576 : vector<16xf32>
    %add3A_578 = arith.constant 3 : i32
    %add3A_579 = vector.broadcast %add3A_578 : i32 to vector<16xi32>
    %add3A_580 = arith.addi %add3A_562, %add3A_579 : vector<16xi32>
    %gather3A_581 = tpu.vector_load_idx %arg11[%add3A_580] : memref<1024xf32, #tpu.memory_space<vmem>>[vector<16xi32>], vector<16xf32>,
    %add3A_582 = arith.addf %add3A_577, %gather3A_581 : vector<16xf32>
    %add3A_583 = arith.constant 4 : i32
    %add3A_584 = vector.broadcast %add3A_583 : i32 to vector<16xi32>
    %add3A_585 = arith.addi %add3A_562, %add3A_584 : vector<16xi32>
    %gather3A_586 = tpu.vector_load_idx %arg11[%add3A_585] : memref<1024xf32, #tpu.memory_space<vmem>>[vector<16xi32>], vector<16xf32>,
    %add3A_587 = arith.addf %add3A_582, %gather3A_586 : vector<16xf32>
    %add3A_588 = arith.constant 5 : i32
    %add3A_589 = vector.broadcast %add3A_588 : i32 to vector<16xi32>
    %add3A_590 = arith.addi %add3A_562, %add3A_589 : vector<16xi32>
    %gather3A_591 = tpu.vector_load_idx %arg11[%add3A_590] : memref<1024xf32, #tpu.memory_space<vmem>>[vector<16xi32>], vector<16xf32>,
    %add3A_592 = arith.addf %add3A_587, %gather3A_591 : vector<16xf32>
    %add3A_593 = arith.constant 6 : i32
    %add3A_594 = vector.broadcast %add3A_593 : i32 to vector<16xi32>
    %add3A_595 = arith.addi %add3A_562, %add3A_594 : vector<16xi32>
    %gather3A_596 = tpu.vector_load_idx %arg11[%add3A_595] : memref<1024xf32, #tpu.memory_space<vmem>>[vector<16xi32>], vector<16xf32>,
    %add3A_597 = arith.addf %add3A_592, %gather3A_596 : vector<16xf32>
    %add3A_598 = arith.constant 7 : i32
    %add3A_599 = vector.broadcast %add3A_598 : i32 to vector<16xi32>
    %add3A_600 = arith.addi %add3A_562, %add3A_599 : vector<16xi32>
    %gather3A_601 = tpu.vector_load_idx %arg11[%add3A_600] : memref<1024xf32, #tpu.memory_space<vmem>>[vector<16xi32>], vector<16xf32>,
    %add3A_602 = arith.addf %add3A_597, %gather3A_601 : vector<16xf32>
    %add3A_603 = arith.constant 8 : i32
    %add3A_604 = vector.broadcast %add3A_603 : i32 to vector<16xi32>
    %add3A_605 = arith.addi %add3A_562, %add3A_604 : vector<16xi32>
    %gather3A_606 = tpu.vector_load_idx %arg11[%add3A_605] : memref<1024xf32, #tpu.memory_space<vmem>>[vector<16xi32>], vector<16xf32>,
    %add3A_607 = arith.addf %add3A_602, %gather3A_606 : vector<16xf32>
    %add3A_608 = arith.constant 9 : i32
    %add3A_609 = vector.broadcast %add3A_608 : i32 to vector<16xi32>
    %add3A_610 = arith.addi %add3A_562, %add3A_609 : vector<16xi32>
    %gather3A_611 = tpu.vector_load_idx %arg11[%add3A_610] : memref<1024xf32, #tpu.memory_space<vmem>>[vector<16xi32>], vector<16xf32>,
    %add3A_612 = arith.addf %add3A_607, %gather3A_611 : vector<16xf32>
    %add3A_613 = arith.constant 10 : i32
    %add3A_614 = vector.broadcast %add3A_613 : i32 to vector<16xi32>
    %add3A_615 = arith.addi %add3A_562, %add3A_614 : vector<16xi32>
    %gather3A_616 = tpu.vector_load_idx %arg11[%add3A_615] : memref<1024xf32, #tpu.memory_space<vmem>>[vector<16xi32>], vector<16xf32>,
    %add3A_617 = arith.addf %add3A_612, %gather3A_616 : vector<16xf32>
    %add3A_618 = arith.constant 11 : i32
    %add3A_619 = vector.broadcast %add3A_618 : i32 to vector<16xi32>
    %add3A_620 = arith.addi %add3A_562, %add3A_619 : vector<16xi32>
    %gather3A_621 = tpu.vector_load_idx %arg11[%add3A_620] : memref<1024xf32, #tpu.memory_space<vmem>>[vector<16xi32>], vector<16xf32>,
    %add3A_622 = arith.addf %add3A_617, %gather3A_621 : vector<16xf32>
    %add3A_623 = arith.constant 12 : i32
    %add3A_624 = vector.broadcast %add3A_623 : i32 to vector<16xi32>
    %add3A_625 = arith.addi %add3A_562, %add3A_624 : vector<16xi32>
    %gather3A_626 = tpu.vector_load_idx %arg11[%add3A_625] : memref<1024xf32, #tpu.memory_space<vmem>>[vector<16xi32>], vector<16xf32>,
    %add3A_627 = arith.addf %add3A_622, %gather3A_626 : vector<16xf32>
    %add3A_628 = arith.constant 13 : i32
    %add3A_629 = vector.broadcast %add3A_628 : i32 to vector<16xi32>
    %add3A_630 = arith.addi %add3A_562, %add3A_629 : vector<16xi32>
    %gather3A_631 = tpu.vector_load_idx %arg11[%add3A_630] : memref<1024xf32, #tpu.memory_space<vmem>>[vector<16xi32>], vector<16xf32>,
    %add3A_632 = arith.addf %add3A_627, %gather3A_631 : vector<16xf32>
    %add3A_633 = arith.constant 14 : i32
    %add3A_634 = vector.broadcast %add3A_633 : i32 to vector<16xi32>
    %add3A_635 = arith.addi %add3A_562, %add3A_634 : vector<16xi32>
    %gather3A_636 = tpu.vector_load_idx %arg11[%add3A_635] : memref<1024xf32, #tpu.memory_space<vmem>>[vector<16xi32>], vector<16xf32>,
    %add3A_637 = arith.addf %add3A_632, %gather3A_636 : vector<16xf32>
    %add3A_638 = arith.constant 15 : i32
    %add3A_639 = vector.broadcast %add3A_638 : i32 to vector<16xi32>
    %add3A_640 = arith.addi %add3A_562, %add3A_639 : vector<16xi32>
    %gather3A_641 = tpu.vector_load_idx %arg11[%add3A_640] : memref<1024xf32, #tpu.memory_space<vmem>>[vector<16xi32>], vector<16xf32>,
    %add3A_642 = arith.addf %add3A_637, %gather3A_641 : vector<16xf32>
    %swap3A_643 = arith.constant 0 : index
    %swap3A_644 = tpu.vector_load %arg12[%swap3A_643] {strides = array<i32>} : memref<16xf32, #tpu.memory_space<vmem>>, vector<16xf32>,
    tpu.vector_store %arg12[%swap3A_643], %add3A_642 {strides = array<i32>} : memref<16xf32, #tpu.memory_space<vmem>>, vector<16xf32>,
    %mul3A_645 = arith.constant 32 : i32
    %mul3A_646 = arith.muli %select_n3A, %mul3A_645 : i32
    %add3A_647 = arith.addi %mul3A_646, %multiple_of3A : i32
    %add3A_648 = arith.constant 2 : i32
    %add3A_649 = arith.addi %add3A_647, %add3A_648 : i32
    %mul3A_650 = arith.constant 16 : i32
    %mul3A_651 = arith.muli %add3A_649, %mul3A_650 : i32
    "tpu.region"() ({
      %run_scoped3A = tpu.sem_alloc : memref<!tpu.dma_semaphore, #tpu.memory_space<semaphore_mem>>
      %dma_start3A_842 = tpu.memref_slice %arg6[%mul3A_651] : memref<2048xf32, #tpu.memory_space<hbm>> -> memref<16xf32, #tpu.memory_space<hbm>>
      %dma_start3A_843 = tpu.memref_slice %arg6[%mul3A_651] : memref<2048xf32, #tpu.memory_space<hbm>> -> memref<16xf32, #tpu.memory_space<hbm>>
      tpu.enqueue_dma source(%arg12 : memref<16xf32, #tpu.memory_space<vmem>>) target(%dma_start3A_843 : memref<16xf32, #tpu.memory_space<hbm>>) target_semaphore(%run_scoped3A : memref<!tpu.dma_semaphore, #tpu.memory_space<semaphore_mem>>)
      %dma_wait3A = tpu.memref_slice %arg6[%mul3A_651] : memref<2048xf32, #tpu.memory_space<hbm>> -> memref<16xf32, #tpu.memory_space<hbm>>
      %dma_wait3A_844 = tpu.memref_slice %arg6[%mul3A_651] : memref<2048xf32, #tpu.memory_space<hbm>> -> memref<16xf32, #tpu.memory_space<hbm>>
      tpu.wait_dma2 semaphore(%run_scoped3A : memref<!tpu.dma_semaphore, #tpu.memory_space<semaphore_mem>>) src(%arg12 : memref<16xf32, #tpu.memory_space<vmem>>) dst(%dma_wait3A_844 : memref<16xf32, #tpu.memory_space<hbm>>)
      tpu.yield
    }) : () -> ()
    %mul3A_652 = arith.constant 16 : i32
    %mul3A_653 = vector.broadcast %mul3A_652 : i32 to vector<16xi32>
    %mul3A_654 = arith.muli %iota3A, %mul3A_653 : vector<16xi32>
    %add3A_655 = arith.constant 768 : i32
    %add3A_656 = vector.broadcast %add3A_655 : i32 to vector<16xi32>
    %add3A_657 = arith.addi %add3A_656, %mul3A_654 : vector<16xi32>
    %add3A_658 = arith.constant 0 : i32
    %add3A_659 = vector.broadcast %add3A_658 : i32 to vector<16xi32>
    %add3A_660 = arith.addi %add3A_657, %add3A_659 : vector<16xi32>
    %gather3A_661 = tpu.vector_load_idx %arg10[%add3A_660] : memref<1024xf32, #tpu.memory_space<vmem>>[vector<16xi32>], vector<16xf32>,
    %add3A_662 = arith.addf %broadcast_in_dim3A_33, %gather3A_661 : vector<16xf32>
    %add3A_663 = arith.constant 1 : i32
    %add3A_664 = vector.broadcast %add3A_663 : i32 to vector<16xi32>
    %add3A_665 = arith.addi %add3A_657, %add3A_664 : vector<16xi32>
    %gather3A_666 = tpu.vector_load_idx %arg10[%add3A_665] : memref<1024xf32, #tpu.memory_space<vmem>>[vector<16xi32>], vector<16xf32>,
    %add3A_667 = arith.addf %add3A_662, %gather3A_666 : vector<16xf32>
    %add3A_668 = arith.constant 2 : i32
    %add3A_669 = vector.broadcast %add3A_668 : i32 to vector<16xi32>
    %add3A_670 = arith.addi %add3A_657, %add3A_669 : vector<16xi32>
    %gather3A_671 = tpu.vector_load_idx %arg10[%add3A_670] : memref<1024xf32, #tpu.memory_space<vmem>>[vector<16xi32>], vector<16xf32>,
    %add3A_672 = arith.addf %add3A_667, %gather3A_671 : vector<16xf32>
    %add3A_673 = arith.constant 3 : i32
    %add3A_674 = vector.broadcast %add3A_673 : i32 to vector<16xi32>
    %add3A_675 = arith.addi %add3A_657, %add3A_674 : vector<16xi32>
    %gather3A_676 = tpu.vector_load_idx %arg10[%add3A_675] : memref<1024xf32, #tpu.memory_space<vmem>>[vector<16xi32>], vector<16xf32>,
    %add3A_677 = arith.addf %add3A_672, %gather3A_676 : vector<16xf32>
    %add3A_678 = arith.constant 4 : i32
    %add3A_679 = vector.broadcast %add3A_678 : i32 to vector<16xi32>
    %add3A_680 = arith.addi %add3A_657, %add3A_679 : vector<16xi32>
    %gather3A_681 = tpu.vector_load_idx %arg10[%add3A_680] : memref<1024xf32, #tpu.memory_space<vmem>>[vector<16xi32>], vector<16xf32>,
    %add3A_682 = arith.addf %add3A_677, %gather3A_681 : vector<16xf32>
    %add3A_683 = arith.constant 5 : i32
    %add3A_684 = vector.broadcast %add3A_683 : i32 to vector<16xi32>
    %add3A_685 = arith.addi %add3A_657, %add3A_684 : vector<16xi32>
    %gather3A_686 = tpu.vector_load_idx %arg10[%add3A_685] : memref<1024xf32, #tpu.memory_space<vmem>>[vector<16xi32>], vector<16xf32>,
    %add3A_687 = arith.addf %add3A_682, %gather3A_686 : vector<16xf32>
    %add3A_688 = arith.constant 6 : i32
    %add3A_689 = vector.broadcast %add3A_688 : i32 to vector<16xi32>
    %add3A_690 = arith.addi %add3A_657, %add3A_689 : vector<16xi32>
    %gather3A_691 = tpu.vector_load_idx %arg10[%add3A_690] : memref<1024xf32, #tpu.memory_space<vmem>>[vector<16xi32>], vector<16xf32>,
    %add3A_692 = arith.addf %add3A_687, %gather3A_691 : vector<16xf32>
    %add3A_693 = arith.constant 7 : i32
    %add3A_694 = vector.broadcast %add3A_693 : i32 to vector<16xi32>
    %add3A_695 = arith.addi %add3A_657, %add3A_694 : vector<16xi32>
    %gather3A_696 = tpu.vector_load_idx %arg10[%add3A_695] : memref<1024xf32, #tpu.memory_space<vmem>>[vector<16xi32>], vector<16xf32>,
    %add3A_697 = arith.addf %add3A_692, %gather3A_696 : vector<16xf32>
    %add3A_698 = arith.constant 8 : i32
    %add3A_699 = vector.broadcast %add3A_698 : i32 to vector<16xi32>
    %add3A_700 = arith.addi %add3A_657, %add3A_699 : vector<16xi32>
    %gather3A_701 = tpu.vector_load_idx %arg10[%add3A_700] : memref<1024xf32, #tpu.memory_space<vmem>>[vector<16xi32>], vector<16xf32>,
    %add3A_702 = arith.addf %add3A_697, %gather3A_701 : vector<16xf32>
    %add3A_703 = arith.constant 9 : i32
    %add3A_704 = vector.broadcast %add3A_703 : i32 to vector<16xi32>
    %add3A_705 = arith.addi %add3A_657, %add3A_704 : vector<16xi32>
    %gather3A_706 = tpu.vector_load_idx %arg10[%add3A_705] : memref<1024xf32, #tpu.memory_space<vmem>>[vector<16xi32>], vector<16xf32>,
    %add3A_707 = arith.addf %add3A_702, %gather3A_706 : vector<16xf32>
    %add3A_708 = arith.constant 10 : i32
    %add3A_709 = vector.broadcast %add3A_708 : i32 to vector<16xi32>
    %add3A_710 = arith.addi %add3A_657, %add3A_709 : vector<16xi32>
    %gather3A_711 = tpu.vector_load_idx %arg10[%add3A_710] : memref<1024xf32, #tpu.memory_space<vmem>>[vector<16xi32>], vector<16xf32>,
    %add3A_712 = arith.addf %add3A_707, %gather3A_711 : vector<16xf32>
    %add3A_713 = arith.constant 11 : i32
    %add3A_714 = vector.broadcast %add3A_713 : i32 to vector<16xi32>
    %add3A_715 = arith.addi %add3A_657, %add3A_714 : vector<16xi32>
    %gather3A_716 = tpu.vector_load_idx %arg10[%add3A_715] : memref<1024xf32, #tpu.memory_space<vmem>>[vector<16xi32>], vector<16xf32>,
    %add3A_717 = arith.addf %add3A_712, %gather3A_716 : vector<16xf32>
    %add3A_718 = arith.constant 12 : i32
    %add3A_719 = vector.broadcast %add3A_718 : i32 to vector<16xi32>
    %add3A_720 = arith.addi %add3A_657, %add3A_719 : vector<16xi32>
    %gather3A_721 = tpu.vector_load_idx %arg10[%add3A_720] : memref<1024xf32, #tpu.memory_space<vmem>>[vector<16xi32>], vector<16xf32>,
    %add3A_722 = arith.addf %add3A_717, %gather3A_721 : vector<16xf32>
    %add3A_723 = arith.constant 13 : i32
    %add3A_724 = vector.broadcast %add3A_723 : i32 to vector<16xi32>
    %add3A_725 = arith.addi %add3A_657, %add3A_724 : vector<16xi32>
    %gather3A_726 = tpu.vector_load_idx %arg10[%add3A_725] : memref<1024xf32, #tpu.memory_space<vmem>>[vector<16xi32>], vector<16xf32>,
    %add3A_727 = arith.addf %add3A_722, %gather3A_726 : vector<16xf32>
    %add3A_728 = arith.constant 14 : i32
    %add3A_729 = vector.broadcast %add3A_728 : i32 to vector<16xi32>
    %add3A_730 = arith.addi %add3A_657, %add3A_729 : vector<16xi32>
    %gather3A_731 = tpu.vector_load_idx %arg10[%add3A_730] : memref<1024xf32, #tpu.memory_space<vmem>>[vector<16xi32>], vector<16xf32>,
    %add3A_732 = arith.addf %add3A_727, %gather3A_731 : vector<16xf32>
    %add3A_733 = arith.constant 15 : i32
    %add3A_734 = vector.broadcast %add3A_733 : i32 to vector<16xi32>
    %add3A_735 = arith.addi %add3A_657, %add3A_734 : vector<16xi32>
    %gather3A_736 = tpu.vector_load_idx %arg10[%add3A_735] : memref<1024xf32, #tpu.memory_space<vmem>>[vector<16xi32>], vector<16xf32>,
    %add3A_737 = arith.addf %add3A_732, %gather3A_736 : vector<16xf32>
    %swap3A_738 = arith.constant 0 : index
    %swap3A_739 = tpu.vector_load %arg12[%swap3A_738] {strides = array<i32>} : memref<16xf32, #tpu.memory_space<vmem>>, vector<16xf32>,
    tpu.vector_store %arg12[%swap3A_738], %add3A_737 {strides = array<i32>} : memref<16xf32, #tpu.memory_space<vmem>>, vector<16xf32>,
    %mul3A_740 = arith.constant 32 : i32
    %mul3A_741 = arith.muli %select_n3A, %mul3A_740 : i32
    %add3A_742 = arith.addi %mul3A_741, %multiple_of3A : i32
    %add3A_743 = arith.constant 3 : i32
    %add3A_744 = arith.addi %add3A_742, %add3A_743 : i32
    %mul3A_745 = arith.constant 16 : i32
    %mul3A_746 = arith.muli %add3A_744, %mul3A_745 : i32
    "tpu.region"() ({
      %run_scoped3A = tpu.sem_alloc : memref<!tpu.dma_semaphore, #tpu.memory_space<semaphore_mem>>
      %dma_start3A_842 = tpu.memref_slice %arg5[%mul3A_746] : memref<2048xf32, #tpu.memory_space<hbm>> -> memref<16xf32, #tpu.memory_space<hbm>>
      %dma_start3A_843 = tpu.memref_slice %arg5[%mul3A_746] : memref<2048xf32, #tpu.memory_space<hbm>> -> memref<16xf32, #tpu.memory_space<hbm>>
      tpu.enqueue_dma source(%arg12 : memref<16xf32, #tpu.memory_space<vmem>>) target(%dma_start3A_843 : memref<16xf32, #tpu.memory_space<hbm>>) target_semaphore(%run_scoped3A : memref<!tpu.dma_semaphore, #tpu.memory_space<semaphore_mem>>)
      %dma_wait3A = tpu.memref_slice %arg5[%mul3A_746] : memref<2048xf32, #tpu.memory_space<hbm>> -> memref<16xf32, #tpu.memory_space<hbm>>
      %dma_wait3A_844 = tpu.memref_slice %arg5[%mul3A_746] : memref<2048xf32, #tpu.memory_space<hbm>> -> memref<16xf32, #tpu.memory_space<hbm>>
      tpu.wait_dma2 semaphore(%run_scoped3A : memref<!tpu.dma_semaphore, #tpu.memory_space<semaphore_mem>>) src(%arg12 : memref<16xf32, #tpu.memory_space<vmem>>) dst(%dma_wait3A_844 : memref<16xf32, #tpu.memory_space<hbm>>)
      tpu.yield
    }) : () -> ()
    %mul3A_747 = arith.constant 16 : i32
    %mul3A_748 = vector.broadcast %mul3A_747 : i32 to vector<16xi32>
    %mul3A_749 = arith.muli %iota3A, %mul3A_748 : vector<16xi32>
    %add3A_750 = arith.constant 768 : i32
    %add3A_751 = vector.broadcast %add3A_750 : i32 to vector<16xi32>
    %add3A_752 = arith.addi %add3A_751, %mul3A_749 : vector<16xi32>
    %add3A_753 = arith.constant 0 : i32
    %add3A_754 = vector.broadcast %add3A_753 : i32 to vector<16xi32>
    %add3A_755 = arith.addi %add3A_752, %add3A_754 : vector<16xi32>
    %gather3A_756 = tpu.vector_load_idx %arg11[%add3A_755] : memref<1024xf32, #tpu.memory_space<vmem>>[vector<16xi32>], vector<16xf32>,
    %add3A_757 = arith.addf %broadcast_in_dim3A_33, %gather3A_756 : vector<16xf32>
    %add3A_758 = arith.constant 1 : i32
    %add3A_759 = vector.broadcast %add3A_758 : i32 to vector<16xi32>
    %add3A_760 = arith.addi %add3A_752, %add3A_759 : vector<16xi32>
    %gather3A_761 = tpu.vector_load_idx %arg11[%add3A_760] : memref<1024xf32, #tpu.memory_space<vmem>>[vector<16xi32>], vector<16xf32>,
    %add3A_762 = arith.addf %add3A_757, %gather3A_761 : vector<16xf32>
    %add3A_763 = arith.constant 2 : i32
    %add3A_764 = vector.broadcast %add3A_763 : i32 to vector<16xi32>
    %add3A_765 = arith.addi %add3A_752, %add3A_764 : vector<16xi32>
    %gather3A_766 = tpu.vector_load_idx %arg11[%add3A_765] : memref<1024xf32, #tpu.memory_space<vmem>>[vector<16xi32>], vector<16xf32>,
    %add3A_767 = arith.addf %add3A_762, %gather3A_766 : vector<16xf32>
    %add3A_768 = arith.constant 3 : i32
    %add3A_769 = vector.broadcast %add3A_768 : i32 to vector<16xi32>
    %add3A_770 = arith.addi %add3A_752, %add3A_769 : vector<16xi32>
    %gather3A_771 = tpu.vector_load_idx %arg11[%add3A_770] : memref<1024xf32, #tpu.memory_space<vmem>>[vector<16xi32>], vector<16xf32>,
    %add3A_772 = arith.addf %add3A_767, %gather3A_771 : vector<16xf32>
    %add3A_773 = arith.constant 4 : i32
    %add3A_774 = vector.broadcast %add3A_773 : i32 to vector<16xi32>
    %add3A_775 = arith.addi %add3A_752, %add3A_774 : vector<16xi32>
    %gather3A_776 = tpu.vector_load_idx %arg11[%add3A_775] : memref<1024xf32, #tpu.memory_space<vmem>>[vector<16xi32>], vector<16xf32>,
    %add3A_777 = arith.addf %add3A_772, %gather3A_776 : vector<16xf32>
    %add3A_778 = arith.constant 5 : i32
    %add3A_779 = vector.broadcast %add3A_778 : i32 to vector<16xi32>
    %add3A_780 = arith.addi %add3A_752, %add3A_779 : vector<16xi32>
    %gather3A_781 = tpu.vector_load_idx %arg11[%add3A_780] : memref<1024xf32, #tpu.memory_space<vmem>>[vector<16xi32>], vector<16xf32>,
    %add3A_782 = arith.addf %add3A_777, %gather3A_781 : vector<16xf32>
    %add3A_783 = arith.constant 6 : i32
    %add3A_784 = vector.broadcast %add3A_783 : i32 to vector<16xi32>
    %add3A_785 = arith.addi %add3A_752, %add3A_784 : vector<16xi32>
    %gather3A_786 = tpu.vector_load_idx %arg11[%add3A_785] : memref<1024xf32, #tpu.memory_space<vmem>>[vector<16xi32>], vector<16xf32>,
    %add3A_787 = arith.addf %add3A_782, %gather3A_786 : vector<16xf32>
    %add3A_788 = arith.constant 7 : i32
    %add3A_789 = vector.broadcast %add3A_788 : i32 to vector<16xi32>
    %add3A_790 = arith.addi %add3A_752, %add3A_789 : vector<16xi32>
    %gather3A_791 = tpu.vector_load_idx %arg11[%add3A_790] : memref<1024xf32, #tpu.memory_space<vmem>>[vector<16xi32>], vector<16xf32>,
    %add3A_792 = arith.addf %add3A_787, %gather3A_791 : vector<16xf32>
    %add3A_793 = arith.constant 8 : i32
    %add3A_794 = vector.broadcast %add3A_793 : i32 to vector<16xi32>
    %add3A_795 = arith.addi %add3A_752, %add3A_794 : vector<16xi32>
    %gather3A_796 = tpu.vector_load_idx %arg11[%add3A_795] : memref<1024xf32, #tpu.memory_space<vmem>>[vector<16xi32>], vector<16xf32>,
    %add3A_797 = arith.addf %add3A_792, %gather3A_796 : vector<16xf32>
    %add3A_798 = arith.constant 9 : i32
    %add3A_799 = vector.broadcast %add3A_798 : i32 to vector<16xi32>
    %add3A_800 = arith.addi %add3A_752, %add3A_799 : vector<16xi32>
    %gather3A_801 = tpu.vector_load_idx %arg11[%add3A_800] : memref<1024xf32, #tpu.memory_space<vmem>>[vector<16xi32>], vector<16xf32>,
    %add3A_802 = arith.addf %add3A_797, %gather3A_801 : vector<16xf32>
    %add3A_803 = arith.constant 10 : i32
    %add3A_804 = vector.broadcast %add3A_803 : i32 to vector<16xi32>
    %add3A_805 = arith.addi %add3A_752, %add3A_804 : vector<16xi32>
    %gather3A_806 = tpu.vector_load_idx %arg11[%add3A_805] : memref<1024xf32, #tpu.memory_space<vmem>>[vector<16xi32>], vector<16xf32>,
    %add3A_807 = arith.addf %add3A_802, %gather3A_806 : vector<16xf32>
    %add3A_808 = arith.constant 11 : i32
    %add3A_809 = vector.broadcast %add3A_808 : i32 to vector<16xi32>
    %add3A_810 = arith.addi %add3A_752, %add3A_809 : vector<16xi32>
    %gather3A_811 = tpu.vector_load_idx %arg11[%add3A_810] : memref<1024xf32, #tpu.memory_space<vmem>>[vector<16xi32>], vector<16xf32>,
    %add3A_812 = arith.addf %add3A_807, %gather3A_811 : vector<16xf32>
    %add3A_813 = arith.constant 12 : i32
    %add3A_814 = vector.broadcast %add3A_813 : i32 to vector<16xi32>
    %add3A_815 = arith.addi %add3A_752, %add3A_814 : vector<16xi32>
    %gather3A_816 = tpu.vector_load_idx %arg11[%add3A_815] : memref<1024xf32, #tpu.memory_space<vmem>>[vector<16xi32>], vector<16xf32>,
    %add3A_817 = arith.addf %add3A_812, %gather3A_816 : vector<16xf32>
    %add3A_818 = arith.constant 13 : i32
    %add3A_819 = vector.broadcast %add3A_818 : i32 to vector<16xi32>
    %add3A_820 = arith.addi %add3A_752, %add3A_819 : vector<16xi32>
    %gather3A_821 = tpu.vector_load_idx %arg11[%add3A_820] : memref<1024xf32, #tpu.memory_space<vmem>>[vector<16xi32>], vector<16xf32>,
    %add3A_822 = arith.addf %add3A_817, %gather3A_821 : vector<16xf32>
    %add3A_823 = arith.constant 14 : i32
    %add3A_824 = vector.broadcast %add3A_823 : i32 to vector<16xi32>
    %add3A_825 = arith.addi %add3A_752, %add3A_824 : vector<16xi32>
    %gather3A_826 = tpu.vector_load_idx %arg11[%add3A_825] : memref<1024xf32, #tpu.memory_space<vmem>>[vector<16xi32>], vector<16xf32>,
    %add3A_827 = arith.addf %add3A_822, %gather3A_826 : vector<16xf32>
    %add3A_828 = arith.constant 15 : i32
    %add3A_829 = vector.broadcast %add3A_828 : i32 to vector<16xi32>
    %add3A_830 = arith.addi %add3A_752, %add3A_829 : vector<16xi32>
    %gather3A_831 = tpu.vector_load_idx %arg11[%add3A_830] : memref<1024xf32, #tpu.memory_space<vmem>>[vector<16xi32>], vector<16xf32>,
    %add3A_832 = arith.addf %add3A_827, %gather3A_831 : vector<16xf32>
    %swap3A_833 = arith.constant 0 : index
    %swap3A_834 = tpu.vector_load %arg12[%swap3A_833] {strides = array<i32>} : memref<16xf32, #tpu.memory_space<vmem>>, vector<16xf32>,
    tpu.vector_store %arg12[%swap3A_833], %add3A_832 {strides = array<i32>} : memref<16xf32, #tpu.memory_space<vmem>>, vector<16xf32>,
    %mul3A_835 = arith.constant 32 : i32
    %mul3A_836 = arith.muli %select_n3A, %mul3A_835 : i32
    %add3A_837 = arith.addi %mul3A_836, %multiple_of3A : i32
    %add3A_838 = arith.constant 3 : i32
    %add3A_839 = arith.addi %add3A_837, %add3A_838 : i32
    %mul3A_840 = arith.constant 16 : i32
    %mul3A_841 = arith.muli %add3A_839, %mul3A_840 : i32
    "tpu.region"() ({
      %run_scoped3A = tpu.sem_alloc : memref<!tpu.dma_semaphore, #tpu.memory_space<semaphore_mem>>
      %dma_start3A_842 = tpu.memref_slice %arg6[%mul3A_841] : memref<2048xf32, #tpu.memory_space<hbm>> -> memref<16xf32, #tpu.memory_space<hbm>>
      %dma_start3A_843 = tpu.memref_slice %arg6[%mul3A_841] : memref<2048xf32, #tpu.memory_space<hbm>> -> memref<16xf32, #tpu.memory_space<hbm>>
      tpu.enqueue_dma source(%arg12 : memref<16xf32, #tpu.memory_space<vmem>>) target(%dma_start3A_843 : memref<16xf32, #tpu.memory_space<hbm>>) target_semaphore(%run_scoped3A : memref<!tpu.dma_semaphore, #tpu.memory_space<semaphore_mem>>)
      %dma_wait3A = tpu.memref_slice %arg6[%mul3A_841] : memref<2048xf32, #tpu.memory_space<hbm>> -> memref<16xf32, #tpu.memory_space<hbm>>
      %dma_wait3A_844 = tpu.memref_slice %arg6[%mul3A_841] : memref<2048xf32, #tpu.memory_space<hbm>> -> memref<16xf32, #tpu.memory_space<hbm>>
      tpu.wait_dma2 semaphore(%run_scoped3A : memref<!tpu.dma_semaphore, #tpu.memory_space<semaphore_mem>>) src(%arg12 : memref<16xf32, #tpu.memory_space<vmem>>) dst(%dma_wait3A_844 : memref<16xf32, #tpu.memory_space<hbm>>)
      tpu.yield
    }) : () -> ()
    return
  }
}

module attributes {stable_mosaic.version = 14 : i64} {
  func.func @_tc_body(%arg0: i32, %arg1: i32, %arg2: memref<1x32x50176xf32, #tpu.memory_space<vmem>>, %arg3: memref<1x1x50176xi32, #tpu.memory_space<vmem>>, %arg4: memref<1x32x16xf32, #tpu.memory_space<vmem>>, %arg5: memref<1x32x16xf32, #tpu.memory_space<vmem>>) attributes {dimension_semantics = [#tpu.dimension_semantics<parallel>, #tpu.dimension_semantics<parallel>], iteration_bounds = array<i64: 4, 5>, scalar_prefetch = 0 : i64, scratch_operands = 0 : i64, tpu.core_type = #tpu.core_type<tc>, window_params = [{transform_indices = @transform_0, window_bounds = array<i64: 1, 32, 50176>}, {transform_indices = @transform_1, window_bounds = array<i64: 1, 1, 50176>}, {transform_indices = @transform_2, window_bounds = array<i64: 1, 32, 16>}, {transform_indices = @transform_3, window_bounds = array<i64: 1, 32, 16>}]} {
    %get3A = arith.constant 0 : index
    %get3A_0 = arith.constant 0 : index
    %get3A_1 = arith.constant 0 : index
    %get3A_2 = vector.load %arg2[%get3A, %get3A_0, %get3A_1] : memref<1x32x50176xf32, #tpu.memory_space<vmem>>, vector<1x32x50176xf32>
    %get3A_3 = vector.shape_cast %get3A_2 : vector<1x32x50176xf32> to vector<32x50176xf32>
    %get3A_4 = arith.constant 0 : index
    %get3A_5 = arith.constant 0 : index
    %get3A_6 = arith.constant 0 : index
    %get3A_7 = vector.load %arg3[%get3A_4, %get3A_5, %get3A_6] : memref<1x1x50176xi32, #tpu.memory_space<vmem>>, vector<1x1x50176xi32>
    %get3A_8 = vector.shape_cast %get3A_7 : vector<1x1x50176xi32> to vector<1x50176xi32>
    %iota3A = tpu.iota {dimensions = array<i32: 0>} : vector<16x50176xi32>
    %broadcast_in_dim3A = vector.shape_cast %get3A_8 : vector<1x50176xi32> to vector<1x50176xi32>
    %broadcast_in_dim3A_9 = vector.broadcast %broadcast_in_dim3A : vector<1x50176xi32> to vector<16x50176xi32>
    %eq3A = arith.cmpi eq, %iota3A, %broadcast_in_dim3A_9 : vector<16x50176xi32>
    %convert_element_type3A = arith.extui %eq3A : vector<16x50176xi1> to vector<16x50176xi32>
    %convert_element_type3A_10 = arith.sitofp %convert_element_type3A : vector<16x50176xi32> to vector<16x50176xf32>
    %dot_general3A = arith.constant dense<0.000000e+00> : vector<32x16xf32>
    %dot_general3A_11 = tpu.matmul %get3A_3, %convert_element_type3A_10, %dot_general3A {dimension_numbers = #tpu.dot_dimension_numbers<[1], [1], [0], [0], [0, 0, 1, 0], [], []>, transpose_lhs_hint = false} : vector<32x50176xf32>, vector<16x50176xf32>, vector<32x16xf32> -> vector<32x16xf32>
    %mul3A = arith.mulf %get3A_3, %get3A_3 : vector<32x50176xf32>
    %dot_general3A_12 = arith.constant dense<0.000000e+00> : vector<32x16xf32>
    %dot_general3A_13 = tpu.matmul %mul3A, %convert_element_type3A_10, %dot_general3A_12 {dimension_numbers = #tpu.dot_dimension_numbers<[1], [1], [0], [0], [0, 0, 1, 0], [], []>, transpose_lhs_hint = false} : vector<32x50176xf32>, vector<16x50176xf32>, vector<32x16xf32> -> vector<32x16xf32>
    %broadcast_in_dim3A_14 = vector.shape_cast %dot_general3A_11 : vector<32x16xf32> to vector<1x32x16xf32>
    %swap3A = arith.constant 0 : index
    %swap3A_15 = arith.constant 0 : index
    %swap3A_16 = arith.constant 0 : index
    %swap3A_17 = vector.load %arg4[%swap3A, %swap3A_15, %swap3A_16] : memref<1x32x16xf32, #tpu.memory_space<vmem>>, vector<1x32x16xf32>
    tpu.vector_store %arg4[%swap3A, %swap3A_15, %swap3A_16], %broadcast_in_dim3A_14 {strides = array<i32>} : memref<1x32x16xf32, #tpu.memory_space<vmem>>, vector<1x32x16xf32>,
    %broadcast_in_dim3A_18 = vector.shape_cast %dot_general3A_13 : vector<32x16xf32> to vector<1x32x16xf32>
    %swap3A_19 = arith.constant 0 : index
    %swap3A_20 = arith.constant 0 : index
    %swap3A_21 = arith.constant 0 : index
    %swap3A_22 = vector.load %arg5[%swap3A_19, %swap3A_20, %swap3A_21] : memref<1x32x16xf32, #tpu.memory_space<vmem>>, vector<1x32x16xf32>
    tpu.vector_store %arg5[%swap3A_19, %swap3A_20, %swap3A_21], %broadcast_in_dim3A_18 {strides = array<i32>} : memref<1x32x16xf32, #tpu.memory_space<vmem>>, vector<1x32x16xf32>,
    return
  }
  func.func @transform_0(%arg0: i32, %arg1: i32) -> (i32, i32, i32) {
    %add3A = arith.constant 1 : i32
    %add3A_0 = arith.addi %arg1, %add3A : i32
    %c0_i32 = arith.constant 0 : i32
    %c0_i32_1 = arith.constant 0 : i32
    return %arg0, %add3A_0, %c0_i32 : i32, i32, i32
  }
  func.func @transform_1(%arg0: i32, %arg1: i32) -> (i32, i32, i32) {
    %c0_i32 = arith.constant 0 : i32
    %c0_i32_0 = arith.constant 0 : i32
    %c0_i32_1 = arith.constant 0 : i32
    return %arg0, %c0_i32, %c0_i32_0 : i32, i32, i32
  }
  func.func @transform_2(%arg0: i32, %arg1: i32) -> (i32, i32, i32) {
    %c0_i32 = arith.constant 0 : i32
    %c0_i32_0 = arith.constant 0 : i32
    return %arg0, %arg1, %c0_i32 : i32, i32, i32
  }
  func.func @transform_3(%arg0: i32, %arg1: i32) -> (i32, i32, i32) {
    %c0_i32 = arith.constant 0 : i32
    %c0_i32_0 = arith.constant 0 : i32
    return %arg0, %arg1, %c0_i32 : i32, i32, i32
  }
}

module attributes {stable_mosaic.version = 14 : i64} {
  func.func @_fin_body(%arg0: memref<4x16xf32, #tpu.memory_space<vmem>>, %arg1: memref<4x32x16xf32, #tpu.memory_space<vmem>>, %arg2: memref<4x32x16xf32, #tpu.memory_space<vmem>>, %arg3: memref<4x160x16xf32, #tpu.memory_space<vmem>>, %arg4: memref<4x160x16xf32, #tpu.memory_space<vmem>>, %arg5: memref<1x1xf32, #tpu.memory_space<vmem>>) attributes {dimension_semantics = [], scalar_prefetch = 0 : i64, scratch_operands = 0 : i64, tpu.core_type = #tpu.core_type<tc>} {
    %get3A = arith.constant 0 : index
    %get3A_0 = arith.constant 0 : index
    %get3A_1 = vector.load %arg0[%get3A, %get3A_0] : memref<4x16xf32, #tpu.memory_space<vmem>>, vector<4x16xf32>
    %iota3A = tpu.iota {dimensions = array<i32: 1>} : vector<4x16xi32>
    %max3A = arith.constant 1.000000e+00 : f32
    %max3A_2 = vector.broadcast %max3A : f32 to vector<4x16xf32>
    %max3A_3 = arith.maximumf %get3A_1, %max3A_2 : vector<4x16xf32>
    %sub3A = arith.constant 1.000000e+00 : f32
    %sub3A_4 = vector.broadcast %sub3A : f32 to vector<4x16xf32>
    %sub3A_5 = arith.subf %get3A_1, %sub3A_4 : vector<4x16xf32>
    %max3A_6 = arith.constant 1.000000e+00 : f32
    %max3A_7 = vector.broadcast %max3A_6 : f32 to vector<4x16xf32>
    %max3A_8 = arith.maximumf %sub3A_5, %max3A_7 : vector<4x16xf32>
    %ne3A = arith.constant 0 : i32
    %ne3A_9 = vector.broadcast %ne3A : i32 to vector<4x16xi32>
    %ne3A_10 = arith.cmpi ne, %iota3A, %ne3A_9 : vector<4x16xi32>
    %gt3A = arith.constant 1.000000e+00 : f32
    %gt3A_11 = vector.broadcast %gt3A : f32 to vector<4x16xf32>
    %gt3A_12 = arith.cmpf ogt, %get3A_1, %gt3A_11 : vector<4x16xf32>
    %and3A = arith.andi %ne3A_10, %gt3A_12 : vector<4x16xi1>
    %get3A_13 = arith.constant 0 : index
    %get3A_14 = arith.constant 0 : index
    %get3A_15 = arith.constant 0 : index
    %get3A_16 = vector.load %arg1[%get3A_13, %get3A_14, %get3A_15] : memref<4x32x16xf32, #tpu.memory_space<vmem>>, vector<4x32x16xf32>
    %get3A_17 = arith.constant 0 : index
    %get3A_18 = arith.constant 0 : index
    %get3A_19 = arith.constant 0 : index
    %get3A_20 = vector.load %arg2[%get3A_17, %get3A_18, %get3A_19] : memref<4x32x16xf32, #tpu.memory_space<vmem>>, vector<4x32x16xf32>
    %broadcast_in_dim3A = vector.shape_cast %max3A_3 : vector<4x16xf32> to vector<4x1x16xf32>
    %div3A = vector.broadcast %broadcast_in_dim3A : vector<4x1x16xf32> to vector<4x32x16xf32>
    %div3A_21 = arith.divf %get3A_16, %div3A : vector<4x32x16xf32>
    %broadcast_in_dim3A_22 = vector.shape_cast %get3A_1 : vector<4x16xf32> to vector<4x1x16xf32>
    %mul3A = vector.broadcast %broadcast_in_dim3A_22 : vector<4x1x16xf32> to vector<4x32x16xf32>
    %mul3A_23 = arith.mulf %mul3A, %div3A_21 : vector<4x32x16xf32>
    %mul3A_24 = arith.mulf %mul3A_23, %div3A_21 : vector<4x32x16xf32>
    %sub3A_25 = arith.subf %get3A_20, %mul3A_24 : vector<4x32x16xf32>
    %broadcast_in_dim3A_26 = vector.shape_cast %max3A_8 : vector<4x16xf32> to vector<4x1x16xf32>
    %div3A_27 = vector.broadcast %broadcast_in_dim3A_26 : vector<4x1x16xf32> to vector<4x32x16xf32>
    %div3A_28 = arith.divf %sub3A_25, %div3A_27 : vector<4x32x16xf32>
    %broadcast_in_dim3A_29 = vector.shape_cast %and3A : vector<4x16xi1> to vector<4x1x16xi1>
    %jit3A = arith.constant 0.000000e+00 : f32
    %broadcast_in_dim3A_30 = vector.shape_cast %broadcast_in_dim3A_29 : vector<4x1x16xi1> to vector<4x1x16xi1>
    %broadcast_in_dim3A_31 = vector.broadcast %broadcast_in_dim3A_30 : vector<4x1x16xi1> to vector<4x32x16xi1>
    %broadcast_in_dim3A_32 = vector.broadcast %jit3A : f32 to vector<4x32x16xf32>
    %select_n3A = arith.select %broadcast_in_dim3A_31, %div3A_28, %broadcast_in_dim3A_32 : vector<4x32x16xi1>, vector<4x32x16xf32>
    %reduce_sum3A = arith.constant dense<0.000000e+00> : vector<4xf32>
    %reduce_sum3A_33 = vector.multi_reduction <add>, %select_n3A, %reduce_sum3A [1, 2] : vector<4x32x16xf32> to vector<4xf32>
    %get3A_34 = arith.constant 0 : index
    %get3A_35 = arith.constant 0 : index
    %get3A_36 = arith.constant 0 : index
    %get3A_37 = vector.load %arg3[%get3A_34, %get3A_35, %get3A_36] : memref<4x160x16xf32, #tpu.memory_space<vmem>>, vector<4x160x16xf32>
    %get3A_38 = arith.constant 0 : index
    %get3A_39 = arith.constant 0 : index
    %get3A_40 = arith.constant 0 : index
    %get3A_41 = vector.load %arg4[%get3A_38, %get3A_39, %get3A_40] : memref<4x160x16xf32, #tpu.memory_space<vmem>>, vector<4x160x16xf32>
    %broadcast_in_dim3A_42 = vector.shape_cast %max3A_3 : vector<4x16xf32> to vector<4x1x16xf32>
    %div3A_43 = vector.broadcast %broadcast_in_dim3A_42 : vector<4x1x16xf32> to vector<4x160x16xf32>
    %div3A_44 = arith.divf %get3A_37, %div3A_43 : vector<4x160x16xf32>
    %broadcast_in_dim3A_45 = vector.shape_cast %get3A_1 : vector<4x16xf32> to vector<4x1x16xf32>
    %mul3A_46 = vector.broadcast %broadcast_in_dim3A_45 : vector<4x1x16xf32> to vector<4x160x16xf32>
    %mul3A_47 = arith.mulf %mul3A_46, %div3A_44 : vector<4x160x16xf32>
    %mul3A_48 = arith.mulf %mul3A_47, %div3A_44 : vector<4x160x16xf32>
    %sub3A_49 = arith.subf %get3A_41, %mul3A_48 : vector<4x160x16xf32>
    %broadcast_in_dim3A_50 = vector.shape_cast %max3A_8 : vector<4x16xf32> to vector<4x1x16xf32>
    %div3A_51 = vector.broadcast %broadcast_in_dim3A_50 : vector<4x1x16xf32> to vector<4x160x16xf32>
    %div3A_52 = arith.divf %sub3A_49, %div3A_51 : vector<4x160x16xf32>
    %broadcast_in_dim3A_53 = vector.shape_cast %and3A : vector<4x16xi1> to vector<4x1x16xi1>
    %jit3A_54 = arith.constant 0.000000e+00 : f32
    %broadcast_in_dim3A_55 = vector.shape_cast %broadcast_in_dim3A_53 : vector<4x1x16xi1> to vector<4x1x16xi1>
    %broadcast_in_dim3A_56 = vector.broadcast %broadcast_in_dim3A_55 : vector<4x1x16xi1> to vector<4x160x16xi1>
    %broadcast_in_dim3A_57 = vector.broadcast %jit3A_54 : f32 to vector<4x160x16xf32>
    %select_n3A_58 = arith.select %broadcast_in_dim3A_56, %div3A_52, %broadcast_in_dim3A_57 : vector<4x160x16xi1>, vector<4x160x16xf32>
    %reduce_sum3A_59 = arith.constant dense<0.000000e+00> : vector<4xf32>
    %reduce_sum3A_60 = vector.multi_reduction <add>, %select_n3A_58, %reduce_sum3A_59 [1, 2] : vector<4x160x16xf32> to vector<4xf32>
    %add3A = arith.addf %reduce_sum3A_33, %reduce_sum3A_60 : vector<4xf32>
    %ne3A_61 = arith.constant 0 : i32
    %ne3A_62 = vector.broadcast %ne3A_61 : i32 to vector<4x16xi32>
    %ne3A_63 = arith.cmpi ne, %iota3A, %ne3A_62 : vector<4x16xi32>
    %gt3A_64 = arith.constant 0.000000e+00 : f32
    %gt3A_65 = vector.broadcast %gt3A_64 : f32 to vector<4x16xf32>
    %gt3A_66 = arith.cmpf ogt, %get3A_1, %gt3A_65 : vector<4x16xf32>
    %and3A_67 = arith.andi %ne3A_63, %gt3A_66 : vector<4x16xi1>
    %convert_element_type3A = arith.extui %and3A_67 : vector<4x16xi1> to vector<4x16xi32>
    %convert_element_type3A_68 = arith.sitofp %convert_element_type3A : vector<4x16xi32> to vector<4x16xf32>
    %reduce_sum3A_69 = arith.constant dense<0.000000e+00> : vector<4xf32>
    %reduce_sum3A_70 = vector.multi_reduction <add>, %convert_element_type3A_68, %reduce_sum3A_69 [1] : vector<4x16xf32> to vector<4xf32>
    %add3A_71 = arith.constant 9.99999993E-9 : f32
    %add3A_72 = vector.broadcast %add3A_71 : f32 to vector<4xf32>
    %add3A_73 = arith.addf %reduce_sum3A_70, %add3A_72 : vector<4xf32>
    %div3A_74 = arith.divf %add3A, %add3A_73 : vector<4xf32>
    %reduce_sum3A_75 = vector.shape_cast %div3A_74 : vector<4xf32> to vector<1x4xf32>
    %reduce_sum3A_76 = arith.constant dense<0.000000e+00> : vector<1xf32>
    %reduce_sum3A_77 = vector.multi_reduction <add>, %reduce_sum3A_75, %reduce_sum3A_76 [1] : vector<1x4xf32> to vector<1xf32>
    %reduce_sum3A_78 = vector.shape_cast %reduce_sum3A_77 : vector<1xf32> to vector<1x1xf32>
    %reduce_sum3A_79 = vector.extract %reduce_sum3A_78[0, 0] : f32 from vector<1x1xf32>
    %div3A_80 = arith.constant 4.000000e+00 : f32
    %div3A_81 = arith.divf %reduce_sum3A_79, %div3A_80 : f32
    %reshape3A = vector.broadcast %div3A_81 : f32 to vector<1x1xf32>
    %swap3A = arith.constant 0 : index
    %swap3A_82 = arith.constant 0 : index
    %swap3A_83 = vector.load %arg5[%swap3A, %swap3A_82] : memref<1x1xf32, #tpu.memory_space<vmem>>, vector<1x1xf32>
    tpu.vector_store %arg5[%swap3A, %swap3A_82], %reshape3A {strides = array<i32>} : memref<1x1xf32, #tpu.memory_space<vmem>>, vector<1x1xf32>,
    return
  }
}

</mosaic_0001>

<sc_bundles>
// kernel: kernel.5.cloned.1.call-start
scs
__scs_entry_jumppad:
0x0: {  	(pc) =	sbr.rel $0x88, $3  }
0x1: {  	(tag) =	ssettag $0x0;
	lr =	simm.s32 $0x1  }
0x2: {  	[smem:$0x3F9F] =	sst lr;
	_ =	strace $0xD0000000  }
0x3: {  	_ = 	snop  }
0x4: {  	_ = 	snop  }
0x5: {  	_ = 	snop  }
0x6: {  	_ = 	snop  }
0x7: {  	_ = 	snop  }
__scs_overlays_trampoline_lowered:
0x8: {  	[smem:$0x3FAE] =	sst s0  }
0x9: {  	[smem:$0x3FAF] =	sst s1  }
0xa: {  	[smem:$0x3FB0] =	sst s2  }
0xb: {  	[smem:$0x3FB1] =	sst s3  }
0xc: {  	[smem:$0x3FB2] =	sst s4  }
0xd: {  	[smem:$0x3FB3] =	sst s5  }
0xe: {  	[smem:$0x3FB4] =	sst s6  }
0xf: {  	[smem:$0x3FB5] =	sst s7  }
0x10: {  	[smem:$0x3FB6] =	sst s8  }
0x11: {  	[smem:$0x3FB7] =	sst s9;
	s0 =	simm.s32 @!p0 $0x0  }
0x12: {  	s1 =	sld [smem:$0x3F9D];
	s0 =	simm.s32 @p0 $0x1  }
0x13: {  	[smem:$0x3FB8] =	sst s0;
	s0 =	simm.s32 @!p1 $0x0  }
0x14: {  	s2 =	sld [smem:$0x3F9C];
	s0 =	simm.s32 @p1 $0x1  }
0x15: {  	[smem:$0x3FB9] =	sst s0;
	s0 =	simm.s32 @!p2 $0x0  }
0x16: {  	s3 =	sld [smem:$0x3FDB];
	s0 =	simm.s32 @p2 $0x1  }
0x17: {  	s4 =	simm.s32 $0x1BF5;
	[smem:$0x3FBB] =	sst s0  }
0x18: {  	s0 =	sld [smem:$0x3F9E];
	_ =	swait.ge [sflag:s4], $0x0  }
0x19: {  	s7 =	sld [smem:$0x3F9F]  }
0x1a: {  	s8 =	sadd.s32 $0xFFFFE003, lr  }
0x1b: {  	s9 =	sadd.s32 $0xFFFFFEF7, lr;
	s5 =	simm.s32 $0xFFFFFFFF;
	p2 =	slt.u32 s8, $0xFFFFF086  }
0x1c: {  	p1 =	slt.u32 s9, $0xF7A;
	s5 =	simm.s32 @!p2 $0x0  }
0x1d: {  	s5 =	simm.s32 @p1 $0x1;
	p0 =	seq.s32 s7, s2  }
0x1e: {  	s7 =	smul.u32 @!p0 $0xF7A, s2;
	p2 =	seq.s32 @!p0 s5, $0x0  }
0x1f: {  	s9 =	smul.u32 $0xF7A, s1;
	s8 =	simm.s32 @!p0 $0x1BF5;
	p2 =	por !p2, p0  }
0x20: {  	[sflag:s8] =	ssyncset.s32 @!p0 $0xFFFFF086;
	s6 =	sadd.s32 @!p0 s3, s7;
	s7 =	simm.s32 @!p0 $0x108  }
0x21: {  	s3 =	sadd.s32 s3, s9;
	s6 =	sadd.s32 @!p0 $0x88, s6;
	s7 =	simm.s32 @p2 $0x1082  }
0x22: {  	[simem:s7], [sflag:s8] =	dma.local @!p0 [hbm:s6], $0xF7A  }
0x23: {  	s9 =	sor.u32 $0xD0000000, s2;
	s6 =	simm.s32 $0x108;
	_ =	swait.ge @!p0 [sflag:s8], $0x0  }
0x24: {  	s3 =	sadd.s32 $0x88, s3;
	s6 =	simm.s32 @!p1 $0x1082;
	[sflag:s4] =	ssyncset.s32 $0xFFFFF086  }
0x25: {  	[simem:s6], [sflag:s4] =	dma.local [hbm:s3], $0xF7A  }
0x26: {  	[smem:$0x3F9F] =	sst s1;
	(tag) =	ssettag s2;
	_ =	strace s9  }
0x27: {  	s1 =	sld [smem:$0x3FAF]  }
0x28: {  	s2 =	sld [smem:$0x3FB0]  }
0x29: {  	s4 =	sld [smem:$0x3FB2]  }
0x2a: {  	p0 =	seq.s32 s5, $0x0;
	s5 =	sld [smem:$0x3FB3]  }
0x2b: {  	s6 =	sld [smem:$0x3FB4]  }
0x2c: {  	s7 =	sld [smem:$0x3FB5]  }
0x2d: {  	s3 =	simm.s32 $0x108;
	s8 =	sld [smem:$0x3FB6]  }
0x2e: {  	s3 =	simm.s32 @!p0 $0x1082;
	s9 =	sld [smem:$0x3FB7]  }
0x2f: {  	lr =	sadd.s32 s0, s3;
	s0 =	sld [smem:$0x3FAE]  }
0x30: {  	s3 =	sld [smem:$0x3FB1]  }
0x31: {  	[smem:$0x3FBA] =	sst s10  }
0x32: {  	s10 =	sld [smem:$0x3FB8];
	_ =	sdelay $0x3  }
0x33: {  	p0 =	seq.s32 s10, $0x1;
	s10 =	sld [smem:$0x3FBA];
	_ =	sdelay $0x3  }
0x34: {  	[smem:$0x3FBA] =	sst s10  }
0x35: {  	s10 =	sld [smem:$0x3FB9];
	_ =	sdelay $0x3  }
0x36: {  	p1 =	seq.s32 s10, $0x1;
	s10 =	sld [smem:$0x3FBA];
	_ =	sdelay $0x3  }
0x37: {  	[smem:$0x3FBA] =	sst s10  }
0x38: {  	s10 =	sld [smem:$0x3FBB]  }
0x39: {  	_ = 	snop;
	(pc) =	sbr.ind lr, $3  }
0x3a: {  	_ = 	snop  }
0x3b: {  	_ = 	snop  }
0x3c: {  	p2 =	seq.s32 s10, $0x1;
	s10 =	sld [smem:$0x3FBA]  }
0x3d: {  	_ =	shalt  }
0x3e: {  	_ =	shalt  }
0x3f: {  	_ =	shalt  }
0x40: {  	_ =	shalt  }
0x41: {  	_ =	shalt  }
0x42: {  	_ =	shalt  }
0x43: {  	_ =	shalt  }
0x44: {  	_ =	shalt  }
0x45: {  	_ =	shalt  }
0x46: {  	_ =	shalt  }
0x47: {  	_ =	shalt  }
0x48: {  	_ =	shalt  }
0x49: {  	_ =	shalt  }
0x4a: {  	_ =	shalt  }
0x4b: {  	_ =	shalt  }
0x4c: {  	_ =	shalt  }
0x4d: {  	_ =	shalt  }
0x4e: {  	_ =	shalt  }
0x4f: {  	_ =	shalt  }
0x50: {  	_ =	shalt  }
0x51: {  	_ =	shalt  }
0x52: {  	_ =	shalt  }
0x53: {  	_ =	shalt  }
0x54: {  	_ =	shalt  }
0x55: {  	_ =	shalt  }
0x56: {  	_ =	shalt  }
0x57: {  	_ =	shalt  }
0x58: {  	_ =	shalt  }
0x59: {  	_ =	shalt  }
0x5a: {  	_ =	shalt  }
0x5b: {  	_ =	shalt  }
0x5c: {  	_ =	shalt  }
0x5d: {  	_ =	shalt  }
0x5e: {  	_ =	shalt  }
0x5f: {  	_ =	shalt  }
0x60: {  	_ =	shalt  }
0x61: {  	_ =	shalt  }
0x62: {  	_ =	shalt  }
0x63: {  	_ =	shalt  }
0x64: {  	_ =	shalt  }
0x65: {  	_ =	shalt  }
0x66: {  	_ =	shalt  }
0x67: {  	_ =	shalt  }
0x68: {  	_ =	shalt  }
0x69: {  	_ =	shalt  }
0x6a: {  	_ =	shalt  }
0x6b: {  	_ =	shalt  }
0x6c: {  	_ =	shalt  }
0x6d: {  	_ =	shalt  }
0x6e: {  	_ =	shalt  }
0x6f: {  	_ =	shalt  }
0x70: {  	_ =	shalt  }
0x71: {  	_ =	shalt  }
0x72: {  	_ =	shalt  }
0x73: {  	_ =	shalt  }
0x74: {  	_ =	shalt  }
0x75: {  	_ =	shalt  }
0x76: {  	_ =	shalt  }
0x77: {  	_ =	shalt  }
0x78: {  	_ =	shalt  }
0x79: {  	_ =	shalt  }
0x7a: {  	_ =	shalt  }
0x7b: {  	_ =	shalt  }
0x7c: {  	_ =	shalt  }
0x7d: {  	_ =	shalt  }
0x7e: {  	_ =	shalt  }
0x7f: {  	_ =	shalt  }
0x80: {  	_ =	shalt  }
0x81: {  	_ =	shalt  }
0x82: {  	_ =	shalt  }
0x83: {  	_ =	shalt  }
0x84: {  	_ =	shalt  }
0x85: {  	_ =	shalt  }
0x86: {  	_ =	shalt  }
0x87: {  	_ =	shalt  }
.Lfunc_end0:
.L_simem_size_0:
called_computation_lowered:
.L_overlay_start_0:
0x88: {  	s2 =	sld [smem:$0x3FD9]  }
0x89: {  	s3 =	sld [smem:$0x3FFE];
	_ =	sdelay $0x1  }
0x8a: {  	s1 =	srdreg.scid  }
0x8b: {  	s0 =	sand.u32 $0x1, s1  }
0x8c: {  	s17 =	sshll.u32 s0, $0xA;
	s2 =	sadd.s32 s3, s2  }
0x8d: {  	s2 =	sadd.s32 s2, s17  }
0x8e: {  	[smem:$0x3FC6] =	sst s2  }
0x8f: {  	_ = 	snop  }
0x90: {  	s2 =	sld [smem:$0x3FD0];
	(tm) =	ssettm $0x1  }
0x91: {  	s18 =	sld [smem:$0x3FFB];
	_ =	sdelay $0x3  }
0x92: {  	_ =	strace s18  }
0x93: {  	s3 =	sld [smem:$0x3FFC];
	_ =	sdelay $0x3  }
0x94: {  	_ =	strace s3  }
0x95: {  	s3 =	sld [smem:$0x3FFD];
	_ =	sdelay $0x3  }
0x96: {  	_ =	strace s3  }
0x97: {  	_ =	strace $0x8FFFFFFF  }
0x98: {  	s19 =	sld [smem:$0x3FDB];
	_ =	sdelay $0x1  }
0x99: {  	s4 =	simm.s32 $_scs_section_size  }
0x9a: {  	s5 =	simm.s32 $_size__tile_overlayer_lowered;
	s6 =	simm.s32 $_tile_overlayer_lowered  }
0x9b: {  	s22 =	simm.s32 $0x1BFF;
	s21 =	sshll.u32 s6, $0x1;
	s3 =	sadd.s32 s4, s19  }
0x9c: {  	s7 =	simm.s32 $0x0;
	s20 =	sshll.u32 s5, $0x1;
	s5 =	sadd.s32 s21, s3  }
0x9d: {  	[timem:s7], [sflag:s22] =	dma.local [hbm:s5], s20  }
0x9e: {  	_ =	swait.ge [sflag:s22], s20  }
0x9f: {  	s4 =	ssub.s32 $0x0, s20;
	[sflag:s22] =	ssyncset.done $0x0  }
0xa0: {  	[sflag:s22] =	ssyncadd.s32 s4;
	_ =	sdelay $0x1  }
0xa1: {  	s23 =	simm.s32 $0x1B8B  }
0xa2: {  	_ =	swait.ge [sflag:s23], $0x1  }
0xa3: {  	[sflag:s23] =	ssyncset.done $0x0  }
0xa4: {  	s25 =	simm.s32 $0x1B8E;
	s24 =	sld [smem:$0x3FFE];
	[sflag:s23] =	ssyncadd.s32 $0xFFFFFFFF  }
0xa5: {  	s26 =	simm.s32 $execute0_lowered;
	[smem:$0x3FD2] =	sst s25  }
0xa6: {  	s5 =	sshll.u32 s26, $0x1;
	_ =	strace $0x80000046;
	[dreg:$0x1] =	wrdreg $0xFFFFFFFF  }
0xa7: {  	s28 =	simm.s32 $_size_execute0_lowered;
	s3 =	sadd.s32 s3, s5;
	[dreg:$0x0] =	wrdreg $0x0  }
0xa8: {  	s5 =	sshll.u32 s28, $0x1;
	[dreg:$0x2] =	wrdreg s3  }
0xa9: {  	[dreg:$0x3] =	wrdreg s5  }
0xaa: {  	[dreg:$0x4] =	wrdreg $0xC0  }
0xab: {  	_ =	task [dreg:s7], $0x5FFFF  }
0xac: {  	[dreg:$0x1] =	wrdreg $0xFFFFFFFF  }
0xad: {  	[dreg:$0x0] =	wrdreg $0x60  }
0xae: {  	[dreg:$0x2] =	wrdreg s24  }
0xaf: {  	[dreg:$0x3] =	wrdreg s2  }
0xb0: {  	[dreg:$0x4] =	wrdreg $0x9  }
0xb1: {  	_ =	task.clear_ibuf [dreg:s7], $0x5FFFF;
	_ =	strace $0x90000046  }
0xb2: {  	s29 =	simm.s32 $0x9;
	_ =	strace $0x80000048  }
0xb3: {  	_ =	swait.ge [sflag:s29], $0x1  }
0xb4: {  	[sflag:s29] =	ssyncadd.s32 $0xFFFFFFFF  }
0xb5: {  	_ =	strace $0x90000048  }
0xb6: {  	_ =	sfence  }
0xb7: {  	s30 =	sld [smem:$0x0];
	_ =	sdelay $0x2  }
0xb8: {  	s31 =	sshll.u32 s1, $0xD;
	s1 =	sshrl.u32 s1, $0x2  }
0xb9: {  	s3 =	sand.u32 $0x4000, s31;
	s1 =	sadd.s32 s1, s30  }
0xba: {  	s0 =	sor.u32 s3, s0;
	s1 =	sshll.u32 s1, $0x11  }
0xbb: {  	s0 =	sor.u32 s1, s0  }
0xbc: {  	s0 =	sadd.s32 $0x8F2B, s0  }
0xbd: {  	[sflag:s0] =	ssyncadd.remote.s32 $0x1  }
0xbe: {  	_ =	sfence.sel $0xFFFF  }
0xbf: {  	[dreg:$0x0] =	wrdreg $0xFFFFFFFF;
	(pc) =	sbr.abs _section_cstart, $3  }
0xc0: {  	[dreg:$0x1] =	wrdreg $0xFFFFFFFF  }
0xc1: {  	_ =	task.clear_ibuf [dreg:s7], $0x2FFFF;
	_ =	strace $0x9FFFFFFF  }
0xc2: {  	(tm) =	ssettm $0x7FFFFFFF  }
0xc3: {  	_ =	shalt  }
tec
execute0_lowered:
.L_overlay_start_1:
0x0: {  	(tag) =	ssettag $0x1  }
0x1: {  	s0 =	rddreg [dreg:$0x0]  }
0x2: {  	s1 =	srdreg.scid;
	s10 =	rddreg [dreg:$0x1]  }
0x3: {  	s15 =	stileid.u32;
	s2 =	simm.s32 $0x0;
	s6 =	simm.s32 $0x1  }
0x4: {  	s28 =	simm.s32 $0x8D00;
	s29 =	simm.s32 $0x9100;
	s1 =	sand.u32 $0x1, s1  }
0x5: {  	s30 =	simm.s32 $0x8E00;
	s31 =	simm.s32 $0x9200;
	s3 =	sshll.u32 s1, $0x4  }
0x6: {  	s7 =	sand.u32 $0x7, s15;
	[smem:$0x7FF] =	sst s2;
	s5 =	sor.u32 s15, s3  }
0x7: {  	s4 =	sadd.s32 $0x498C00, s0;
	p0 =	sne.s32 s7, $0x0;
	p1 =	seq.s32 s5, $0x0  }
0x8: {  	s11 =	sadd.s32 $0x49EE00, s0;
	s23 =	sshll.u32 s15, $0x9;
	p1 =	por !p0, !p1  }
0x9: {  	_ =	strace $0x80000047;
	s1 =	ssub.s32 $0x2, s1;
	p1 =	por !p1, !p1  }
0xa: {  	s8 =	sshrl.u32 s7, $0x1;
	s5 =	sshrl.u32 s5, $0x3;
	s6 =	simm.s32 @!p1 $0x0  }
0xb: {  	s14 =	sshll.u32 s7, $0x3;
	s8 =	smul.u32 $0x62000, s8;
	s9 =	ssub.s32 s5, s6  }
0xc: {  	s24 =	sand.u32 $0x200, s23;
	s3 =	sadd.s32 $0xC00, s0;
	s5 =	smul.u32 $0xC400, s9  }
0xd: {  	v0 =	vlaneseq.u32;
	s0 =	sadd.s32 $0x49F000, s0;
	s22 =	sshrl.u32 s1, $0x1;
	s12 =	smul.u32 $0x930000, s9  }
0xe: {  	v1 =	vmul.u32 $0x10, v0;
	s1 =	ssub.s32 s1, s22;
	s6 =	simm.s32 $0x1;
	s25 =	sshll.u32 s9, $0x6  }
0xf: {  	s26 =	sshll.u32 s9, $0x1;
	s13 =	sshrl.u32 s5, $0x3;
	s8 =	sadd.s32 s8, s12  }
0x10: {  	v2 =	vimm.f32 $0.0e+00;
	v3 =	vimm.f32 $1.000000000e+00;
	v4 =	vor.u32 $0x1, v1;
	s12 =	sand.u32 $0x1FFFFFFE, s26;
	s26 =	smax.u32 s1, $0x1;
	s1 =	simm.s32 $0x9300  }
0x11: {  	v5 =	vor.u32 $0x2, v1;
	v6 =	vor.u32 $0x3, v1;
	v7 =	vor.u32 $0x4, v1;
	s7 =	sadd.s32 s4, s13;
	s8 =	sor.u32 s24, s8;
	s13 =	sand.u32 $0x1FFFFFC0, s25  }
0x12: {  	v8 =	vor.u32 $0x5, v1;
	v9 =	vor.u32 $0x6, v1;
	v10 =	vor.u32 $0x7, v1;
	s15 =	sadd.s32 s10, s12;
	[dreg:$0xe] =	wrdreg s26;
	s26 =	simm.s32 $0x8C00  }
0x13: {  	v11 =	vor.u32 $0x8, v1;
	v12 =	vor.u32 $0x9, v1;
	v13 =	vor.u32 $0xA, v1;
	s10 =	simm.s32 $0x9000;
	[dreg:$0x3] =	wrdreg s8;
	s9 =	sshrl.u32 s8, $0x3  }
0x14: {  	v14 =	vor.u32 $0xB, v1;
	v15 =	vor.u32 $0xC, v1;
	v16 =	vor.u32 $0xD, v1;
	s13 =	sor.u32 s14, s13;
	[dreg:$0x5] =	wrdreg s15;
	s8 =	sadd.s32 s3, s9  }
0x15: {  	v17 =	vor.u32 $0xE, v1;
	v18 =	vor.u32 $0xF, v1;
	v19 =	vor.u32 $0x100, v1;
	s12 =	simm.s32 $0x3;
	s17 =	sadd.s32 s11, s13;
	[dreg:$0x4] =	wrdreg s8  }
0x16: {  	v20 =	vor.u32 $0x101, v1;
	v21 =	vor.u32 $0x102, v1;
	v22 =	vor.u32 $0x103, v1;
	s16 =	sor.u32 $0x2, s13;
	s18 =	sadd.s32 s0, s13;
	[dreg:$0x6] =	wrdreg s17  }
0x17: {  	v23 =	vor.u32 $0x104, v1;
	v24 =	vor.u32 $0x105, v1;
	v25 =	vor.u32 $0x106, v1;
	s14 =	simm.s32 $0x0;
	[dreg:$0x7] =	wrdreg s18;
	s19 =	sadd.s32 s11, s16  }
0x18: {  	v26 =	vor.u32 $0x107, v1;
	v27 =	vor.u32 $0x108, v1;
	v28 =	vor.u32 $0x109, v1;
	s21 =	sor.u32 $0x4, s13;
	s20 =	sadd.s32 s0, s16;
	[dreg:$0x8] =	wrdreg s19  }
0x19: {  	v29 =	vor.u32 $0x10A, v1;
	v30 =	vor.u32 $0x10B, v1;
	v31 =	vor.u32 $0x10C, v1;
	s22 =	sor.u32 $0x6, s13;
	s23 =	sadd.s32 s11, s21;
	[dreg:$0x9] =	wrdreg s20  }
0x1a: {  	v32 =	vor.u32 $0x10D, v1;
	v33 =	vor.u32 $0x10E, v1;
	v34 =	vor.u32 $0x10F, v1;
	s13 =	simm.s32 $0x4;
	s24 =	sadd.s32 s0, s21;
	[dreg:$0xa] =	wrdreg s23  }
0x1b: {  	v35 =	vor.u32 $0x200, v1;
	v36 =	vor.u32 $0x201, v1;
	v37 =	vor.u32 $0x202, v1;
	s25 =	sadd.s32 s11, s22;
	s0 =	sadd.s32 s0, s22;
	[dreg:$0xb] =	wrdreg s24  }
0x1c: {  	v38 =	vor.u32 $0x203, v1;
	v39 =	vor.u32 $0x204, v1;
	v40 =	vor.u32 $0x205, v1;
	s22 =	simm.s32 $0x400;
	s11 =	simm.s32 $0x9400;
	[dreg:$0xc] =	wrdreg s25  }
0x1d: {  	v41 =	vor.u32 $0x206, v1;
	v42 =	vor.u32 $0x207, v1;
	v43 =	vor.u32 $0x208, v1;
	[dreg:$0xd] =	wrdreg s0;
	s25 =	simm.s32 $0x2;
	s0 =	simm.s32 $0x8F00  }
.LBB2_1:
0x1e: {  	[tilespmem:$0x8C00] =	vst v2  }
0x1f: {  	[tilespmem:$0x8C10] =	vst v2  }
0x20: {  	[tilespmem:$0x8C20] =	vst v2  }
0x21: {  	[tilespmem:$0x8C30] =	vst v2  }
0x22: {  	[tilespmem:$0x8C40] =	vst v2  }
0x23: {  	[tilespmem:$0x8C50] =	vst v2  }
0x24: {  	[tilespmem:$0x8C60] =	vst v2  }
0x25: {  	[tilespmem:$0x8C70] =	vst v2  }
0x26: {  	[tilespmem:$0x8C80] =	vst v2  }
0x27: {  	[tilespmem:$0x8C90] =	vst v2  }
0x28: {  	[tilespmem:$0x8CA0] =	vst v2  }
0x29: {  	[tilespmem:$0x8CB0] =	vst v2  }
0x2a: {  	[tilespmem:$0x8CC0] =	vst v2  }
0x2b: {  	[tilespmem:$0x8CD0] =	vst v2  }
0x2c: {  	[tilespmem:$0x8CE0] =	vst v2  }
0x2d: {  	[dreg:$0xf] =	wrdreg s14;
	[tilespmem:$0x8CF0] =	vst v2;
	s14 =	simm.s32 $0x0  }
.LBB2_2:
0x2e: {  	p1 =	sne.s32 s14, $0xFC0  }
.Ltmp0:
0x2f: {  	_ = 	snop;
	(pc) =	sbr.rel @p1 .LBB2_2-.Ltmp0, $4  }
0x30: {  	_ = 	snop  }
0x31: {  	s15 =	sshra.s32 s14, $0x2  }
0x32: {  	[tilespmem:s15+$0x8D00] =	vst v2  }
0x33: {  	s14 =	sadd.s32 $0x40, s14;
	[tilespmem:s15+$0x9100] =	vst v2  }
0x34: {  	s14 =	simm.s32 $0x0  }
0x35: {  	s16 =	simm.s32 $0x10;
	s15 =	sadd.s32 $0x0, s7;
	s17 =	simm.s32 $0x100  }
.LBB2_4:
0x36: {  	[tilespmem:s14], [sflag:$0x1] =	stream.linear.gather [hbm4b:s15+s2], $0x80, $0x38;
	[tilespmem:$0x9580] =	vst v63  }
0x37: {  	s15 =	smov.u32 s16;
	s14 =	smov.u32 s17;
	p1 =	sne.s32 s16, $0x1B0  }
.Ltmp1:
0x38: {  	s16 =	sadd.s32 $0x10, s16;
	(pc) =	sbr.rel @p1 .LBB2_4-.Ltmp1, $2  }
0x39: {  	_ =	sdelay $0x2  }
0x3a: {  	s17 =	sadd.s32 $0x100, s17;
	s15 =	sadd.s32 s15, s7  }
0x3b: {  	[tilespmem:s14], [sflag:$0x1] =	stream.linear.gather [hbm4b:s15+s2], $0x80, $0x38;
	[tilespmem:$0x9580] =	vst v63  }
0x3c: {  	s8 =	rddreg [dreg:$0x4]  }
0x3d: {  	s23 =	simm.s32 $0x200;
	s24 =	simm.s32 $0x1C00;
	s17 =	simm.s32 $0x0  }
0x3e: {  	[tilespmem:s24], [sflag:$0x2] =	stream.strided.gather [hbm4b:s8+s23], $0x3800, s22, s23, $0x38;
	[tilespmem:$0x9580] =	vst v63  }
.LBB2_6:
0x3f: {  	s14 =	smul.u32 $0x1C00, s17;
	_ =	sdelay $0x1  }
0x40: {  	s14 =	sadd.s32 $0xE00, s14  }
0x41: {  	s15 =	sadd.s32 s5, s14  }
0x42: {  	s15 =	sshrl.u32 s15, $0x3  }
0x43: {  	s18 =	simm.s32 $0x80;
	s16 =	sadd.s32 s4, s15  }
0x44: {  	s19 =	simm.s32 $0x10;
	s20 =	simm.s32 $0x180;
	s15 =	sadd.s32 $0x0, s16  }
.LBB2_7:
0x45: {  	[tilespmem:s18], [sflag:$0x3] =	stream.linear.gather [hbm4b:s15+s2], $0x80, $0x38;
	[tilespmem:$0x9580] =	vst v63  }
0x46: {  	s15 =	smov.u32 s19;
	s18 =	smov.u32 s20;
	p1 =	sne.s32 s19, $0x1B0  }
.Ltmp2:
0x47: {  	s19 =	sadd.s32 $0x10, s19;
	(pc) =	sbr.rel @p1 .LBB2_7-.Ltmp2, $2  }
0x48: {  	_ =	sdelay $0x2  }
0x49: {  	s20 =	sadd.s32 $0x100, s20;
	s15 =	sadd.s32 s15, s16  }
0x4a: {  	[tilespmem:s18], [sflag:$0x3] =	stream.linear.gather [hbm4b:s15+s2], $0x80, $0x38;
	[tilespmem:$0x9580] =	vst v63  }
0x4b: {  	s14 =	sadd.s32 s14, s9  }
0x4c: {  	s14 =	sand.u32 $0x1FFFFE40, s14  }
0x4d: {  	s8 =	simm.s32 $0x200;
	s16 =	simm.s32 $0x5400;
	s14 =	sadd.s32 s3, s14  }
0x4e: {  	[tilespmem:s16], [sflag:$0x4] =	stream.strided.gather [hbm4b:s14+s8], $0x3800, s22, s8, $0x38;
	[tilespmem:$0x9580] =	vst v63  }
0x4f: {  	_ =	swait.ge [sflag:s6], $0xE00  }
0x50: {  	[sflag:s6] =	ssyncset.done $0x0  }
0x51: {  	[sflag:s6] =	ssyncadd.s32 $0xFFFFF200  }
0x52: {  	s18 =	simm.s32 $0x0;
	s19 =	simm.s32 $0x0;
	_ =	swait.ge [sflag:s25], $0x3800  }
0x53: {  	s15 =	sand.u32 $0x3FFFFF00, s19;
	s14 =	sand.u32 $0x60, s18;
	[sflag:s25] =	ssyncset.done $0x0  }
0x54: {  	s16 =	sor.u32 s14, s15;
	s20 =	sor.u32 $0x10, s14;
	[sflag:s25] =	ssyncadd.s32 $0xFFFFC800  }
0x55: {  	s15 =	sor.u32 s20, s15;
	v44 =	vld [tilespmem:s16+$0x0]  }
0x56: {  	v45 =	vld [tilespmem:s15+$0x0];
	_ =	sdelay $0x3  }
0x57: {  	v44 =	vshll.u32 v44, $0x4  }
0x58: {  	v45 =	vshll.u32 v45, $0x4;
	v46 =	vor.u32 v0, v44  }
0x59: {  	v44 =	vor.u32 v0, v45;
	_ =	sdelay $0x1  }
0x5a: {  	s21 =	simm.s32 $0x0  }
0x5b: {  	s15 =	sand.u32 $0x3FFFFE00, s21  }
0x5c: {  	s15 =	sadd.s32 $0x1C00, s15;
	[tilespmem:v46+s26+$0x0] =	vst.idx.add.f32.msk $0xffff, v3  }
0x5d: {  	s14 =	sor.u32 s14, s15;
	[tilespmem:v44+s26+$0x0] =	vst.idx.add.f32.msk $0xffff, v3  }
0x5e: {  	v57 =	vld [tilespmem:s14+$0x0];
	_ =	sdelay $0x1  }
0x5f: {  	v47 =	vld [tilespmem:s14+$0x80];
	_ =	sdelay $0x1  }
0x60: {  	v48 =	vld [tilespmem:s14+$0x100]  }
0x61: {  	v49 =	vld [tilespmem:s14+$0x180];
	v50 =	vmul.f32 v57, v57  }
0x62: {  	[tilespmem:v46+s28+$0x0] =	vst.idx.add.f32.msk $0xffff, v57  }
0x63: {  	v58 =	vmul.f32 v47, v47;
	[tilespmem:v46+s29+$0x0] =	vst.idx.add.f32.msk $0xffff, v50  }
0x64: {  	[tilespmem:v46+s30+$0x0] =	vst.idx.add.f32.msk $0xffff, v47  }
0x65: {  	v59 =	vmul.f32 v48, v48;
	[tilespmem:v46+s31+$0x0] =	vst.idx.add.f32.msk $0xffff, v58  }
0x66: {  	[tilespmem:v46+s0+$0x0] =	vst.idx.add.f32.msk $0xffff, v48  }
0x67: {  	v60 =	vmul.f32 v49, v49;
	[tilespmem:v46+s1+$0x0] =	vst.idx.add.f32.msk $0xffff, v59  }
0x68: {  	[tilespmem:v46+s10+$0x0] =	vst.idx.add.f32.msk $0xffff, v49  }
0x69: {  	s23 =	sor.u32 s20, s15;
	[tilespmem:v46+s11+$0x0] =	vst.idx.add.f32.msk $0xffff, v60  }
0x6a: {  	v45 =	vld [tilespmem:s23+$0x0];
	_ =	sdelay $0x1  }
0x6b: {  	v46 =	vld [tilespmem:s23+$0x80];
	_ =	sdelay $0x1  }
0x6c: {  	v47 =	vld [tilespmem:s23+$0x100]  }
0x6d: {  	v48 =	vld [tilespmem:s23+$0x180];
	v61 =	vmul.f32 v45, v45  }
0x6e: {  	[tilespmem:v44+s28+$0x0] =	vst.idx.add.f32.msk $0xffff, v45  }
0x6f: {  	v62 =	vmul.f32 v46, v46;
	[tilespmem:v44+s29+$0x0] =	vst.idx.add.f32.msk $0xffff, v61  }
0x70: {  	[tilespmem:v44+s30+$0x0] =	vst.idx.add.f32.msk $0xffff, v46  }
0x71: {  	v63 =	vmul.f32 v47, v47;
	[tilespmem:v44+s31+$0x0] =	vst.idx.add.f32.msk $0xffff, v62  }
0x72: {  	[tilespmem:v44+s0+$0x0] =	vst.idx.add.f32.msk $0xffff, v47  }
0x73: {  	s24 =	simm.s32 $0x40;
	s19 =	simm.s32 $0x20;
	s18 =	simm.s32 $0x1;
	[tilespmem:v44+s1+$0x0] =	vst.idx.add.f32.msk $0xffff, v63  }
0x74: {  	s16 =	sand.u32 $0x3FFFFF00, s24;
	s14 =	sand.u32 $0x60, s19;
	s23 =	simm.s32 $0x2;
	v45 =	vmul.f32 v48, v48;
	[tilespmem:v44+s10+$0x0] =	vst.idx.add.f32.msk $0xffff, v48  }
.LBB2_9:
0x75: {  	s15 =	sor.u32 s14, s16  }
0x76: {  	s8 =	sor.u32 $0x10, s14;
	[tilespmem:v44+s11+$0x0] =	vst.idx.add.f32.msk $0xffff, v45;
	s24 =	smov.u32 s23;
	s20 =	sadd.s32 $0x1, s23  }
0x77: {  	p1 =	sne.s32 s23, $0x6F;
	v44 =	vld [tilespmem:s15+$0x0];
	s15 =	sor.u32 s8, s16  }
0x78: {  	v45 =	vld [tilespmem:s15+$0x0];
	_ =	sdelay $0x3  }
0x79: {  	v44 =	vshll.u32 v44, $0x4  }
0x7a: {  	v45 =	vshll.u32 v45, $0x4;
	v46 =	vor.u32 v0, v44  }
0x7b: {  	v44 =	vor.u32 v0, v45;
	_ =	sdelay $0x1  }
0x7c: {  	s15 =	sshll.u32 s18, $0x7;
	s18 =	smov.u32 s24  }
0x7d: {  	s15 =	sand.u32 $0x3FFFFE00, s15  }
0x7e: {  	s15 =	sadd.s32 $0x1C00, s15;
	[tilespmem:v46+s26+$0x0] =	vst.idx.add.f32.msk $0xffff, v3  }
0x7f: {  	s14 =	sor.u32 s14, s15;
	[tilespmem:v44+s26+$0x0] =	vst.idx.add.f32.msk $0xffff, v3  }
0x80: {  	v45 =	vld [tilespmem:s14+$0x0];
	_ =	sdelay $0x1  }
0x81: {  	v47 =	vld [tilespmem:s14+$0x80];
	_ =	sdelay $0x1  }
0x82: {  	v48 =	vld [tilespmem:s14+$0x100]  }
0x83: {  	v49 =	vld [tilespmem:s14+$0x180];
	v50 =	vmul.f32 v45, v45  }
0x84: {  	[tilespmem:v46+s28+$0x0] =	vst.idx.add.f32.msk $0xffff, v45  }
0x85: {  	[tilespmem:v46+s29+$0x0] =	vst.idx.add.f32.msk $0xffff, v50;
	v45 =	vmul.f32 v47, v47  }
0x86: {  	[tilespmem:v46+s30+$0x0] =	vst.idx.add.f32.msk $0xffff, v47  }
0x87: {  	[tilespmem:v46+s31+$0x0] =	vst.idx.add.f32.msk $0xffff, v45;
	v45 =	vmul.f32 v48, v48  }
0x88: {  	[tilespmem:v46+s0+$0x0] =	vst.idx.add.f32.msk $0xffff, v48  }
0x89: {  	[tilespmem:v46+s1+$0x0] =	vst.idx.add.f32.msk $0xffff, v45;
	v45 =	vmul.f32 v49, v49  }
0x8a: {  	[tilespmem:v46+s10+$0x0] =	vst.idx.add.f32.msk $0xffff, v49  }
0x8b: {  	s8 =	sor.u32 s8, s15;
	[tilespmem:v46+s11+$0x0] =	vst.idx.add.f32.msk $0xffff, v45  }
0x8c: {  	v45 =	vld [tilespmem:s8+$0x0]  }
0x8d: {  	v46 =	vld [tilespmem:s8+$0x80]  }
0x8e: {  	v47 =	vld [tilespmem:s8+$0x100]  }
0x8f: {  	v48 =	vld [tilespmem:s8+$0x180];
	_ =	sdelay $0x1  }
0x90: {  	[tilespmem:v44+s28+$0x0] =	vst.idx.add.f32.msk $0xffff, v45;
	v45 =	vmul.f32 v45, v45;
	_ =	sdelay $0x1  }
0x91: {  	[tilespmem:v44+s29+$0x0] =	vst.idx.add.f32.msk $0xffff, v45;
	v45 =	vmul.f32 v46, v46  }
.Ltmp3:
0x92: {  	[tilespmem:v44+s30+$0x0] =	vst.idx.add.f32.msk $0xffff, v46;
	(pc) =	sbr.rel @p1 .LBB2_9-.Ltmp3, $4  }
0x93: {  	[tilespmem:v44+s31+$0x0] =	vst.idx.add.f32.msk $0xffff, v45;
	v45 =	vmul.f32 v47, v47  }
0x94: {  	[tilespmem:v44+s0+$0x0] =	vst.idx.add.f32.msk $0xffff, v47  }
0x95: {  	s19 =	sadd.s32 $0x20, s19;
	s8 =	sshll.u32 s18, $0x6;
	[tilespmem:v44+s1+$0x0] =	vst.idx.add.f32.msk $0xffff, v45;
	v45 =	vmul.f32 v48, v48  }
0x96: {  	s23 =	smov.u32 s20;
	s14 =	sand.u32 $0x60, s19;
	s16 =	sand.u32 $0x3FFFFF00, s8;
	[tilespmem:v44+s10+$0x0] =	vst.idx.add.f32.msk $0xffff, v48  }
0x97: {  	_ =	sdelay $0x3  }
0x98: {  	s8 =	sor.u32 s14, s16;
	s15 =	sor.u32 $0x10, s14;
	[tilespmem:v44+s11+$0x0] =	vst.idx.add.f32.msk $0xffff, v45  }
0x99: {  	v44 =	vld [tilespmem:s8+$0x0];
	s21 =	sor.u32 s15, s16  }
0x9a: {  	v45 =	vld [tilespmem:s21+$0x0];
	_ =	sdelay $0x3  }
0x9b: {  	v44 =	vshll.u32 v44, $0x4  }
0x9c: {  	v45 =	vshll.u32 v45, $0x4;
	v44 =	vor.u32 v0, v44  }
0x9d: {  	v45 =	vor.u32 v0, v45;
	_ =	sdelay $0x1  }
0x9e: {  	s23 =	sshll.u32 s18, $0x7  }
0x9f: {  	s8 =	sand.u32 $0x3FFFFE00, s23  }
0xa0: {  	s8 =	sadd.s32 $0x1C00, s8;
	[tilespmem:v44+s26+$0x0] =	vst.idx.add.f32.msk $0xffff, v3  }
0xa1: {  	s24 =	sor.u32 s14, s8;
	[tilespmem:v45+s26+$0x0] =	vst.idx.add.f32.msk $0xffff, v3  }
0xa2: {  	v46 =	vld [tilespmem:s24+$0x0];
	_ =	sdelay $0x1  }
0xa3: {  	v47 =	vld [tilespmem:s24+$0x80];
	_ =	sdelay $0x1  }
0xa4: {  	v48 =	vld [tilespmem:s24+$0x100]  }
0xa5: {  	v49 =	vld [tilespmem:s24+$0x180];
	v50 =	vmul.f32 v46, v46  }
0xa6: {  	[tilespmem:v44+s28+$0x0] =	vst.idx.add.f32.msk $0xffff, v46  }
0xa7: {  	v57 =	vmul.f32 v47, v47;
	[tilespmem:v44+s29+$0x0] =	vst.idx.add.f32.msk $0xffff, v50  }
0xa8: {  	[tilespmem:v44+s30+$0x0] =	vst.idx.add.f32.msk $0xffff, v47  }
0xa9: {  	v58 =	vmul.f32 v48, v48;
	[tilespmem:v44+s31+$0x0] =	vst.idx.add.f32.msk $0xffff, v57  }
0xaa: {  	[tilespmem:v44+s0+$0x0] =	vst.idx.add.f32.msk $0xffff, v48  }
0xab: {  	v59 =	vmul.f32 v49, v49;
	[tilespmem:v44+s1+$0x0] =	vst.idx.add.f32.msk $0xffff, v58  }
0xac: {  	[tilespmem:v44+s10+$0x0] =	vst.idx.add.f32.msk $0xffff, v49  }
0xad: {  	s8 =	sor.u32 s15, s8;
	[tilespmem:v44+s11+$0x0] =	vst.idx.add.f32.msk $0xffff, v59  }
0xae: {  	v44 =	vld [tilespmem:s8+$0x0];
	_ =	sdelay $0x1  }
0xaf: {  	v46 =	vld [tilespmem:s8+$0x80];
	_ =	sdelay $0x1  }
0xb0: {  	v47 =	vld [tilespmem:s8+$0x100]  }
0xb1: {  	v48 =	vld [tilespmem:s8+$0x180];
	v60 =	vmul.f32 v44, v44  }
0xb2: {  	[tilespmem:v45+s28+$0x0] =	vst.idx.add.f32.msk $0xffff, v44  }
0xb3: {  	v61 =	vmul.f32 v46, v46;
	[tilespmem:v45+s29+$0x0] =	vst.idx.add.f32.msk $0xffff, v60  }
0xb4: {  	p1 =	seq.s32 s17, $0x6;
	[tilespmem:v45+s30+$0x0] =	vst.idx.add.f32.msk $0xffff, v46  }
.Ltmp4:
0xb5: {  	v62 =	vmul.f32 v47, v47;
	[tilespmem:v45+s31+$0x0] =	vst.idx.add.f32.msk $0xffff, v61;
	(pc) =	sbr.rel @p1 .LBB2_14-.Ltmp4, $4  }
0xb6: {  	[tilespmem:v45+s0+$0x0] =	vst.idx.add.f32.msk $0xffff, v47  }
0xb7: {  	v63 =	vmul.f32 v48, v48;
	[tilespmem:v45+s1+$0x0] =	vst.idx.add.f32.msk $0xffff, v62  }
0xb8: {  	[tilespmem:v45+s10+$0x0] =	vst.idx.add.f32.msk $0xffff, v48  }
0xb9: {  	[tilespmem:v45+s11+$0x0] =	vst.idx.add.f32.msk $0xffff, v63  }
0xba: {  	s8 =	sshll.u32 s17, $0x1  }
0xbb: {  	s14 =	sadd.s32 $0x2, s8  }
0xbc: {  	s8 =	smul.u32 $0xE00, s14;
	_ =	sdelay $0x1  }
0xbd: {  	s8 =	sadd.s32 s5, s8  }
0xbe: {  	s8 =	sshrl.u32 s8, $0x3  }
0xbf: {  	s18 =	simm.s32 $0x0;
	s16 =	sadd.s32 s4, s8  }
0xc0: {  	s19 =	simm.s32 $0x10;
	s20 =	simm.s32 $0x100;
	s15 =	sadd.s32 $0x0, s16  }
.LBB2_12:
0xc1: {  	[tilespmem:s18], [sflag:$0x1] =	stream.linear.gather [hbm4b:s15+s2], $0x80, $0x38;
	[tilespmem:$0x9580] =	vst v63  }
0xc2: {  	s8 =	smov.u32 s19;
	s18 =	smov.u32 s20;
	p1 =	sne.s32 s19, $0x1B0  }
.Ltmp5:
0xc3: {  	s19 =	sadd.s32 $0x10, s19;
	(pc) =	sbr.rel @p1 .LBB2_12-.Ltmp5, $2  }
0xc4: {  	_ =	sdelay $0x2  }
0xc5: {  	s20 =	sadd.s32 $0x100, s20;
	s15 =	sadd.s32 s8, s16  }
0xc6: {  	s8 =	smul.u32 $0x7000, s14  }
0xc7: {  	[tilespmem:s18], [sflag:$0x1] =	stream.linear.gather [hbm4b:s15+s2], $0x80, $0x38;
	[tilespmem:$0x9580] =	vst v63  }
0xc8: {  	s21 =	rddreg [dreg:$0x3]  }
0xc9: {  	s8 =	sadd.s32 s21, s8  }
0xca: {  	s8 =	sshrl.u32 s8, $0x3  }
0xcb: {  	s23 =	simm.s32 $0x200;
	s24 =	simm.s32 $0x1C00;
	s8 =	sadd.s32 s3, s8  }
0xcc: {  	[tilespmem:s24], [sflag:$0x2] =	stream.strided.gather [hbm4b:s8+s23], $0x3800, s22, s23, $0x38;
	[tilespmem:$0x9580] =	vst v63  }
.LBB2_14:
0xcd: {  	_ =	swait.ge [sflag:s12], $0xE00  }
0xce: {  	[sflag:s12] =	ssyncset.done $0x0  }
0xcf: {  	[sflag:s12] =	ssyncadd.s32 $0xFFFFF200  }
0xd0: {  	s8 =	simm.s32 $0x0;
	s14 =	simm.s32 $0x0;
	_ =	swait.ge [sflag:s13], $0x3800  }
0xd1: {  	s8 =	sand.u32 $0x60, s8;
	s14 =	sand.u32 $0x3FFFFF00, s14;
	[sflag:s13] =	ssyncset.done $0x0  }
0xd2: {  	s15 =	sor.u32 s8, s14;
	s16 =	sor.u32 $0x10, s8;
	[sflag:s13] =	ssyncadd.s32 $0xFFFFC800  }
0xd3: {  	s14 =	sor.u32 s16, s14;
	v44 =	vld [tilespmem:s15+$0x80]  }
0xd4: {  	v45 =	vld [tilespmem:s14+$0x80];
	_ =	sdelay $0x3  }
0xd5: {  	v44 =	vshll.u32 v44, $0x4  }
0xd6: {  	v45 =	vshll.u32 v45, $0x4;
	v46 =	vor.u32 v0, v44  }
0xd7: {  	v44 =	vor.u32 v0, v45;
	_ =	sdelay $0x1  }
0xd8: {  	s20 =	simm.s32 $0x0  }
0xd9: {  	s14 =	sand.u32 $0x3FFFFE00, s20  }
0xda: {  	s21 =	sadd.s32 $0x5400, s14;
	[tilespmem:v46+s26+$0x0] =	vst.idx.add.f32.msk $0xffff, v3  }
0xdb: {  	s18 =	sor.u32 s8, s21;
	[tilespmem:v44+s26+$0x0] =	vst.idx.add.f32.msk $0xffff, v3  }
0xdc: {  	s23 =	sadd.s32 $0x5480, s14;
	v57 =	vld [tilespmem:s18+$0x0]  }
0xdd: {  	s19 =	sor.u32 s8, s23  }
0xde: {  	s24 =	sadd.s32 $0x5500, s14;
	v47 =	vld [tilespmem:s19+$0x0]  }
0xdf: {  	s14 =	sadd.s32 $0x5580, s14;
	s20 =	sor.u32 s8, s24  }
0xe0: {  	s8 =	sor.u32 s8, s14;
	v48 =	vld [tilespmem:s20+$0x0]  }
0xe1: {  	v49 =	vld [tilespmem:s8+$0x0];
	v50 =	vmul.f32 v57, v57  }
0xe2: {  	[tilespmem:v46+s28+$0x0] =	vst.idx.add.f32.msk $0xffff, v57  }
0xe3: {  	v58 =	vmul.f32 v47, v47;
	[tilespmem:v46+s29+$0x0] =	vst.idx.add.f32.msk $0xffff, v50  }
0xe4: {  	[tilespmem:v46+s30+$0x0] =	vst.idx.add.f32.msk $0xffff, v47  }
0xe5: {  	v59 =	vmul.f32 v48, v48;
	[tilespmem:v46+s31+$0x0] =	vst.idx.add.f32.msk $0xffff, v58  }
0xe6: {  	[tilespmem:v46+s0+$0x0] =	vst.idx.add.f32.msk $0xffff, v48  }
0xe7: {  	v60 =	vmul.f32 v49, v49;
	[tilespmem:v46+s1+$0x0] =	vst.idx.add.f32.msk $0xffff, v59  }
0xe8: {  	[tilespmem:v46+s10+$0x0] =	vst.idx.add.f32.msk $0xffff, v49  }
0xe9: {  	s20 =	sor.u32 s16, s21;
	[tilespmem:v46+s11+$0x0] =	vst.idx.add.f32.msk $0xffff, v60  }
0xea: {  	v45 =	vld [tilespmem:s20+$0x0]  }
0xeb: {  	s21 =	sor.u32 s16, s23  }
0xec: {  	v46 =	vld [tilespmem:s21+$0x0]  }
0xed: {  	s23 =	sor.u32 s16, s24  }
0xee: {  	s14 =	sor.u32 s16, s14;
	v47 =	vld [tilespmem:s23+$0x0]  }
0xef: {  	v48 =	vld [tilespmem:s14+$0x0];
	v61 =	vmul.f32 v45, v45  }
0xf0: {  	[tilespmem:v44+s28+$0x0] =	vst.idx.add.f32.msk $0xffff, v45  }
0xf1: {  	v62 =	vmul.f32 v46, v46;
	[tilespmem:v44+s29+$0x0] =	vst.idx.add.f32.msk $0xffff, v61  }
0xf2: {  	[tilespmem:v44+s30+$0x0] =	vst.idx.add.f32.msk $0xffff, v46  }
0xf3: {  	v63 =	vmul.f32 v47, v47;
	[tilespmem:v44+s31+$0x0] =	vst.idx.add.f32.msk $0xffff, v62  }
0xf4: {  	[tilespmem:v44+s0+$0x0] =	vst.idx.add.f32.msk $0xffff, v47  }
0xf5: {  	s18 =	simm.s32 $0x1;
	s24 =	simm.s32 $0x40;
	s19 =	simm.s32 $0x20;
	[tilespmem:v44+s1+$0x0] =	vst.idx.add.f32.msk $0xffff, v63  }
0xf6: {  	s20 =	simm.s32 $0x2;
	s14 =	sand.u32 $0x60, s19;
	s23 =	sand.u32 $0x3FFFFF00, s24;
	v45 =	vmul.f32 v48, v48;
	[tilespmem:v44+s10+$0x0] =	vst.idx.add.f32.msk $0xffff, v48  }
.LBB2_15:
0xf7: {  	s8 =	sor.u32 s14, s23  }
0xf8: {  	s16 =	sor.u32 $0x10, s14;
	[tilespmem:v44+s11+$0x0] =	vst.idx.add.f32.msk $0xffff, v45;
	s24 =	smov.u32 s20;
	s15 =	sadd.s32 $0x1, s20  }
0xf9: {  	p1 =	sne.s32 s20, $0x6F;
	v44 =	vld [tilespmem:s8+$0x80];
	s8 =	sor.u32 s16, s23  }
0xfa: {  	v45 =	vld [tilespmem:s8+$0x80];
	_ =	sdelay $0x3  }
0xfb: {  	v44 =	vshll.u32 v44, $0x4  }
0xfc: {  	v45 =	vshll.u32 v45, $0x4;
	v46 =	vor.u32 v0, v44  }
0xfd: {  	v44 =	vor.u32 v0, v45;
	_ =	sdelay $0x1  }
0xfe: {  	s8 =	sshll.u32 s18, $0x7;
	s18 =	smov.u32 s24  }
0xff: {  	s8 =	sand.u32 $0x3FFFFE00, s8  }
0x100: {  	s20 =	sadd.s32 $0x5400, s8;
	[tilespmem:v46+s26+$0x0] =	vst.idx.add.f32.msk $0xffff, v3  }
0x101: {  	s23 =	sor.u32 s14, s20;
	s20 =	sor.u32 s16, s20;
	[tilespmem:v44+s26+$0x0] =	vst.idx.add.f32.msk $0xffff, v3  }
0x102: {  	v45 =	vld [tilespmem:s23+$0x0];
	s23 =	sadd.s32 $0x5480, s8  }
0x103: {  	s24 =	sor.u32 s14, s23  }
0x104: {  	v47 =	vld [tilespmem:s24+$0x0];
	s24 =	sadd.s32 $0x5500, s8  }
0x105: {  	s8 =	sadd.s32 $0x5580, s8;
	s21 =	sor.u32 s14, s24  }
0x106: {  	s14 =	sor.u32 s14, s8;
	s8 =	sor.u32 s16, s8;
	v48 =	vld [tilespmem:s21+$0x0]  }
0x107: {  	v49 =	vld [tilespmem:s14+$0x0];
	v50 =	vmul.f32 v45, v45  }
0x108: {  	[tilespmem:v46+s28+$0x0] =	vst.idx.add.f32.msk $0xffff, v45  }
0x109: {  	[tilespmem:v46+s29+$0x0] =	vst.idx.add.f32.msk $0xffff, v50;
	v45 =	vmul.f32 v47, v47  }
0x10a: {  	[tilespmem:v46+s30+$0x0] =	vst.idx.add.f32.msk $0xffff, v47  }
0x10b: {  	[tilespmem:v46+s31+$0x0] =	vst.idx.add.f32.msk $0xffff, v45;
	v45 =	vmul.f32 v48, v48  }
0x10c: {  	[tilespmem:v46+s0+$0x0] =	vst.idx.add.f32.msk $0xffff, v48  }
0x10d: {  	[tilespmem:v46+s1+$0x0] =	vst.idx.add.f32.msk $0xffff, v45;
	v45 =	vmul.f32 v49, v49  }
0x10e: {  	[tilespmem:v46+s10+$0x0] =	vst.idx.add.f32.msk $0xffff, v49  }
0x10f: {  	[tilespmem:v46+s11+$0x0] =	vst.idx.add.f32.msk $0xffff, v45  }
0x110: {  	s14 =	sor.u32 s16, s23;
	v45 =	vld [tilespmem:s20+$0x0]  }
0x111: {  	v46 =	vld [tilespmem:s14+$0x0];
	s14 =	sor.u32 s16, s24  }
0x112: {  	v47 =	vld [tilespmem:s14+$0x0]  }
0x113: {  	v48 =	vld [tilespmem:s8+$0x0];
	_ =	sdelay $0x1  }
0x114: {  	[tilespmem:v44+s28+$0x0] =	vst.idx.add.f32.msk $0xffff, v45;
	v45 =	vmul.f32 v45, v45;
	_ =	sdelay $0x1  }
0x115: {  	[tilespmem:v44+s29+$0x0] =	vst.idx.add.f32.msk $0xffff, v45;
	v45 =	vmul.f32 v46, v46  }
.Ltmp6:
0x116: {  	[tilespmem:v44+s30+$0x0] =	vst.idx.add.f32.msk $0xffff, v46;
	(pc) =	sbr.rel @p1 .LBB2_15-.Ltmp6, $4  }
0x117: {  	[tilespmem:v44+s31+$0x0] =	vst.idx.add.f32.msk $0xffff, v45;
	v45 =	vmul.f32 v47, v47  }
0x118: {  	[tilespmem:v44+s0+$0x0] =	vst.idx.add.f32.msk $0xffff, v47  }
0x119: {  	s19 =	sadd.s32 $0x20, s19;
	s8 =	sshll.u32 s18, $0x6;
	[tilespmem:v44+s1+$0x0] =	vst.idx.add.f32.msk $0xffff, v45;
	v45 =	vmul.f32 v48, v48  }
0x11a: {  	s20 =	smov.u32 s15;
	s14 =	sand.u32 $0x60, s19;
	s23 =	sand.u32 $0x3FFFFF00, s8;
	[tilespmem:v44+s10+$0x0] =	vst.idx.add.f32.msk $0xffff, v48  }
0x11b: {  	_ =	sdelay $0x3  }
0x11c: {  	s8 =	sor.u32 s14, s23;
	s15 =	sor.u32 $0x10, s14;
	[tilespmem:v44+s11+$0x0] =	vst.idx.add.f32.msk $0xffff, v45  }
0x11d: {  	v44 =	vld [tilespmem:s8+$0x80];
	s19 =	sor.u32 s15, s23  }
0x11e: {  	v45 =	vld [tilespmem:s19+$0x80];
	_ =	sdelay $0x3  }
0x11f: {  	v44 =	vshll.u32 v44, $0x4  }
0x120: {  	v45 =	vshll.u32 v45, $0x4;
	v44 =	vor.u32 v0, v44  }
0x121: {  	v45 =	vor.u32 v0, v45;
	_ =	sdelay $0x1  }
0x122: {  	s20 =	sshll.u32 s18, $0x7  }
0x123: {  	s8 =	sand.u32 $0x3FFFFE00, s20  }
0x124: {  	s16 =	sadd.s32 $0x5400, s8;
	[tilespmem:v44+s26+$0x0] =	vst.idx.add.f32.msk $0xffff, v3  }
0x125: {  	s21 =	sor.u32 s14, s16;
	[tilespmem:v45+s26+$0x0] =	vst.idx.add.f32.msk $0xffff, v3  }
0x126: {  	s23 =	sadd.s32 $0x5480, s8;
	v46 =	vld [tilespmem:s21+$0x0]  }
0x127: {  	s19 =	sor.u32 s14, s23  }
0x128: {  	s24 =	sadd.s32 $0x5500, s8;
	v47 =	vld [tilespmem:s19+$0x0]  }
0x129: {  	s8 =	sadd.s32 $0x5580, s8;
	s20 =	sor.u32 s14, s24  }
0x12a: {  	v48 =	vld [tilespmem:s20+$0x0];
	s20 =	sor.u32 s14, s8  }
0x12b: {  	v49 =	vld [tilespmem:s20+$0x0];
	v50 =	vmul.f32 v46, v46  }
0x12c: {  	[tilespmem:v44+s28+$0x0] =	vst.idx.add.f32.msk $0xffff, v46  }
0x12d: {  	v57 =	vmul.f32 v47, v47;
	[tilespmem:v44+s29+$0x0] =	vst.idx.add.f32.msk $0xffff, v50  }
0x12e: {  	[tilespmem:v44+s30+$0x0] =	vst.idx.add.f32.msk $0xffff, v47  }
0x12f: {  	v58 =	vmul.f32 v48, v48;
	[tilespmem:v44+s31+$0x0] =	vst.idx.add.f32.msk $0xffff, v57  }
0x130: {  	[tilespmem:v44+s0+$0x0] =	vst.idx.add.f32.msk $0xffff, v48  }
0x131: {  	v59 =	vmul.f32 v49, v49;
	[tilespmem:v44+s1+$0x0] =	vst.idx.add.f32.msk $0xffff, v58  }
0x132: {  	[tilespmem:v44+s10+$0x0] =	vst.idx.add.f32.msk $0xffff, v49  }
0x133: {  	s21 =	sor.u32 s15, s16;
	[tilespmem:v44+s11+$0x0] =	vst.idx.add.f32.msk $0xffff, v59  }
0x134: {  	v44 =	vld [tilespmem:s21+$0x0]  }
0x135: {  	s23 =	sor.u32 s15, s23  }
0x136: {  	v46 =	vld [tilespmem:s23+$0x0]  }
0x137: {  	s24 =	sor.u32 s15, s24  }
0x138: {  	s8 =	sor.u32 s15, s8;
	v47 =	vld [tilespmem:s24+$0x0]  }
0x139: {  	v48 =	vld [tilespmem:s8+$0x0];
	v60 =	vmul.f32 v44, v44  }
0x13a: {  	[tilespmem:v45+s28+$0x0] =	vst.idx.add.f32.msk $0xffff, v44  }
0x13b: {  	s17 =	sadd.s32 $0x1, s17;
	v61 =	vmul.f32 v46, v46;
	[tilespmem:v45+s29+$0x0] =	vst.idx.add.f32.msk $0xffff, v60  }
0x13c: {  	p1 =	sne.s32 s17, $0x7;
	[tilespmem:v45+s30+$0x0] =	vst.idx.add.f32.msk $0xffff, v46  }
.Ltmp7:
0x13d: {  	v62 =	vmul.f32 v47, v47;
	[tilespmem:v45+s31+$0x0] =	vst.idx.add.f32.msk $0xffff, v61;
	(pc) =	sbr.rel @p1 .LBB2_6-.Ltmp7, $4  }
0x13e: {  	[tilespmem:v45+s0+$0x0] =	vst.idx.add.f32.msk $0xffff, v47  }
0x13f: {  	v63 =	vmul.f32 v48, v48;
	[tilespmem:v45+s1+$0x0] =	vst.idx.add.f32.msk $0xffff, v62  }
0x140: {  	[tilespmem:v45+s10+$0x0] =	vst.idx.add.f32.msk $0xffff, v48  }
0x141: {  	[tilespmem:v45+s11+$0x0] =	vst.idx.add.f32.msk $0xffff, v63  }
0x142: {  	v44 =	vlaneseq.u32 @!p0  }
0x143: {  	v44 =	vmul.u32 @!p0 $0x10, v44;
	_ =	sdelay $0x2  }
0x144: {  	v45 =	vor.u32 @!p0 $0x1, v44;
	_ =	sdelay $0x1  }
0x145: {  	s8 =	simm.s32 @!p0 $0x8C00;
	v46 =	vor.u32 @!p0 $0x2, v44  }
0x146: {  	v47 =	vld.idx.msk @!p0 [tilespmem:v44+s8+$0x0], $0xffff  }
0x147: {  	v48 =	vor.u32 @!p0 $0x3, v44  }
0x148: {  	v45 =	vld.idx.msk @!p0 [tilespmem:v45+s8+$0x0], $0xffff  }
0x149: {  	v49 =	vor.u32 @!p0 $0x4, v44  }
0x14a: {  	v46 =	vld.idx.msk @!p0 [tilespmem:v46+s8+$0x0], $0xffff  }
0x14b: {  	v50 =	vor.u32 @!p0 $0x5, v44;
	v47 =	vadd.f32 @!p0 $0.0e+00, v47  }
0x14c: {  	v48 =	vld.idx.msk @!p0 [tilespmem:v48+s8+$0x0], $0xffff  }
0x14d: {  	v45 =	vadd.f32 @!p0 v45, v47;
	v47 =	vor.u32 @!p0 $0x6, v44  }
0x14e: {  	v49 =	vld.idx.msk @!p0 [tilespmem:v49+s8+$0x0], $0xffff  }
0x14f: {  	v45 =	vadd.f32 @!p0 v46, v45;
	v46 =	vor.u32 @!p0 $0x7, v44  }
0x150: {  	v50 =	vld.idx.msk @!p0 [tilespmem:v50+s8+$0x0], $0xffff  }
0x151: {  	v45 =	vadd.f32 @!p0 v48, v45;
	v48 =	vor.u32 @!p0 $0x8, v44  }
0x152: {  	v47 =	vld.idx.msk @!p0 [tilespmem:v47+s8+$0x0], $0xffff  }
0x153: {  	v45 =	vadd.f32 @!p0 v49, v45;
	v49 =	vor.u32 @!p0 $0x9, v44  }
0x154: {  	v46 =	vld.idx.msk @!p0 [tilespmem:v46+s8+$0x0], $0xffff  }
0x155: {  	v45 =	vadd.f32 @!p0 v50, v45;
	v50 =	vor.u32 @!p0 $0xA, v44  }
0x156: {  	v48 =	vld.idx.msk @!p0 [tilespmem:v48+s8+$0x0], $0xffff  }
0x157: {  	v45 =	vadd.f32 @!p0 v47, v45;
	v47 =	vor.u32 @!p0 $0xB, v44  }
0x158: {  	v49 =	vld.idx.msk @!p0 [tilespmem:v49+s8+$0x0], $0xffff  }
0x159: {  	v45 =	vadd.f32 @!p0 v46, v45;
	v46 =	vor.u32 @!p0 $0xC, v44  }
0x15a: {  	v50 =	vld.idx.msk @!p0 [tilespmem:v50+s8+$0x0], $0xffff  }
0x15b: {  	v45 =	vadd.f32 @!p0 v48, v45;
	v48 =	vor.u32 @!p0 $0xD, v44  }
0x15c: {  	v47 =	vld.idx.msk @!p0 [tilespmem:v47+s8+$0x0], $0xffff  }
0x15d: {  	v45 =	vadd.f32 @!p0 v49, v45;
	v49 =	vor.u32 @!p0 $0xE, v44  }
0x15e: {  	v46 =	vld.idx.msk @!p0 [tilespmem:v46+s8+$0x0], $0xffff  }
0x15f: {  	v44 =	vor.u32 @!p0 $0xF, v44;
	v45 =	vadd.f32 @!p0 v50, v45  }
0x160: {  	v48 =	vld.idx.msk @!p0 [tilespmem:v48+s8+$0x0], $0xffff  }
0x161: {  	v45 =	vadd.f32 @!p0 v47, v45  }
0x162: {  	v47 =	vld.idx.msk @!p0 [tilespmem:v49+s8+$0x0], $0xffff  }
0x163: {  	v45 =	vadd.f32 @!p0 v46, v45  }
0x164: {  	v44 =	vld.idx.msk @!p0 [tilespmem:v44+s8+$0x0], $0xffff  }
0x165: {  	v45 =	vadd.f32 @!p0 v48, v45;
	_ =	sdelay $0x1  }
0x166: {  	v45 =	vadd.f32 @!p0 v47, v45;
	_ =	sdelay $0x1  }
0x167: {  	v44 =	vadd.f32 @!p0 v44, v45;
	_ =	sdelay $0x1  }
0x168: {  	s14 =	simm.s32 @!p0 $0x9500;
	s15 =	rddreg [dreg:$0x5];
	s8 =	simm.s32 @!p0 $0x0;
	[tilespmem:$0x9500] =	vst @!p0 v44  }
0x169: {  	[hbm4b:s15+s8] =	stream.linear.scatter @!p0 [tilespmem:s14], [sflag:$0x5], $0x10, $0x38;
	[tilespmem:$0x9580] =	vst v63  }
0x16a: {  	s8 =	simm.s32 @!p0 $0x5  }
0x16b: {  	_ =	swait.ge @!p0 [sflag:s8], $0x10  }
0x16c: {  	[sflag:s8] =	ssyncset.done @!p0 $0x0  }
0x16d: {  	[sflag:s8] =	ssyncadd.s32 @!p0 $0xFFFFFFF0  }
0x16e: {  	v50 =	vld.idx.msk [tilespmem:v1+s28+$0x0], $0xffff;
	_ =	sdelay $0x1  }
0x16f: {  	v51 =	vld.idx.msk [tilespmem:v4+s28+$0x0], $0xffff;
	_ =	sdelay $0x1  }
0x170: {  	v52 =	vld.idx.msk [tilespmem:v5+s28+$0x0], $0xffff  }
0x171: {  	v44 =	vadd.f32 $0.0e+00, v50  }
0x172: {  	v53 =	vld.idx.msk [tilespmem:v6+s28+$0x0], $0xffff  }
0x173: {  	v44 =	vadd.f32 v51, v44  }
0x174: {  	v54 =	vld.idx.msk [tilespmem:v7+s28+$0x0], $0xffff  }
0x175: {  	v44 =	vadd.f32 v52, v44  }
0x176: {  	v55 =	vld.idx.msk [tilespmem:v8+s28+$0x0], $0xffff  }
0x177: {  	v44 =	vadd.f32 v53, v44  }
0x178: {  	v56 =	vld.idx.msk [tilespmem:v9+s28+$0x0], $0xffff  }
0x179: {  	v44 =	vadd.f32 v54, v44  }
0x17a: {  	v57 =	vld.idx.msk [tilespmem:v10+s28+$0x0], $0xffff  }
0x17b: {  	v44 =	vadd.f32 v55, v44  }
0x17c: {  	v58 =	vld.idx.msk [tilespmem:v11+s28+$0x0], $0xffff  }
0x17d: {  	v44 =	vadd.f32 v56, v44  }
0x17e: {  	v59 =	vld.idx.msk [tilespmem:v12+s28+$0x0], $0xffff  }
0x17f: {  	v44 =	vadd.f32 v57, v44  }
0x180: {  	v60 =	vld.idx.msk [tilespmem:v13+s28+$0x0], $0xffff  }
0x181: {  	v44 =	vadd.f32 v58, v44  }
0x182: {  	v61 =	vld.idx.msk [tilespmem:v14+s28+$0x0], $0xffff  }
0x183: {  	v44 =	vadd.f32 v59, v44  }
0x184: {  	v62 =	vld.idx.msk [tilespmem:v15+s28+$0x0], $0xffff  }
0x185: {  	v44 =	vadd.f32 v60, v44  }
0x186: {  	v63 =	vld.idx.msk [tilespmem:v16+s28+$0x0], $0xffff  }
0x187: {  	v44 =	vadd.f32 v61, v44  }
0x188: {  	v48 =	vld.idx.msk [tilespmem:v17+s28+$0x0], $0xffff  }
0x189: {  	v44 =	vadd.f32 v62, v44  }
0x18a: {  	v49 =	vld.idx.msk [tilespmem:v18+s28+$0x0], $0xffff  }
0x18b: {  	v44 =	vadd.f32 v63, v44;
	_ =	sdelay $0x1  }
0x18c: {  	v44 =	vadd.f32 v48, v44;
	_ =	sdelay $0x1  }
0x18d: {  	v44 =	vadd.f32 v49, v44;
	_ =	sdelay $0x1  }
0x18e: {  	s23 =	simm.s32 $0x9500;
	s15 =	simm.s32 $0x5;
	s21 =	rddreg [dreg:$0x6];
	[tilespmem:$0x9500] =	vst v44  }
0x18f: {  	[hbm4b:s21+s2] =	stream.linear.scatter [tilespmem:s23], [sflag:$0x5], $0x10, $0x38;
	[tilespmem:$0x9580] =	vst v63  }
0x190: {  	_ =	swait.ge [sflag:s15], $0x10  }
0x191: {  	[sflag:s15] =	ssyncset.done $0x0  }
0x192: {  	[sflag:s15] =	ssyncadd.s32 $0xFFFFFFF0  }
0x193: {  	v50 =	vld.idx.msk [tilespmem:v1+s29+$0x0], $0xffff;
	_ =	sdelay $0x1  }
0x194: {  	v51 =	vld.idx.msk [tilespmem:v4+s29+$0x0], $0xffff;
	_ =	sdelay $0x1  }
0x195: {  	v52 =	vld.idx.msk [tilespmem:v5+s29+$0x0], $0xffff  }
0x196: {  	v44 =	vadd.f32 $0.0e+00, v50  }
0x197: {  	v53 =	vld.idx.msk [tilespmem:v6+s29+$0x0], $0xffff  }
0x198: {  	v44 =	vadd.f32 v51, v44  }
0x199: {  	v54 =	vld.idx.msk [tilespmem:v7+s29+$0x0], $0xffff  }
0x19a: {  	v44 =	vadd.f32 v52, v44  }
0x19b: {  	v55 =	vld.idx.msk [tilespmem:v8+s29+$0x0], $0xffff  }
0x19c: {  	v44 =	vadd.f32 v53, v44  }
0x19d: {  	v56 =	vld.idx.msk [tilespmem:v9+s29+$0x0], $0xffff  }
0x19e: {  	v44 =	vadd.f32 v54, v44  }
0x19f: {  	v57 =	vld.idx.msk [tilespmem:v10+s29+$0x0], $0xffff  }
0x1a0: {  	v44 =	vadd.f32 v55, v44  }
0x1a1: {  	v58 =	vld.idx.msk [tilespmem:v11+s29+$0x0], $0xffff  }
0x1a2: {  	v44 =	vadd.f32 v56, v44  }
0x1a3: {  	v59 =	vld.idx.msk [tilespmem:v12+s29+$0x0], $0xffff  }
0x1a4: {  	v44 =	vadd.f32 v57, v44  }
0x1a5: {  	v60 =	vld.idx.msk [tilespmem:v13+s29+$0x0], $0xffff  }
0x1a6: {  	v44 =	vadd.f32 v58, v44  }
0x1a7: {  	v61 =	vld.idx.msk [tilespmem:v14+s29+$0x0], $0xffff  }
0x1a8: {  	v44 =	vadd.f32 v59, v44  }
0x1a9: {  	v62 =	vld.idx.msk [tilespmem:v15+s29+$0x0], $0xffff  }
0x1aa: {  	v44 =	vadd.f32 v60, v44  }
0x1ab: {  	v63 =	vld.idx.msk [tilespmem:v16+s29+$0x0], $0xffff  }
0x1ac: {  	v44 =	vadd.f32 v61, v44  }
0x1ad: {  	v48 =	vld.idx.msk [tilespmem:v17+s29+$0x0], $0xffff  }
0x1ae: {  	v44 =	vadd.f32 v62, v44  }
0x1af: {  	v49 =	vld.idx.msk [tilespmem:v18+s29+$0x0], $0xffff  }
0x1b0: {  	v44 =	vadd.f32 v63, v44;
	_ =	sdelay $0x1  }
0x1b1: {  	v44 =	vadd.f32 v48, v44;
	_ =	sdelay $0x1  }
0x1b2: {  	v44 =	vadd.f32 v49, v44;
	_ =	sdelay $0x1  }
0x1b3: {  	s24 =	rddreg [dreg:$0x7];
	[tilespmem:$0x9500] =	vst v44  }
0x1b4: {  	[hbm4b:s24+s2] =	stream.linear.scatter [tilespmem:s23], [sflag:$0x5], $0x10, $0x38;
	[tilespmem:$0x9580] =	vst v63  }
0x1b5: {  	_ =	swait.ge [sflag:s15], $0x10  }
0x1b6: {  	[sflag:s15] =	ssyncset.done $0x0  }
0x1b7: {  	[sflag:s15] =	ssyncadd.s32 $0xFFFFFFF0  }
0x1b8: {  	v50 =	vld.idx.msk [tilespmem:v19+s28+$0x0], $0xffff;
	_ =	sdelay $0x1  }
0x1b9: {  	v51 =	vld.idx.msk [tilespmem:v20+s28+$0x0], $0xffff;
	_ =	sdelay $0x1  }
0x1ba: {  	v52 =	vld.idx.msk [tilespmem:v21+s28+$0x0], $0xffff  }
0x1bb: {  	v44 =	vadd.f32 $0.0e+00, v50  }
0x1bc: {  	v53 =	vld.idx.msk [tilespmem:v22+s28+$0x0], $0xffff  }
0x1bd: {  	v44 =	vadd.f32 v51, v44  }
0x1be: {  	v54 =	vld.idx.msk [tilespmem:v23+s28+$0x0], $0xffff  }
0x1bf: {  	v44 =	vadd.f32 v52, v44  }
0x1c0: {  	v55 =	vld.idx.msk [tilespmem:v24+s28+$0x0], $0xffff  }
0x1c1: {  	v44 =	vadd.f32 v53, v44  }
0x1c2: {  	v56 =	vld.idx.msk [tilespmem:v25+s28+$0x0], $0xffff  }
0x1c3: {  	v44 =	vadd.f32 v54, v44  }
0x1c4: {  	v57 =	vld.idx.msk [tilespmem:v26+s28+$0x0], $0xffff  }
0x1c5: {  	v44 =	vadd.f32 v55, v44  }
0x1c6: {  	v58 =	vld.idx.msk [tilespmem:v27+s28+$0x0], $0xffff  }
0x1c7: {  	v44 =	vadd.f32 v56, v44  }
0x1c8: {  	v59 =	vld.idx.msk [tilespmem:v28+s28+$0x0], $0xffff  }
0x1c9: {  	v44 =	vadd.f32 v57, v44  }
0x1ca: {  	v60 =	vld.idx.msk [tilespmem:v29+s28+$0x0], $0xffff  }
0x1cb: {  	v44 =	vadd.f32 v58, v44  }
0x1cc: {  	v61 =	vld.idx.msk [tilespmem:v30+s28+$0x0], $0xffff  }
0x1cd: {  	v44 =	vadd.f32 v59, v44  }
0x1ce: {  	v62 =	vld.idx.msk [tilespmem:v31+s28+$0x0], $0xffff  }
0x1cf: {  	v44 =	vadd.f32 v60, v44  }
0x1d0: {  	v63 =	vld.idx.msk [tilespmem:v32+s28+$0x0], $0xffff  }
0x1d1: {  	v44 =	vadd.f32 v61, v44  }
0x1d2: {  	v48 =	vld.idx.msk [tilespmem:v33+s28+$0x0], $0xffff  }
0x1d3: {  	v44 =	vadd.f32 v62, v44  }
0x1d4: {  	v49 =	vld.idx.msk [tilespmem:v34+s28+$0x0], $0xffff  }
0x1d5: {  	v44 =	vadd.f32 v63, v44;
	_ =	sdelay $0x1  }
0x1d6: {  	v44 =	vadd.f32 v48, v44;
	_ =	sdelay $0x1  }
0x1d7: {  	v44 =	vadd.f32 v49, v44;
	_ =	sdelay $0x1  }
0x1d8: {  	s16 =	rddreg [dreg:$0x8];
	[tilespmem:$0x9500] =	vst v44  }
0x1d9: {  	[hbm4b:s16+s2] =	stream.linear.scatter [tilespmem:s23], [sflag:$0x5], $0x10, $0x38;
	[tilespmem:$0x9580] =	vst v63  }
0x1da: {  	_ =	swait.ge [sflag:s15], $0x10  }
0x1db: {  	[sflag:s15] =	ssyncset.done $0x0  }
0x1dc: {  	[sflag:s15] =	ssyncadd.s32 $0xFFFFFFF0  }
0x1dd: {  	v50 =	vld.idx.msk [tilespmem:v19+s29+$0x0], $0xffff;
	_ =	sdelay $0x1  }
0x1de: {  	v51 =	vld.idx.msk [tilespmem:v20+s29+$0x0], $0xffff;
	_ =	sdelay $0x1  }
0x1df: {  	v52 =	vld.idx.msk [tilespmem:v21+s29+$0x0], $0xffff  }
0x1e0: {  	v44 =	vadd.f32 $0.0e+00, v50  }
0x1e1: {  	v53 =	vld.idx.msk [tilespmem:v22+s29+$0x0], $0xffff  }
0x1e2: {  	v44 =	vadd.f32 v51, v44  }
0x1e3: {  	v54 =	vld.idx.msk [tilespmem:v23+s29+$0x0], $0xffff  }
0x1e4: {  	v44 =	vadd.f32 v52, v44  }
0x1e5: {  	v55 =	vld.idx.msk [tilespmem:v24+s29+$0x0], $0xffff  }
0x1e6: {  	v44 =	vadd.f32 v53, v44  }
0x1e7: {  	v56 =	vld.idx.msk [tilespmem:v25+s29+$0x0], $0xffff  }
0x1e8: {  	v44 =	vadd.f32 v54, v44  }
0x1e9: {  	v57 =	vld.idx.msk [tilespmem:v26+s29+$0x0], $0xffff  }
0x1ea: {  	v44 =	vadd.f32 v55, v44  }
0x1eb: {  	v58 =	vld.idx.msk [tilespmem:v27+s29+$0x0], $0xffff  }
0x1ec: {  	v44 =	vadd.f32 v56, v44  }
0x1ed: {  	v59 =	vld.idx.msk [tilespmem:v28+s29+$0x0], $0xffff  }
0x1ee: {  	v44 =	vadd.f32 v57, v44  }
0x1ef: {  	v60 =	vld.idx.msk [tilespmem:v29+s29+$0x0], $0xffff  }
0x1f0: {  	v44 =	vadd.f32 v58, v44  }
0x1f1: {  	v61 =	vld.idx.msk [tilespmem:v30+s29+$0x0], $0xffff  }
0x1f2: {  	v44 =	vadd.f32 v59, v44  }
0x1f3: {  	v62 =	vld.idx.msk [tilespmem:v31+s29+$0x0], $0xffff  }
0x1f4: {  	v44 =	vadd.f32 v60, v44  }
0x1f5: {  	v63 =	vld.idx.msk [tilespmem:v32+s29+$0x0], $0xffff  }
0x1f6: {  	v44 =	vadd.f32 v61, v44  }
0x1f7: {  	v48 =	vld.idx.msk [tilespmem:v33+s29+$0x0], $0xffff  }
0x1f8: {  	v44 =	vadd.f32 v62, v44  }
0x1f9: {  	v49 =	vld.idx.msk [tilespmem:v34+s29+$0x0], $0xffff  }
0x1fa: {  	v44 =	vadd.f32 v63, v44;
	_ =	sdelay $0x1  }
0x1fb: {  	v44 =	vadd.f32 v48, v44;
	_ =	sdelay $0x1  }
0x1fc: {  	v44 =	vadd.f32 v49, v44;
	_ =	sdelay $0x1  }
0x1fd: {  	s17 =	rddreg [dreg:$0x9];
	[tilespmem:$0x9500] =	vst v44  }
0x1fe: {  	[hbm4b:s17+s2] =	stream.linear.scatter [tilespmem:s23], [sflag:$0x5], $0x10, $0x38;
	[tilespmem:$0x9580] =	vst v63  }
0x1ff: {  	_ =	swait.ge [sflag:s15], $0x10  }
0x200: {  	[sflag:s15] =	ssyncset.done $0x0  }
0x201: {  	[sflag:s15] =	ssyncadd.s32 $0xFFFFFFF0  }
0x202: {  	v50 =	vld.idx.msk [tilespmem:v35+s28+$0x0], $0xffff;
	_ =	sdelay $0x1  }
0x203: {  	v51 =	vld.idx.msk [tilespmem:v36+s28+$0x0], $0xffff;
	_ =	sdelay $0x1  }
0x204: {  	v52 =	vld.idx.msk [tilespmem:v37+s28+$0x0], $0xffff  }
0x205: {  	v44 =	vadd.f32 $0.0e+00, v50  }
0x206: {  	v53 =	vld.idx.msk [tilespmem:v38+s28+$0x0], $0xffff  }
0x207: {  	v44 =	vadd.f32 v51, v44  }
0x208: {  	v54 =	vld.idx.msk [tilespmem:v39+s28+$0x0], $0xffff  }
0x209: {  	v44 =	vadd.f32 v52, v44  }
0x20a: {  	v55 =	vld.idx.msk [tilespmem:v40+s28+$0x0], $0xffff  }
0x20b: {  	v44 =	vadd.f32 v53, v44  }
0x20c: {  	v56 =	vld.idx.msk [tilespmem:v41+s28+$0x0], $0xffff  }
0x20d: {  	v45 =	vor.u32 $0x209, v1;
	v44 =	vadd.f32 v54, v44  }
0x20e: {  	v57 =	vld.idx.msk [tilespmem:v42+s28+$0x0], $0xffff  }
0x20f: {  	v46 =	vor.u32 $0x20A, v1;
	v44 =	vadd.f32 v55, v44  }
0x210: {  	v58 =	vld.idx.msk [tilespmem:v43+s28+$0x0], $0xffff  }
0x211: {  	v47 =	vor.u32 $0x20B, v1;
	v44 =	vadd.f32 v56, v44  }
0x212: {  	v59 =	vld.idx.msk [tilespmem:v45+s28+$0x0], $0xffff  }
0x213: {  	v48 =	vor.u32 $0x20C, v1;
	v44 =	vadd.f32 v57, v44  }
0x214: {  	v51 =	vld.idx.msk [tilespmem:v46+s28+$0x0], $0xffff  }
0x215: {  	v49 =	vor.u32 $0x20D, v1;
	v44 =	vadd.f32 v58, v44  }
0x216: {  	v52 =	vld.idx.msk [tilespmem:v47+s28+$0x0], $0xffff  }
0x217: {  	v50 =	vor.u32 $0x20E, v1;
	v44 =	vadd.f32 v59, v44  }
0x218: {  	v53 =	vld.idx.msk [tilespmem:v48+s28+$0x0], $0xffff  }
0x219: {  	v44 =	vadd.f32 v51, v44;
	v51 =	vor.u32 $0x20F, v1  }
0x21a: {  	v54 =	vld.idx.msk [tilespmem:v49+s28+$0x0], $0xffff  }
0x21b: {  	v44 =	vadd.f32 v52, v44  }
0x21c: {  	v60 =	vld.idx.msk [tilespmem:v50+s28+$0x0], $0xffff  }
0x21d: {  	v44 =	vadd.f32 v53, v44  }
0x21e: {  	v61 =	vld.idx.msk [tilespmem:v51+s28+$0x0], $0xffff  }
0x21f: {  	v44 =	vadd.f32 v54, v44;
	_ =	sdelay $0x1  }
0x220: {  	v44 =	vadd.f32 v60, v44;
	_ =	sdelay $0x1  }
0x221: {  	v44 =	vadd.f32 v61, v44;
	_ =	sdelay $0x1  }
0x222: {  	s18 =	rddreg [dreg:$0xa];
	[tilespmem:$0x9500] =	vst v44  }
0x223: {  	[hbm4b:s18+s2] =	stream.linear.scatter [tilespmem:s23], [sflag:$0x5], $0x10, $0x38;
	[tilespmem:$0x9580] =	vst v63  }
0x224: {  	_ =	swait.ge [sflag:s15], $0x10  }
0x225: {  	[sflag:s15] =	ssyncset.done $0x0  }
0x226: {  	[sflag:s15] =	ssyncadd.s32 $0xFFFFFFF0  }
0x227: {  	v62 =	vld.idx.msk [tilespmem:v35+s29+$0x0], $0xffff;
	_ =	sdelay $0x1  }
0x228: {  	v63 =	vld.idx.msk [tilespmem:v36+s29+$0x0], $0xffff;
	_ =	sdelay $0x1  }
0x229: {  	v57 =	vld.idx.msk [tilespmem:v37+s29+$0x0], $0xffff  }
0x22a: {  	v44 =	vadd.f32 $0.0e+00, v62  }
0x22b: {  	v58 =	vld.idx.msk [tilespmem:v38+s29+$0x0], $0xffff  }
0x22c: {  	v44 =	vadd.f32 v63, v44  }
0x22d: {  	v59 =	vld.idx.msk [tilespmem:v39+s29+$0x0], $0xffff  }
0x22e: {  	v44 =	vadd.f32 v57, v44  }
0x22f: {  	v60 =	vld.idx.msk [tilespmem:v40+s29+$0x0], $0xffff  }
0x230: {  	v44 =	vadd.f32 v58, v44  }
0x231: {  	v61 =	vld.idx.msk [tilespmem:v41+s29+$0x0], $0xffff  }
0x232: {  	v44 =	vadd.f32 v59, v44  }
0x233: {  	v62 =	vld.idx.msk [tilespmem:v42+s29+$0x0], $0xffff  }
0x234: {  	v44 =	vadd.f32 v60, v44  }
0x235: {  	v63 =	vld.idx.msk [tilespmem:v43+s29+$0x0], $0xffff  }
0x236: {  	v44 =	vadd.f32 v61, v44  }
0x237: {  	v45 =	vld.idx.msk [tilespmem:v45+s29+$0x0], $0xffff  }
0x238: {  	v44 =	vadd.f32 v62, v44  }
0x239: {  	v46 =	vld.idx.msk [tilespmem:v46+s29+$0x0], $0xffff  }
0x23a: {  	v44 =	vadd.f32 v63, v44  }
0x23b: {  	v47 =	vld.idx.msk [tilespmem:v47+s29+$0x0], $0xffff  }
0x23c: {  	v44 =	vadd.f32 v45, v44  }
0x23d: {  	v53 =	vld.idx.msk [tilespmem:v48+s29+$0x0], $0xffff  }
0x23e: {  	v44 =	vadd.f32 v46, v44  }
0x23f: {  	v54 =	vld.idx.msk [tilespmem:v49+s29+$0x0], $0xffff  }
0x240: {  	v44 =	vadd.f32 v47, v44  }
0x241: {  	v55 =	vld.idx.msk [tilespmem:v50+s29+$0x0], $0xffff  }
0x242: {  	v44 =	vadd.f32 v53, v44  }
0x243: {  	v56 =	vld.idx.msk [tilespmem:v51+s29+$0x0], $0xffff  }
0x244: {  	v44 =	vadd.f32 v54, v44;
	_ =	sdelay $0x1  }
0x245: {  	v44 =	vadd.f32 v55, v44;
	_ =	sdelay $0x1  }
0x246: {  	v44 =	vadd.f32 v56, v44;
	_ =	sdelay $0x1  }
0x247: {  	s19 =	rddreg [dreg:$0xb];
	[tilespmem:$0x9500] =	vst v44;
	v44 =	vor.u32 $0x300, v1  }
0x248: {  	[hbm4b:s19+s2] =	stream.linear.scatter [tilespmem:s23], [sflag:$0x5], $0x10, $0x38;
	[tilespmem:$0x9580] =	vst v63  }
0x249: {  	v45 =	vor.u32 $0x301, v1;
	_ =	swait.ge [sflag:s15], $0x10  }
0x24a: {  	[sflag:s15] =	ssyncset.done $0x0  }
0x24b: {  	v46 =	vor.u32 $0x302, v1;
	[sflag:s15] =	ssyncadd.s32 $0xFFFFFFF0  }
0x24c: {  	v57 =	vld.idx.msk [tilespmem:v44+s28+$0x0], $0xffff  }
0x24d: {  	v48 =	vor.u32 $0x303, v1  }
0x24e: {  	v58 =	vld.idx.msk [tilespmem:v45+s28+$0x0], $0xffff  }
0x24f: {  	v50 =	vor.u32 $0x304, v1  }
0x250: {  	v59 =	vld.idx.msk [tilespmem:v46+s28+$0x0], $0xffff  }
0x251: {  	v52 =	vor.u32 $0x305, v1;
	v47 =	vadd.f32 $0.0e+00, v57  }
0x252: {  	v60 =	vld.idx.msk [tilespmem:v48+s28+$0x0], $0xffff  }
0x253: {  	v49 =	vor.u32 $0x306, v1;
	v47 =	vadd.f32 v58, v47  }
0x254: {  	v61 =	vld.idx.msk [tilespmem:v50+s28+$0x0], $0xffff  }
0x255: {  	v51 =	vor.u32 $0x307, v1;
	v47 =	vadd.f32 v59, v47  }
0x256: {  	v55 =	vld.idx.msk [tilespmem:v52+s28+$0x0], $0xffff  }
0x257: {  	v53 =	vor.u32 $0x308, v1;
	v47 =	vadd.f32 v60, v47  }
0x258: {  	v56 =	vld.idx.msk [tilespmem:v49+s28+$0x0], $0xffff  }
0x259: {  	v54 =	vor.u32 $0x309, v1;
	v47 =	vadd.f32 v61, v47  }
0x25a: {  	v57 =	vld.idx.msk [tilespmem:v51+s28+$0x0], $0xffff  }
0x25b: {  	v47 =	vadd.f32 v55, v47;
	v55 =	vor.u32 $0x30A, v1  }
0x25c: {  	v58 =	vld.idx.msk [tilespmem:v53+s28+$0x0], $0xffff  }
0x25d: {  	v47 =	vadd.f32 v56, v47;
	v56 =	vor.u32 $0x30B, v1  }
0x25e: {  	v59 =	vld.idx.msk [tilespmem:v54+s28+$0x0], $0xffff  }
0x25f: {  	v47 =	vadd.f32 v57, v47;
	v57 =	vor.u32 $0x30C, v1  }
0x260: {  	v60 =	vld.idx.msk [tilespmem:v55+s28+$0x0], $0xffff  }
0x261: {  	v47 =	vadd.f32 v58, v47;
	v58 =	vor.u32 $0x30D, v1  }
0x262: {  	v61 =	vld.idx.msk [tilespmem:v56+s28+$0x0], $0xffff  }
0x263: {  	v47 =	vadd.f32 v59, v47;
	v59 =	vor.u32 $0x30E, v1  }
0x264: {  	v62 =	vld.idx.msk [tilespmem:v57+s28+$0x0], $0xffff  }
0x265: {  	v47 =	vadd.f32 v60, v47;
	v60 =	vor.u32 $0x30F, v1  }
0x266: {  	v63 =	vld.idx.msk [tilespmem:v58+s28+$0x0], $0xffff  }
0x267: {  	v47 =	vadd.f32 v61, v47  }
0x268: {  	v61 =	vld.idx.msk [tilespmem:v59+s28+$0x0], $0xffff  }
0x269: {  	v47 =	vadd.f32 v62, v47  }
0x26a: {  	v62 =	vld.idx.msk [tilespmem:v60+s28+$0x0], $0xffff  }
0x26b: {  	v47 =	vadd.f32 v63, v47;
	_ =	sdelay $0x1  }
0x26c: {  	v47 =	vadd.f32 v61, v47;
	_ =	sdelay $0x1  }
0x26d: {  	v47 =	vadd.f32 v62, v47;
	_ =	sdelay $0x1  }
0x26e: {  	s20 =	rddreg [dreg:$0xc];
	[tilespmem:$0x9500] =	vst v47  }
0x26f: {  	[hbm4b:s20+s2] =	stream.linear.scatter [tilespmem:s23], [sflag:$0x5], $0x10, $0x38;
	[tilespmem:$0x9580] =	vst v63  }
0x270: {  	_ =	swait.ge [sflag:s15], $0x10  }
0x271: {  	[sflag:s15] =	ssyncset.done $0x0  }
0x272: {  	[sflag:s15] =	ssyncadd.s32 $0xFFFFFFF0  }
0x273: {  	v44 =	vld.idx.msk [tilespmem:v44+s29+$0x0], $0xffff;
	_ =	sdelay $0x1  }
0x274: {  	v45 =	vld.idx.msk [tilespmem:v45+s29+$0x0], $0xffff;
	_ =	sdelay $0x1  }
0x275: {  	v46 =	vld.idx.msk [tilespmem:v46+s29+$0x0], $0xffff  }
0x276: {  	v44 =	vadd.f32 $0.0e+00, v44  }
0x277: {  	v62 =	vld.idx.msk [tilespmem:v48+s29+$0x0], $0xffff  }
0x278: {  	v44 =	vadd.f32 v45, v44  }
0x279: {  	v63 =	vld.idx.msk [tilespmem:v50+s29+$0x0], $0xffff  }
0x27a: {  	v44 =	vadd.f32 v46, v44  }
0x27b: {  	v48 =	vld.idx.msk [tilespmem:v52+s29+$0x0], $0xffff  }
0x27c: {  	v44 =	vadd.f32 v62, v44  }
0x27d: {  	v50 =	vld.idx.msk [tilespmem:v49+s29+$0x0], $0xffff  }
0x27e: {  	v44 =	vadd.f32 v63, v44  }
0x27f: {  	v52 =	vld.idx.msk [tilespmem:v51+s29+$0x0], $0xffff  }
0x280: {  	v44 =	vadd.f32 v48, v44  }
0x281: {  	v53 =	vld.idx.msk [tilespmem:v53+s29+$0x0], $0xffff  }
0x282: {  	v44 =	vadd.f32 v50, v44  }
0x283: {  	v54 =	vld.idx.msk [tilespmem:v54+s29+$0x0], $0xffff  }
0x284: {  	v44 =	vadd.f32 v52, v44  }
0x285: {  	v55 =	vld.idx.msk [tilespmem:v55+s29+$0x0], $0xffff  }
0x286: {  	v44 =	vadd.f32 v53, v44  }
0x287: {  	v56 =	vld.idx.msk [tilespmem:v56+s29+$0x0], $0xffff  }
0x288: {  	v44 =	vadd.f32 v54, v44  }
0x289: {  	v57 =	vld.idx.msk [tilespmem:v57+s29+$0x0], $0xffff  }
0x28a: {  	v44 =	vadd.f32 v55, v44  }
0x28b: {  	v61 =	vld.idx.msk [tilespmem:v58+s29+$0x0], $0xffff  }
0x28c: {  	v44 =	vadd.f32 v56, v44  }
0x28d: {  	v62 =	vld.idx.msk [tilespmem:v59+s29+$0x0], $0xffff  }
0x28e: {  	v44 =	vadd.f32 v57, v44  }
0x28f: {  	v63 =	vld.idx.msk [tilespmem:v60+s29+$0x0], $0xffff  }
0x290: {  	v44 =	vadd.f32 v61, v44;
	_ =	sdelay $0x1  }
0x291: {  	v44 =	vadd.f32 v62, v44;
	_ =	sdelay $0x1  }
0x292: {  	v44 =	vadd.f32 v63, v44;
	_ =	sdelay $0x1  }
0x293: {  	s21 =	rddreg [dreg:$0xd];
	[tilespmem:$0x9500] =	vst v44  }
0x294: {  	[hbm4b:s21+s2] =	stream.linear.scatter [tilespmem:s23], [sflag:$0x5], $0x10, $0x38;
	[tilespmem:$0x9580] =	vst v63  }
0x295: {  	_ =	swait.ge [sflag:s15], $0x10  }
0x296: {  	s23 =	rddreg [dreg:$0xf]  }
0x297: {  	s24 =	rddreg [dreg:$0xe];
	s14 =	sadd.s32 $0x1, s23  }
0x298: {  	p1 =	sne.s32 s14, s24  }
.Ltmp8:
0x299: {  	_ = 	snop;
	(pc) =	sbr.rel @p1 .LBB2_1-.Ltmp8, $3  }
0x29a: {  	_ =	sdelay $0x1  }
0x29b: {  	[sflag:s15] =	ssyncset.done $0x0  }
0x29c: {  	[sflag:s15] =	ssyncadd.s32 $0xFFFFFFF0  }
0x29d: {  	_ =	sfence.sel $0x180000  }
0x29e: {  	[bflag:$0x0] =	sbarrier.arrive $0xFFFF  }
0x29f: {  	_ =	strace $0x90000047  }
0x2a0: {  	s0 =	stileid.u32;
	[bflag:$0x2] =	sbarrier.arrive $0xFFFF  }
0x2a1: {  	p0 =	sne.s32 s0, $0x0;
	s0 =	rddreg [dreg:$0x2]  }
0x2a2: {  	s0 =	sadd.s32 @!p0 $0x100000, s0  }
0x2a3: {  	[sflag:s0] =	ssyncadd.tile.s32 @!p0 $0x1;
	_ =	shalt  }
.Lfunc_end2:
_tile_overlayer_lowered:
.L_overlay_start_2:
0x2a4: {  	(tag) =	ssettag $0x2  }
0x2a5: {  	s0 =	rddreg [dreg:$0x0];
	s2 =	stileid.u32  }
0x2a6: {  	s1 =	rddreg [dreg:$0x1];
	p0 =	sne.s32 s2, $0x0  }
0x2a7: {  	s3 =	rddreg [dreg:$0x2];
	[bflag:$0x3] =	sbarrier.arrive $0xFFFF;
	s2 =	simm.s32 @!p0 $0x1C05  }
0x2a8: {  	[timem:s3], [sflag:s2] =	dma.local @!p0 [hbm:s0], s1  }
0x2a9: {  	s0 =	simm.s32 @!p0 $0x5  }
0x2aa: {  	_ =	swait.ge @!p0 [sflag:s0], s1  }
0x2ab: {  	s1 =	ssub.s32 @!p0 $0x0, s1;
	[sflag:s0] =	ssyncset.done @!p0 $0x0  }
0x2ac: {  	[sflag:s0] =	ssyncadd.s32 @!p0 s1  }
0x2ad: {  	[bflag:$0x3] =	sbarrier.arrive $0xFFFF  }
0x2ae: {  	_ =	shalt  }

</sc_bundles>
